<compile_context>
chip_gen: v7x
topology: tpu7x:2x2x1
jax: 0.10.2.dev20260603
libtpu: 0.0.44.dev20260713+nightly
codegen_flags: <defaults>
</compile_context>

<pallas_src>
import functools

import jax
import jax.numpy as jnp
from jax import lax
from jax.experimental import pallas as pl
from jax.experimental.pallas import tpu as pltpu
from jax.experimental.pallas import tpu_sc as plsc

N = 10000
E = 320000
D = 128

NC = 2
NS = 16
NW = NC * NS
L = 16

CH = 128
PER_W = 10240
NCHUNK = PER_W // CH
E_PAD = NW * PER_W

N_PAD = 10112
ROWS_PER_TILE = N_PAD // NS

N_DEG = 10240
DEG_PER_TILE = N_DEG // NS

RB = 632
GRID = N_PAD // RB

_mesh = plsc.VectorSubcoreMesh(core_axis_name="c", subcore_axis_name="s")



@functools.partial(
    pl.kernel,
    out_type=jax.ShapeDtypeStruct((NC, N_DEG), jnp.float32),
    mesh=_mesh,
    scratch_types=[
        pltpu.VMEM((NCHUNK, CH), jnp.int32),
        pltpu.VMEM((CH,), jnp.float32),
        pltpu.VMEM((DEG_PER_TILE,), jnp.float32),
        pltpu.VMEM_SHARED((N_DEG,), jnp.float32),
    ],
)
def _deg_kernel(dst_hbm, out_hbm, idx_v, ones_v, zbuf, acc):
    c = lax.axis_index("c")
    s = lax.axis_index("s")
    wid = c * NS + s

    one = jnp.ones((L,), jnp.float32)
    zero = jnp.zeros((L,), jnp.float32)
    for k in range(CH // L):
        ones_v[pl.ds(k * L, L)] = one

    def zrow(i, _):
        zbuf[pl.ds(i * L, L)] = zero
        return 0

    lax.fori_loop(0, DEG_PER_TILE // L, zrow, 0)
    pltpu.sync_copy(zbuf, acc.at[pl.ds(s * DEG_PER_TILE, DEG_PER_TILE)])
    plsc.subcore_barrier()

    pltpu.sync_copy(dst_hbm.at[wid], idx_v)

    def chunk(j, _):
        pltpu.sync_copy(ones_v, acc.at[idx_v.at[j]], add=True)
        return 0

    lax.fori_loop(0, NCHUNK, chunk, 0)
    plsc.subcore_barrier()
    pltpu.sync_copy(
        acc.at[pl.ds(s * DEG_PER_TILE, DEG_PER_TILE)],
        out_hbm.at[c].at[pl.ds(s * DEG_PER_TILE, DEG_PER_TILE)],
    )



NH = NCHUNK // 2


@functools.partial(
    pl.kernel,
    out_type=jax.ShapeDtypeStruct((NC, N_PAD, D), jnp.float32),
    mesh=_mesh,
    scratch_types=[
        pltpu.VMEM((NH, CH), jnp.int32),
        pltpu.VMEM((NH, CH), jnp.int32),
        pltpu.VMEM((2, CH, D), jnp.float32),
        pltpu.VMEM((8, D), jnp.float32),
        pltpu.VMEM_SHARED((N_PAD, D), jnp.float32),
        pltpu.SemaphoreType.DMA,
        pltpu.SemaphoreType.DMA,
    ],
)
def _agg_kernel(src_hbm, dst_hbm, g_hbm, out_hbm, sidx, didx, rows, zbuf, acc, sem0, sem1):
    c = lax.axis_index("c")
    s = lax.axis_index("s")
    wid = c * NS + s

    zero = jnp.zeros((L,), jnp.float32)
    for i in range(8):
        for k in range(D // L):
            zbuf[i, pl.ds(k * L, L)] = zero

    def zrow(t, _):
        pltpu.sync_copy(zbuf, acc.at[pl.ds(s * ROWS_PER_TILE + t * 8, 8)])
        return 0

    lax.fori_loop(0, ROWS_PER_TILE // 8, zrow, 0)
    plsc.subcore_barrier()

    for h in range(2):
        pltpu.sync_copy(src_hbm.at[wid].at[pl.ds(h * NH, NH)], sidx)
        pltpu.sync_copy(dst_hbm.at[wid].at[pl.ds(h * NH, NH)], didx)

        pltpu.async_copy(g_hbm.at[sidx.at[0]], rows.at[0], sem0)

        def pair(t, _):
            j0 = 2 * t
            pltpu.async_copy(g_hbm.at[sidx.at[j0 + 1]], rows.at[1], sem1)
            pltpu.make_async_copy(g_hbm.at[sidx.at[j0]], rows.at[0], sem0).wait()
            pltpu.sync_copy(rows.at[0], acc.at[didx.at[j0]], add=True)
            jn = jnp.minimum(j0 + 2, NH - 1)
            pltpu.async_copy(g_hbm.at[sidx.at[jn]], rows.at[0], sem0)
            pltpu.make_async_copy(g_hbm.at[sidx.at[j0 + 1]], rows.at[1], sem1).wait()
            pltpu.sync_copy(rows.at[1], acc.at[didx.at[j0 + 1]], add=True)
            return 0

        lax.fori_loop(0, NH // 2, pair, 0)
        pltpu.make_async_copy(g_hbm.at[sidx.at[NH - 1]], rows.at[0], sem0).wait()

    plsc.subcore_barrier()
    pltpu.sync_copy(
        acc.at[pl.ds(s * ROWS_PER_TILE, ROWS_PER_TILE)],
        out_hbm.at[c].at[pl.ds(s * ROWS_PER_TILE, ROWS_PER_TILE)],
    )



def _dis(degp):
    return lax.rsqrt(degp[:, 0] + degp[:, 1] + 1.0)


def _scale1_body(x_ref, w_ref, deg_ref, o_ref):
    dis = _dis(deg_ref[...])
    h = jnp.dot(x_ref[...], w_ref[...], preferred_element_type=jnp.float32)
    o_ref[...] = h * dis[:, None]


def _layer2_body(u_ref, g_ref, deg_ref, w_ref, b_ref, o_ref):
    dis = _dis(deg_ref[...])
    u = u_ref[0] + u_ref[1] + g_ref[...]
    h = jnp.maximum(u * dis[:, None] + b_ref[...], 0.0)
    o_ref[...] = jnp.dot(h, w_ref[...], preferred_element_type=jnp.float32) * dis[:, None]


def _final_body(u_ref, g_ref, deg_ref, b_ref, o_ref):
    dis = _dis(deg_ref[...])
    u = u_ref[0] + u_ref[1] + g_ref[...]
    o_ref[...] = u * dis[:, None] + b_ref[...]


_row_spec = pl.BlockSpec((RB, D), lambda i: (i, 0))
_deg_spec = pl.BlockSpec((RB, NC), lambda i: (i, 0))
_u_spec = pl.BlockSpec((NC, RB, D), lambda i: (0, i, 0))
_w_spec = pl.BlockSpec((D, D), lambda i: (0, 0))
_b_spec = pl.BlockSpec((1, D), lambda i: (0, 0))
_out_shape = jax.ShapeDtypeStruct((N_PAD, D), jnp.float32)

_scale1 = pl.pallas_call(
    _scale1_body,
    grid=(GRID,),
    in_specs=[_row_spec, _w_spec, _deg_spec],
    out_specs=_row_spec,
    out_shape=_out_shape,
)

_layer2 = pl.pallas_call(
    _layer2_body,
    grid=(GRID,),
    in_specs=[_u_spec, _row_spec, _deg_spec, _w_spec, _b_spec],
    out_specs=_row_spec,
    out_shape=_out_shape,
)

_final = pl.pallas_call(
    _final_body,
    grid=(GRID,),
    in_specs=[_u_spec, _row_spec, _deg_spec, _b_spec],
    out_specs=_row_spec,
    out_shape=_out_shape,
)


@jax.jit
def kernel(x, edge_index, W1, b1, W2, b2):
    ei = edge_index.astype(jnp.int32)
    pad = jnp.full((E_PAD - E,), N, jnp.int32)
    src = jnp.concatenate([ei[0], pad]).reshape(NW, NCHUNK, CH)
    dst = jnp.concatenate([ei[1], pad]).reshape(NW, NCHUNK, CH)
    x_pad = jnp.zeros((N_PAD, D), jnp.float32).at[:N].set(x)
    b1r = b1.reshape(1, D)
    b2r = b2.reshape(1, D)

    degp = _deg_kernel(dst).T
    g1 = _scale1(x_pad, W1, degp)
    u1 = _agg_kernel(src, dst, g1)
    g2 = _layer2(u1, g1, degp, W2, b1r)
    u2 = _agg_kernel(src, dst, g2)
    out = _final(u2, g2, degp, b2r)
    return out[:N]

# --- scband reference (transcript-rebuilt; emitter-appended) ---
"""Pipeline reference for scband-gnnedge-classifier-9431748182177 (READ-ONLY COPY).

The authoritative reference and input builder live on the scoring server;
editing this copy changes nothing except your own understanding.
"""

import jax, jax.numpy as jnp
import numpy as np

N_NODES = 10000
N_EDGES = 320000
D_IN = 128
D_HID = 128
D_OUT = 128


def gcn_conv(x, edge_index, W, b):
    # Faithful PyG GCNConv: add self-loops, symmetric degree normalization,
    # linear transform, scatter-add aggregation at dst, add bias.
    N = x.shape[0]
    loop = jnp.arange(N, dtype=edge_index.dtype)
    src = jnp.concatenate([edge_index[0], loop])
    dst = jnp.concatenate([edge_index[1], loop])
    deg = jnp.zeros((N,), dtype=x.dtype).at[dst].add(1.0)
    deg_inv_sqrt = jnp.where(deg > 0, jax.lax.rsqrt(jnp.maximum(deg, 1e-12)), 0.0)
    norm = deg_inv_sqrt[src] * deg_inv_sqrt[dst]
    h = x @ W
    msg = h[src] * norm[:, None]
    out = jnp.zeros((N, W.shape[1]), dtype=x.dtype).at[dst].add(msg)
    return out + b


def setup_inputs(seed: int = 0) -> dict:
    key = jax.random.key(seed)
    k_x, k_e, k_w1, k_b1, k_w2, k_b2 = jax.random.split(key, 6)
    x = jax.random.normal(k_x, (N_NODES, D_IN), dtype=jnp.float32)
    edge_index = jax.random.randint(k_e, (2, N_EDGES), 0, N_NODES, dtype=jnp.int64)
    s1 = 1.0 / np.sqrt(D_IN)
    s2 = 1.0 / np.sqrt(D_HID)
    W1 = jax.random.uniform(k_w1, (D_IN, D_HID), dtype=jnp.float32, minval=-s1, maxval=s1)
    b1 = jax.random.uniform(k_b1, (D_HID,), dtype=jnp.float32, minval=-s1, maxval=s1)
    W2 = jax.random.uniform(k_w2, (D_HID, D_OUT), dtype=jnp.float32, minval=-s2, maxval=s2)
    b2 = jax.random.uniform(k_b2, (D_OUT,), dtype=jnp.float32, minval=-s2, maxval=s2)
    return {"x": x, "edge_index": edge_index, "W1": W1, "b1": b1, "W2": W2, "b2": b2}


def reference(x, edge_index, W1, b1, W2, b2):
    h = gcn_conv(x, edge_index, W1, b1)
    h = jax.nn.relu(h)
    # F.dropout(p=0.5, training=self.training) is identity in eval mode
    out = gcn_conv(h, edge_index, W2, b2)
    return out

if __name__ == "__main__":
    import jax
    _d = setup_inputs()
    print(jax.jit(kernel)(*tuple(_d.values())))

</pallas_src>

<mosaic_0001>
#map = affine_map<(d0, d1) -> (0, 0, 0)>
#map1 = affine_map<(d0, d1) -> (0, 0)>
module attributes {stable_mosaic.version = 14 : i64} {
  func.func @_agg_kernel(%arg0: i32, %arg1: i32, %arg2: memref<32x80x128xi32, #tpu.memory_space<hbm>>, %arg3: memref<32x80x128xi32, #tpu.memory_space<hbm>>, %arg4: memref<10112x128xf32, #tpu.memory_space<hbm>>, %arg5: memref<2x10112x128xf32, #tpu.memory_space<hbm>>, %arg6: memref<40x128xi32, #tpu.memory_space<vmem>>, %arg7: memref<40x128xi32, #tpu.memory_space<vmem>>, %arg8: memref<2x128x128xf32, #tpu.memory_space<vmem>>, %arg9: memref<8x128xf32, #tpu.memory_space<vmem>>, %arg10: memref<10112x128xf32, #tpu.memory_space<vmem_shared>>, %arg11: memref<!tpu.dma_semaphore, #tpu.memory_space<semaphore_mem>>, %arg12: memref<!tpu.dma_semaphore, #tpu.memory_space<semaphore_mem>>) attributes {dimension_semantics = [#tpu.dimension_semantics<core_parallel>, #tpu.dimension_semantics<subcore_parallel>], iteration_bounds = array<i64: 2, 16>, scalar_prefetch = 0 : i64, scratch_operands = 7 : i64, tpu.core_type = #tpu.core_type<sc_vector_subcore>, window_params = [{transform_indices = #map}, {transform_indices = #map}, {transform_indices = #map1}, {transform_indices = #map}]} {
    %mul3A = arith.constant 16 : i32
    %mul3A_0 = arith.muli %arg0, %mul3A : i32
    %add3A = arith.addi %mul3A_0, %arg1 : i32
    %broadcast_in_dim3A = arith.constant 0.000000e+00 : f32
    %broadcast_in_dim3A_1 = vector.broadcast %broadcast_in_dim3A : f32 to vector<16xf32>
    %swap3A = arith.constant 0 : i32
    %swap3A_2 = arith.index_cast %swap3A : i32 to index
    %swap3A_3 = arith.constant 0 : index
    %swap3A_4 = tpu.vector_load %arg9[%swap3A_2, %swap3A_3] {strides = array<i32>} : memref<8x128xf32, #tpu.memory_space<vmem>>, vector<1x16xf32>,
    %swap3A_5 = vector.shape_cast %swap3A_4 : vector<1x16xf32> to vector<16xf32>
    %swap3A_6 = vector.shape_cast %broadcast_in_dim3A_1 : vector<16xf32> to vector<1x16xf32>
    tpu.vector_store %arg9[%swap3A_2, %swap3A_3], %swap3A_6 {strides = array<i32>} : memref<8x128xf32, #tpu.memory_space<vmem>>, vector<1x16xf32>,
    %swap3A_7 = arith.constant 0 : i32
    %swap3A_8 = arith.index_cast %swap3A_7 : i32 to index
    %swap3A_9 = arith.constant 16 : index
    %swap3A_10 = tpu.vector_load %arg9[%swap3A_8, %swap3A_9] {strides = array<i32>} : memref<8x128xf32, #tpu.memory_space<vmem>>, vector<1x16xf32>,
    %swap3A_11 = vector.shape_cast %swap3A_10 : vector<1x16xf32> to vector<16xf32>
    %swap3A_12 = vector.shape_cast %broadcast_in_dim3A_1 : vector<16xf32> to vector<1x16xf32>
    tpu.vector_store %arg9[%swap3A_8, %swap3A_9], %swap3A_12 {strides = array<i32>} : memref<8x128xf32, #tpu.memory_space<vmem>>, vector<1x16xf32>,
    %swap3A_13 = arith.constant 0 : i32
    %swap3A_14 = arith.index_cast %swap3A_13 : i32 to index
    %swap3A_15 = arith.constant 32 : index
    %swap3A_16 = tpu.vector_load %arg9[%swap3A_14, %swap3A_15] {strides = array<i32>} : memref<8x128xf32, #tpu.memory_space<vmem>>, vector<1x16xf32>,
    %swap3A_17 = vector.shape_cast %swap3A_16 : vector<1x16xf32> to vector<16xf32>
    %swap3A_18 = vector.shape_cast %broadcast_in_dim3A_1 : vector<16xf32> to vector<1x16xf32>
    tpu.vector_store %arg9[%swap3A_14, %swap3A_15], %swap3A_18 {strides = array<i32>} : memref<8x128xf32, #tpu.memory_space<vmem>>, vector<1x16xf32>,
    %swap3A_19 = arith.constant 0 : i32
    %swap3A_20 = arith.index_cast %swap3A_19 : i32 to index
    %swap3A_21 = arith.constant 48 : index
    %swap3A_22 = tpu.vector_load %arg9[%swap3A_20, %swap3A_21] {strides = array<i32>} : memref<8x128xf32, #tpu.memory_space<vmem>>, vector<1x16xf32>,
    %swap3A_23 = vector.shape_cast %swap3A_22 : vector<1x16xf32> to vector<16xf32>
    %swap3A_24 = vector.shape_cast %broadcast_in_dim3A_1 : vector<16xf32> to vector<1x16xf32>
    tpu.vector_store %arg9[%swap3A_20, %swap3A_21], %swap3A_24 {strides = array<i32>} : memref<8x128xf32, #tpu.memory_space<vmem>>, vector<1x16xf32>,
    %swap3A_25 = arith.constant 0 : i32
    %swap3A_26 = arith.index_cast %swap3A_25 : i32 to index
    %swap3A_27 = arith.constant 64 : index
    %swap3A_28 = tpu.vector_load %arg9[%swap3A_26, %swap3A_27] {strides = array<i32>} : memref<8x128xf32, #tpu.memory_space<vmem>>, vector<1x16xf32>,
    %swap3A_29 = vector.shape_cast %swap3A_28 : vector<1x16xf32> to vector<16xf32>
    %swap3A_30 = vector.shape_cast %broadcast_in_dim3A_1 : vector<16xf32> to vector<1x16xf32>
    tpu.vector_store %arg9[%swap3A_26, %swap3A_27], %swap3A_30 {strides = array<i32>} : memref<8x128xf32, #tpu.memory_space<vmem>>, vector<1x16xf32>,
    %swap3A_31 = arith.constant 0 : i32
    %swap3A_32 = arith.index_cast %swap3A_31 : i32 to index
    %swap3A_33 = arith.constant 80 : index
    %swap3A_34 = tpu.vector_load %arg9[%swap3A_32, %swap3A_33] {strides = array<i32>} : memref<8x128xf32, #tpu.memory_space<vmem>>, vector<1x16xf32>,
    %swap3A_35 = vector.shape_cast %swap3A_34 : vector<1x16xf32> to vector<16xf32>
    %swap3A_36 = vector.shape_cast %broadcast_in_dim3A_1 : vector<16xf32> to vector<1x16xf32>
    tpu.vector_store %arg9[%swap3A_32, %swap3A_33], %swap3A_36 {strides = array<i32>} : memref<8x128xf32, #tpu.memory_space<vmem>>, vector<1x16xf32>,
    %swap3A_37 = arith.constant 0 : i32
    %swap3A_38 = arith.index_cast %swap3A_37 : i32 to index
    %swap3A_39 = arith.constant 96 : index
    %swap3A_40 = tpu.vector_load %arg9[%swap3A_38, %swap3A_39] {strides = array<i32>} : memref<8x128xf32, #tpu.memory_space<vmem>>, vector<1x16xf32>,
    %swap3A_41 = vector.shape_cast %swap3A_40 : vector<1x16xf32> to vector<16xf32>
    %swap3A_42 = vector.shape_cast %broadcast_in_dim3A_1 : vector<16xf32> to vector<1x16xf32>
    tpu.vector_store %arg9[%swap3A_38, %swap3A_39], %swap3A_42 {strides = array<i32>} : memref<8x128xf32, #tpu.memory_space<vmem>>, vector<1x16xf32>,
    %swap3A_43 = arith.constant 0 : i32
    %swap3A_44 = arith.index_cast %swap3A_43 : i32 to index
    %swap3A_45 = arith.constant 112 : index
    %swap3A_46 = tpu.vector_load %arg9[%swap3A_44, %swap3A_45] {strides = array<i32>} : memref<8x128xf32, #tpu.memory_space<vmem>>, vector<1x16xf32>,
    %swap3A_47 = vector.shape_cast %swap3A_46 : vector<1x16xf32> to vector<16xf32>
    %swap3A_48 = vector.shape_cast %broadcast_in_dim3A_1 : vector<16xf32> to vector<1x16xf32>
    tpu.vector_store %arg9[%swap3A_44, %swap3A_45], %swap3A_48 {strides = array<i32>} : memref<8x128xf32, #tpu.memory_space<vmem>>, vector<1x16xf32>,
    %swap3A_49 = arith.constant 1 : i32
    %swap3A_50 = arith.index_cast %swap3A_49 : i32 to index
    %swap3A_51 = arith.constant 0 : index
    %swap3A_52 = tpu.vector_load %arg9[%swap3A_50, %swap3A_51] {strides = array<i32>} : memref<8x128xf32, #tpu.memory_space<vmem>>, vector<1x16xf32>,
    %swap3A_53 = vector.shape_cast %swap3A_52 : vector<1x16xf32> to vector<16xf32>
    %swap3A_54 = vector.shape_cast %broadcast_in_dim3A_1 : vector<16xf32> to vector<1x16xf32>
    tpu.vector_store %arg9[%swap3A_50, %swap3A_51], %swap3A_54 {strides = array<i32>} : memref<8x128xf32, #tpu.memory_space<vmem>>, vector<1x16xf32>,
    %swap3A_55 = arith.constant 1 : i32
    %swap3A_56 = arith.index_cast %swap3A_55 : i32 to index
    %swap3A_57 = arith.constant 16 : index
    %swap3A_58 = tpu.vector_load %arg9[%swap3A_56, %swap3A_57] {strides = array<i32>} : memref<8x128xf32, #tpu.memory_space<vmem>>, vector<1x16xf32>,
    %swap3A_59 = vector.shape_cast %swap3A_58 : vector<1x16xf32> to vector<16xf32>
    %swap3A_60 = vector.shape_cast %broadcast_in_dim3A_1 : vector<16xf32> to vector<1x16xf32>
    tpu.vector_store %arg9[%swap3A_56, %swap3A_57], %swap3A_60 {strides = array<i32>} : memref<8x128xf32, #tpu.memory_space<vmem>>, vector<1x16xf32>,
    %swap3A_61 = arith.constant 1 : i32
    %swap3A_62 = arith.index_cast %swap3A_61 : i32 to index
    %swap3A_63 = arith.constant 32 : index
    %swap3A_64 = tpu.vector_load %arg9[%swap3A_62, %swap3A_63] {strides = array<i32>} : memref<8x128xf32, #tpu.memory_space<vmem>>, vector<1x16xf32>,
    %swap3A_65 = vector.shape_cast %swap3A_64 : vector<1x16xf32> to vector<16xf32>
    %swap3A_66 = vector.shape_cast %broadcast_in_dim3A_1 : vector<16xf32> to vector<1x16xf32>
    tpu.vector_store %arg9[%swap3A_62, %swap3A_63], %swap3A_66 {strides = array<i32>} : memref<8x128xf32, #tpu.memory_space<vmem>>, vector<1x16xf32>,
    %swap3A_67 = arith.constant 1 : i32
    %swap3A_68 = arith.index_cast %swap3A_67 : i32 to index
    %swap3A_69 = arith.constant 48 : index
    %swap3A_70 = tpu.vector_load %arg9[%swap3A_68, %swap3A_69] {strides = array<i32>} : memref<8x128xf32, #tpu.memory_space<vmem>>, vector<1x16xf32>,
    %swap3A_71 = vector.shape_cast %swap3A_70 : vector<1x16xf32> to vector<16xf32>
    %swap3A_72 = vector.shape_cast %broadcast_in_dim3A_1 : vector<16xf32> to vector<1x16xf32>
    tpu.vector_store %arg9[%swap3A_68, %swap3A_69], %swap3A_72 {strides = array<i32>} : memref<8x128xf32, #tpu.memory_space<vmem>>, vector<1x16xf32>,
    %swap3A_73 = arith.constant 1 : i32
    %swap3A_74 = arith.index_cast %swap3A_73 : i32 to index
    %swap3A_75 = arith.constant 64 : index
    %swap3A_76 = tpu.vector_load %arg9[%swap3A_74, %swap3A_75] {strides = array<i32>} : memref<8x128xf32, #tpu.memory_space<vmem>>, vector<1x16xf32>,
    %swap3A_77 = vector.shape_cast %swap3A_76 : vector<1x16xf32> to vector<16xf32>
    %swap3A_78 = vector.shape_cast %broadcast_in_dim3A_1 : vector<16xf32> to vector<1x16xf32>
    tpu.vector_store %arg9[%swap3A_74, %swap3A_75], %swap3A_78 {strides = array<i32>} : memref<8x128xf32, #tpu.memory_space<vmem>>, vector<1x16xf32>,
    %swap3A_79 = arith.constant 1 : i32
    %swap3A_80 = arith.index_cast %swap3A_79 : i32 to index
    %swap3A_81 = arith.constant 80 : index
    %swap3A_82 = tpu.vector_load %arg9[%swap3A_80, %swap3A_81] {strides = array<i32>} : memref<8x128xf32, #tpu.memory_space<vmem>>, vector<1x16xf32>,
    %swap3A_83 = vector.shape_cast %swap3A_82 : vector<1x16xf32> to vector<16xf32>
    %swap3A_84 = vector.shape_cast %broadcast_in_dim3A_1 : vector<16xf32> to vector<1x16xf32>
    tpu.vector_store %arg9[%swap3A_80, %swap3A_81], %swap3A_84 {strides = array<i32>} : memref<8x128xf32, #tpu.memory_space<vmem>>, vector<1x16xf32>,
    %swap3A_85 = arith.constant 1 : i32
    %swap3A_86 = arith.index_cast %swap3A_85 : i32 to index
    %swap3A_87 = arith.constant 96 : index
    %swap3A_88 = tpu.vector_load %arg9[%swap3A_86, %swap3A_87] {strides = array<i32>} : memref<8x128xf32, #tpu.memory_space<vmem>>, vector<1x16xf32>,
    %swap3A_89 = vector.shape_cast %swap3A_88 : vector<1x16xf32> to vector<16xf32>
    %swap3A_90 = vector.shape_cast %broadcast_in_dim3A_1 : vector<16xf32> to vector<1x16xf32>
    tpu.vector_store %arg9[%swap3A_86, %swap3A_87], %swap3A_90 {strides = array<i32>} : memref<8x128xf32, #tpu.memory_space<vmem>>, vector<1x16xf32>,
    %swap3A_91 = arith.constant 1 : i32
    %swap3A_92 = arith.index_cast %swap3A_91 : i32 to index
    %swap3A_93 = arith.constant 112 : index
    %swap3A_94 = tpu.vector_load %arg9[%swap3A_92, %swap3A_93] {strides = array<i32>} : memref<8x128xf32, #tpu.memory_space<vmem>>, vector<1x16xf32>,
    %swap3A_95 = vector.shape_cast %swap3A_94 : vector<1x16xf32> to vector<16xf32>
    %swap3A_96 = vector.shape_cast %broadcast_in_dim3A_1 : vector<16xf32> to vector<1x16xf32>
    tpu.vector_store %arg9[%swap3A_92, %swap3A_93], %swap3A_96 {strides = array<i32>} : memref<8x128xf32, #tpu.memory_space<vmem>>, vector<1x16xf32>,
    %swap3A_97 = arith.constant 2 : i32
    %swap3A_98 = arith.index_cast %swap3A_97 : i32 to index
    %swap3A_99 = arith.constant 0 : index
    %swap3A_100 = tpu.vector_load %arg9[%swap3A_98, %swap3A_99] {strides = array<i32>} : memref<8x128xf32, #tpu.memory_space<vmem>>, vector<1x16xf32>,
    %swap3A_101 = vector.shape_cast %swap3A_100 : vector<1x16xf32> to vector<16xf32>
    %swap3A_102 = vector.shape_cast %broadcast_in_dim3A_1 : vector<16xf32> to vector<1x16xf32>
    tpu.vector_store %arg9[%swap3A_98, %swap3A_99], %swap3A_102 {strides = array<i32>} : memref<8x128xf32, #tpu.memory_space<vmem>>, vector<1x16xf32>,
    %swap3A_103 = arith.constant 2 : i32
    %swap3A_104 = arith.index_cast %swap3A_103 : i32 to index
    %swap3A_105 = arith.constant 16 : index
    %swap3A_106 = tpu.vector_load %arg9[%swap3A_104, %swap3A_105] {strides = array<i32>} : memref<8x128xf32, #tpu.memory_space<vmem>>, vector<1x16xf32>,
    %swap3A_107 = vector.shape_cast %swap3A_106 : vector<1x16xf32> to vector<16xf32>
    %swap3A_108 = vector.shape_cast %broadcast_in_dim3A_1 : vector<16xf32> to vector<1x16xf32>
    tpu.vector_store %arg9[%swap3A_104, %swap3A_105], %swap3A_108 {strides = array<i32>} : memref<8x128xf32, #tpu.memory_space<vmem>>, vector<1x16xf32>,
    %swap3A_109 = arith.constant 2 : i32
    %swap3A_110 = arith.index_cast %swap3A_109 : i32 to index
    %swap3A_111 = arith.constant 32 : index
    %swap3A_112 = tpu.vector_load %arg9[%swap3A_110, %swap3A_111] {strides = array<i32>} : memref<8x128xf32, #tpu.memory_space<vmem>>, vector<1x16xf32>,
    %swap3A_113 = vector.shape_cast %swap3A_112 : vector<1x16xf32> to vector<16xf32>
    %swap3A_114 = vector.shape_cast %broadcast_in_dim3A_1 : vector<16xf32> to vector<1x16xf32>
    tpu.vector_store %arg9[%swap3A_110, %swap3A_111], %swap3A_114 {strides = array<i32>} : memref<8x128xf32, #tpu.memory_space<vmem>>, vector<1x16xf32>,
    %swap3A_115 = arith.constant 2 : i32
    %swap3A_116 = arith.index_cast %swap3A_115 : i32 to index
    %swap3A_117 = arith.constant 48 : index
    %swap3A_118 = tpu.vector_load %arg9[%swap3A_116, %swap3A_117] {strides = array<i32>} : memref<8x128xf32, #tpu.memory_space<vmem>>, vector<1x16xf32>,
    %swap3A_119 = vector.shape_cast %swap3A_118 : vector<1x16xf32> to vector<16xf32>
    %swap3A_120 = vector.shape_cast %broadcast_in_dim3A_1 : vector<16xf32> to vector<1x16xf32>
    tpu.vector_store %arg9[%swap3A_116, %swap3A_117], %swap3A_120 {strides = array<i32>} : memref<8x128xf32, #tpu.memory_space<vmem>>, vector<1x16xf32>,
    %swap3A_121 = arith.constant 2 : i32
    %swap3A_122 = arith.index_cast %swap3A_121 : i32 to index
    %swap3A_123 = arith.constant 64 : index
    %swap3A_124 = tpu.vector_load %arg9[%swap3A_122, %swap3A_123] {strides = array<i32>} : memref<8x128xf32, #tpu.memory_space<vmem>>, vector<1x16xf32>,
    %swap3A_125 = vector.shape_cast %swap3A_124 : vector<1x16xf32> to vector<16xf32>
    %swap3A_126 = vector.shape_cast %broadcast_in_dim3A_1 : vector<16xf32> to vector<1x16xf32>
    tpu.vector_store %arg9[%swap3A_122, %swap3A_123], %swap3A_126 {strides = array<i32>} : memref<8x128xf32, #tpu.memory_space<vmem>>, vector<1x16xf32>,
    %swap3A_127 = arith.constant 2 : i32
    %swap3A_128 = arith.index_cast %swap3A_127 : i32 to index
    %swap3A_129 = arith.constant 80 : index
    %swap3A_130 = tpu.vector_load %arg9[%swap3A_128, %swap3A_129] {strides = array<i32>} : memref<8x128xf32, #tpu.memory_space<vmem>>, vector<1x16xf32>,
    %swap3A_131 = vector.shape_cast %swap3A_130 : vector<1x16xf32> to vector<16xf32>
    %swap3A_132 = vector.shape_cast %broadcast_in_dim3A_1 : vector<16xf32> to vector<1x16xf32>
    tpu.vector_store %arg9[%swap3A_128, %swap3A_129], %swap3A_132 {strides = array<i32>} : memref<8x128xf32, #tpu.memory_space<vmem>>, vector<1x16xf32>,
    %swap3A_133 = arith.constant 2 : i32
    %swap3A_134 = arith.index_cast %swap3A_133 : i32 to index
    %swap3A_135 = arith.constant 96 : index
    %swap3A_136 = tpu.vector_load %arg9[%swap3A_134, %swap3A_135] {strides = array<i32>} : memref<8x128xf32, #tpu.memory_space<vmem>>, vector<1x16xf32>,
    %swap3A_137 = vector.shape_cast %swap3A_136 : vector<1x16xf32> to vector<16xf32>
    %swap3A_138 = vector.shape_cast %broadcast_in_dim3A_1 : vector<16xf32> to vector<1x16xf32>
    tpu.vector_store %arg9[%swap3A_134, %swap3A_135], %swap3A_138 {strides = array<i32>} : memref<8x128xf32, #tpu.memory_space<vmem>>, vector<1x16xf32>,
    %swap3A_139 = arith.constant 2 : i32
    %swap3A_140 = arith.index_cast %swap3A_139 : i32 to index
    %swap3A_141 = arith.constant 112 : index
    %swap3A_142 = tpu.vector_load %arg9[%swap3A_140, %swap3A_141] {strides = array<i32>} : memref<8x128xf32, #tpu.memory_space<vmem>>, vector<1x16xf32>,
    %swap3A_143 = vector.shape_cast %swap3A_142 : vector<1x16xf32> to vector<16xf32>
    %swap3A_144 = vector.shape_cast %broadcast_in_dim3A_1 : vector<16xf32> to vector<1x16xf32>
    tpu.vector_store %arg9[%swap3A_140, %swap3A_141], %swap3A_144 {strides = array<i32>} : memref<8x128xf32, #tpu.memory_space<vmem>>, vector<1x16xf32>,
    %swap3A_145 = arith.constant 3 : i32
    %swap3A_146 = arith.index_cast %swap3A_145 : i32 to index
    %swap3A_147 = arith.constant 0 : index
    %swap3A_148 = tpu.vector_load %arg9[%swap3A_146, %swap3A_147] {strides = array<i32>} : memref<8x128xf32, #tpu.memory_space<vmem>>, vector<1x16xf32>,
    %swap3A_149 = vector.shape_cast %swap3A_148 : vector<1x16xf32> to vector<16xf32>
    %swap3A_150 = vector.shape_cast %broadcast_in_dim3A_1 : vector<16xf32> to vector<1x16xf32>
    tpu.vector_store %arg9[%swap3A_146, %swap3A_147], %swap3A_150 {strides = array<i32>} : memref<8x128xf32, #tpu.memory_space<vmem>>, vector<1x16xf32>,
    %swap3A_151 = arith.constant 3 : i32
    %swap3A_152 = arith.index_cast %swap3A_151 : i32 to index
    %swap3A_153 = arith.constant 16 : index
    %swap3A_154 = tpu.vector_load %arg9[%swap3A_152, %swap3A_153] {strides = array<i32>} : memref<8x128xf32, #tpu.memory_space<vmem>>, vector<1x16xf32>,
    %swap3A_155 = vector.shape_cast %swap3A_154 : vector<1x16xf32> to vector<16xf32>
    %swap3A_156 = vector.shape_cast %broadcast_in_dim3A_1 : vector<16xf32> to vector<1x16xf32>
    tpu.vector_store %arg9[%swap3A_152, %swap3A_153], %swap3A_156 {strides = array<i32>} : memref<8x128xf32, #tpu.memory_space<vmem>>, vector<1x16xf32>,
    %swap3A_157 = arith.constant 3 : i32
    %swap3A_158 = arith.index_cast %swap3A_157 : i32 to index
    %swap3A_159 = arith.constant 32 : index
    %swap3A_160 = tpu.vector_load %arg9[%swap3A_158, %swap3A_159] {strides = array<i32>} : memref<8x128xf32, #tpu.memory_space<vmem>>, vector<1x16xf32>,
    %swap3A_161 = vector.shape_cast %swap3A_160 : vector<1x16xf32> to vector<16xf32>
    %swap3A_162 = vector.shape_cast %broadcast_in_dim3A_1 : vector<16xf32> to vector<1x16xf32>
    tpu.vector_store %arg9[%swap3A_158, %swap3A_159], %swap3A_162 {strides = array<i32>} : memref<8x128xf32, #tpu.memory_space<vmem>>, vector<1x16xf32>,
    %swap3A_163 = arith.constant 3 : i32
    %swap3A_164 = arith.index_cast %swap3A_163 : i32 to index
    %swap3A_165 = arith.constant 48 : index
    %swap3A_166 = tpu.vector_load %arg9[%swap3A_164, %swap3A_165] {strides = array<i32>} : memref<8x128xf32, #tpu.memory_space<vmem>>, vector<1x16xf32>,
    %swap3A_167 = vector.shape_cast %swap3A_166 : vector<1x16xf32> to vector<16xf32>
    %swap3A_168 = vector.shape_cast %broadcast_in_dim3A_1 : vector<16xf32> to vector<1x16xf32>
    tpu.vector_store %arg9[%swap3A_164, %swap3A_165], %swap3A_168 {strides = array<i32>} : memref<8x128xf32, #tpu.memory_space<vmem>>, vector<1x16xf32>,
    %swap3A_169 = arith.constant 3 : i32
    %swap3A_170 = arith.index_cast %swap3A_169 : i32 to index
    %swap3A_171 = arith.constant 64 : index
    %swap3A_172 = tpu.vector_load %arg9[%swap3A_170, %swap3A_171] {strides = array<i32>} : memref<8x128xf32, #tpu.memory_space<vmem>>, vector<1x16xf32>,
    %swap3A_173 = vector.shape_cast %swap3A_172 : vector<1x16xf32> to vector<16xf32>
    %swap3A_174 = vector.shape_cast %broadcast_in_dim3A_1 : vector<16xf32> to vector<1x16xf32>
    tpu.vector_store %arg9[%swap3A_170, %swap3A_171], %swap3A_174 {strides = array<i32>} : memref<8x128xf32, #tpu.memory_space<vmem>>, vector<1x16xf32>,
    %swap3A_175 = arith.constant 3 : i32
    %swap3A_176 = arith.index_cast %swap3A_175 : i32 to index
    %swap3A_177 = arith.constant 80 : index
    %swap3A_178 = tpu.vector_load %arg9[%swap3A_176, %swap3A_177] {strides = array<i32>} : memref<8x128xf32, #tpu.memory_space<vmem>>, vector<1x16xf32>,
    %swap3A_179 = vector.shape_cast %swap3A_178 : vector<1x16xf32> to vector<16xf32>
    %swap3A_180 = vector.shape_cast %broadcast_in_dim3A_1 : vector<16xf32> to vector<1x16xf32>
    tpu.vector_store %arg9[%swap3A_176, %swap3A_177], %swap3A_180 {strides = array<i32>} : memref<8x128xf32, #tpu.memory_space<vmem>>, vector<1x16xf32>,
    %swap3A_181 = arith.constant 3 : i32
    %swap3A_182 = arith.index_cast %swap3A_181 : i32 to index
    %swap3A_183 = arith.constant 96 : index
    %swap3A_184 = tpu.vector_load %arg9[%swap3A_182, %swap3A_183] {strides = array<i32>} : memref<8x128xf32, #tpu.memory_space<vmem>>, vector<1x16xf32>,
    %swap3A_185 = vector.shape_cast %swap3A_184 : vector<1x16xf32> to vector<16xf32>
    %swap3A_186 = vector.shape_cast %broadcast_in_dim3A_1 : vector<16xf32> to vector<1x16xf32>
    tpu.vector_store %arg9[%swap3A_182, %swap3A_183], %swap3A_186 {strides = array<i32>} : memref<8x128xf32, #tpu.memory_space<vmem>>, vector<1x16xf32>,
    %swap3A_187 = arith.constant 3 : i32
    %swap3A_188 = arith.index_cast %swap3A_187 : i32 to index
    %swap3A_189 = arith.constant 112 : index
    %swap3A_190 = tpu.vector_load %arg9[%swap3A_188, %swap3A_189] {strides = array<i32>} : memref<8x128xf32, #tpu.memory_space<vmem>>, vector<1x16xf32>,
    %swap3A_191 = vector.shape_cast %swap3A_190 : vector<1x16xf32> to vector<16xf32>
    %swap3A_192 = vector.shape_cast %broadcast_in_dim3A_1 : vector<16xf32> to vector<1x16xf32>
    tpu.vector_store %arg9[%swap3A_188, %swap3A_189], %swap3A_192 {strides = array<i32>} : memref<8x128xf32, #tpu.memory_space<vmem>>, vector<1x16xf32>,
    %swap3A_193 = arith.constant 4 : i32
    %swap3A_194 = arith.index_cast %swap3A_193 : i32 to index
    %swap3A_195 = arith.constant 0 : index
    %swap3A_196 = tpu.vector_load %arg9[%swap3A_194, %swap3A_195] {strides = array<i32>} : memref<8x128xf32, #tpu.memory_space<vmem>>, vector<1x16xf32>,
    %swap3A_197 = vector.shape_cast %swap3A_196 : vector<1x16xf32> to vector<16xf32>
    %swap3A_198 = vector.shape_cast %broadcast_in_dim3A_1 : vector<16xf32> to vector<1x16xf32>
    tpu.vector_store %arg9[%swap3A_194, %swap3A_195], %swap3A_198 {strides = array<i32>} : memref<8x128xf32, #tpu.memory_space<vmem>>, vector<1x16xf32>,
    %swap3A_199 = arith.constant 4 : i32
    %swap3A_200 = arith.index_cast %swap3A_199 : i32 to index
    %swap3A_201 = arith.constant 16 : index
    %swap3A_202 = tpu.vector_load %arg9[%swap3A_200, %swap3A_201] {strides = array<i32>} : memref<8x128xf32, #tpu.memory_space<vmem>>, vector<1x16xf32>,
    %swap3A_203 = vector.shape_cast %swap3A_202 : vector<1x16xf32> to vector<16xf32>
    %swap3A_204 = vector.shape_cast %broadcast_in_dim3A_1 : vector<16xf32> to vector<1x16xf32>
    tpu.vector_store %arg9[%swap3A_200, %swap3A_201], %swap3A_204 {strides = array<i32>} : memref<8x128xf32, #tpu.memory_space<vmem>>, vector<1x16xf32>,
    %swap3A_205 = arith.constant 4 : i32
    %swap3A_206 = arith.index_cast %swap3A_205 : i32 to index
    %swap3A_207 = arith.constant 32 : index
    %swap3A_208 = tpu.vector_load %arg9[%swap3A_206, %swap3A_207] {strides = array<i32>} : memref<8x128xf32, #tpu.memory_space<vmem>>, vector<1x16xf32>,
    %swap3A_209 = vector.shape_cast %swap3A_208 : vector<1x16xf32> to vector<16xf32>
    %swap3A_210 = vector.shape_cast %broadcast_in_dim3A_1 : vector<16xf32> to vector<1x16xf32>
    tpu.vector_store %arg9[%swap3A_206, %swap3A_207], %swap3A_210 {strides = array<i32>} : memref<8x128xf32, #tpu.memory_space<vmem>>, vector<1x16xf32>,
    %swap3A_211 = arith.constant 4 : i32
    %swap3A_212 = arith.index_cast %swap3A_211 : i32 to index
    %swap3A_213 = arith.constant 48 : index
    %swap3A_214 = tpu.vector_load %arg9[%swap3A_212, %swap3A_213] {strides = array<i32>} : memref<8x128xf32, #tpu.memory_space<vmem>>, vector<1x16xf32>,
    %swap3A_215 = vector.shape_cast %swap3A_214 : vector<1x16xf32> to vector<16xf32>
    %swap3A_216 = vector.shape_cast %broadcast_in_dim3A_1 : vector<16xf32> to vector<1x16xf32>
    tpu.vector_store %arg9[%swap3A_212, %swap3A_213], %swap3A_216 {strides = array<i32>} : memref<8x128xf32, #tpu.memory_space<vmem>>, vector<1x16xf32>,
    %swap3A_217 = arith.constant 4 : i32
    %swap3A_218 = arith.index_cast %swap3A_217 : i32 to index
    %swap3A_219 = arith.constant 64 : index
    %swap3A_220 = tpu.vector_load %arg9[%swap3A_218, %swap3A_219] {strides = array<i32>} : memref<8x128xf32, #tpu.memory_space<vmem>>, vector<1x16xf32>,
    %swap3A_221 = vector.shape_cast %swap3A_220 : vector<1x16xf32> to vector<16xf32>
    %swap3A_222 = vector.shape_cast %broadcast_in_dim3A_1 : vector<16xf32> to vector<1x16xf32>
    tpu.vector_store %arg9[%swap3A_218, %swap3A_219], %swap3A_222 {strides = array<i32>} : memref<8x128xf32, #tpu.memory_space<vmem>>, vector<1x16xf32>,
    %swap3A_223 = arith.constant 4 : i32
    %swap3A_224 = arith.index_cast %swap3A_223 : i32 to index
    %swap3A_225 = arith.constant 80 : index
    %swap3A_226 = tpu.vector_load %arg9[%swap3A_224, %swap3A_225] {strides = array<i32>} : memref<8x128xf32, #tpu.memory_space<vmem>>, vector<1x16xf32>,
    %swap3A_227 = vector.shape_cast %swap3A_226 : vector<1x16xf32> to vector<16xf32>
    %swap3A_228 = vector.shape_cast %broadcast_in_dim3A_1 : vector<16xf32> to vector<1x16xf32>
    tpu.vector_store %arg9[%swap3A_224, %swap3A_225], %swap3A_228 {strides = array<i32>} : memref<8x128xf32, #tpu.memory_space<vmem>>, vector<1x16xf32>,
    %swap3A_229 = arith.constant 4 : i32
    %swap3A_230 = arith.index_cast %swap3A_229 : i32 to index
    %swap3A_231 = arith.constant 96 : index
    %swap3A_232 = tpu.vector_load %arg9[%swap3A_230, %swap3A_231] {strides = array<i32>} : memref<8x128xf32, #tpu.memory_space<vmem>>, vector<1x16xf32>,
    %swap3A_233 = vector.shape_cast %swap3A_232 : vector<1x16xf32> to vector<16xf32>
    %swap3A_234 = vector.shape_cast %broadcast_in_dim3A_1 : vector<16xf32> to vector<1x16xf32>
    tpu.vector_store %arg9[%swap3A_230, %swap3A_231], %swap3A_234 {strides = array<i32>} : memref<8x128xf32, #tpu.memory_space<vmem>>, vector<1x16xf32>,
    %swap3A_235 = arith.constant 4 : i32
    %swap3A_236 = arith.index_cast %swap3A_235 : i32 to index
    %swap3A_237 = arith.constant 112 : index
    %swap3A_238 = tpu.vector_load %arg9[%swap3A_236, %swap3A_237] {strides = array<i32>} : memref<8x128xf32, #tpu.memory_space<vmem>>, vector<1x16xf32>,
    %swap3A_239 = vector.shape_cast %swap3A_238 : vector<1x16xf32> to vector<16xf32>
    %swap3A_240 = vector.shape_cast %broadcast_in_dim3A_1 : vector<16xf32> to vector<1x16xf32>
    tpu.vector_store %arg9[%swap3A_236, %swap3A_237], %swap3A_240 {strides = array<i32>} : memref<8x128xf32, #tpu.memory_space<vmem>>, vector<1x16xf32>,
    %swap3A_241 = arith.constant 5 : i32
    %swap3A_242 = arith.index_cast %swap3A_241 : i32 to index
    %swap3A_243 = arith.constant 0 : index
    %swap3A_244 = tpu.vector_load %arg9[%swap3A_242, %swap3A_243] {strides = array<i32>} : memref<8x128xf32, #tpu.memory_space<vmem>>, vector<1x16xf32>,
    %swap3A_245 = vector.shape_cast %swap3A_244 : vector<1x16xf32> to vector<16xf32>
    %swap3A_246 = vector.shape_cast %broadcast_in_dim3A_1 : vector<16xf32> to vector<1x16xf32>
    tpu.vector_store %arg9[%swap3A_242, %swap3A_243], %swap3A_246 {strides = array<i32>} : memref<8x128xf32, #tpu.memory_space<vmem>>, vector<1x16xf32>,
    %swap3A_247 = arith.constant 5 : i32
    %swap3A_248 = arith.index_cast %swap3A_247 : i32 to index
    %swap3A_249 = arith.constant 16 : index
    %swap3A_250 = tpu.vector_load %arg9[%swap3A_248, %swap3A_249] {strides = array<i32>} : memref<8x128xf32, #tpu.memory_space<vmem>>, vector<1x16xf32>,
    %swap3A_251 = vector.shape_cast %swap3A_250 : vector<1x16xf32> to vector<16xf32>
    %swap3A_252 = vector.shape_cast %broadcast_in_dim3A_1 : vector<16xf32> to vector<1x16xf32>
    tpu.vector_store %arg9[%swap3A_248, %swap3A_249], %swap3A_252 {strides = array<i32>} : memref<8x128xf32, #tpu.memory_space<vmem>>, vector<1x16xf32>,
    %swap3A_253 = arith.constant 5 : i32
    %swap3A_254 = arith.index_cast %swap3A_253 : i32 to index
    %swap3A_255 = arith.constant 32 : index
    %swap3A_256 = tpu.vector_load %arg9[%swap3A_254, %swap3A_255] {strides = array<i32>} : memref<8x128xf32, #tpu.memory_space<vmem>>, vector<1x16xf32>,
    %swap3A_257 = vector.shape_cast %swap3A_256 : vector<1x16xf32> to vector<16xf32>
    %swap3A_258 = vector.shape_cast %broadcast_in_dim3A_1 : vector<16xf32> to vector<1x16xf32>
    tpu.vector_store %arg9[%swap3A_254, %swap3A_255], %swap3A_258 {strides = array<i32>} : memref<8x128xf32, #tpu.memory_space<vmem>>, vector<1x16xf32>,
    %swap3A_259 = arith.constant 5 : i32
    %swap3A_260 = arith.index_cast %swap3A_259 : i32 to index
    %swap3A_261 = arith.constant 48 : index
    %swap3A_262 = tpu.vector_load %arg9[%swap3A_260, %swap3A_261] {strides = array<i32>} : memref<8x128xf32, #tpu.memory_space<vmem>>, vector<1x16xf32>,
    %swap3A_263 = vector.shape_cast %swap3A_262 : vector<1x16xf32> to vector<16xf32>
    %swap3A_264 = vector.shape_cast %broadcast_in_dim3A_1 : vector<16xf32> to vector<1x16xf32>
    tpu.vector_store %arg9[%swap3A_260, %swap3A_261], %swap3A_264 {strides = array<i32>} : memref<8x128xf32, #tpu.memory_space<vmem>>, vector<1x16xf32>,
    %swap3A_265 = arith.constant 5 : i32
    %swap3A_266 = arith.index_cast %swap3A_265 : i32 to index
    %swap3A_267 = arith.constant 64 : index
    %swap3A_268 = tpu.vector_load %arg9[%swap3A_266, %swap3A_267] {strides = array<i32>} : memref<8x128xf32, #tpu.memory_space<vmem>>, vector<1x16xf32>,
    %swap3A_269 = vector.shape_cast %swap3A_268 : vector<1x16xf32> to vector<16xf32>
    %swap3A_270 = vector.shape_cast %broadcast_in_dim3A_1 : vector<16xf32> to vector<1x16xf32>
    tpu.vector_store %arg9[%swap3A_266, %swap3A_267], %swap3A_270 {strides = array<i32>} : memref<8x128xf32, #tpu.memory_space<vmem>>, vector<1x16xf32>,
    %swap3A_271 = arith.constant 5 : i32
    %swap3A_272 = arith.index_cast %swap3A_271 : i32 to index
    %swap3A_273 = arith.constant 80 : index
    %swap3A_274 = tpu.vector_load %arg9[%swap3A_272, %swap3A_273] {strides = array<i32>} : memref<8x128xf32, #tpu.memory_space<vmem>>, vector<1x16xf32>,
    %swap3A_275 = vector.shape_cast %swap3A_274 : vector<1x16xf32> to vector<16xf32>
    %swap3A_276 = vector.shape_cast %broadcast_in_dim3A_1 : vector<16xf32> to vector<1x16xf32>
    tpu.vector_store %arg9[%swap3A_272, %swap3A_273], %swap3A_276 {strides = array<i32>} : memref<8x128xf32, #tpu.memory_space<vmem>>, vector<1x16xf32>,
    %swap3A_277 = arith.constant 5 : i32
    %swap3A_278 = arith.index_cast %swap3A_277 : i32 to index
    %swap3A_279 = arith.constant 96 : index
    %swap3A_280 = tpu.vector_load %arg9[%swap3A_278, %swap3A_279] {strides = array<i32>} : memref<8x128xf32, #tpu.memory_space<vmem>>, vector<1x16xf32>,
    %swap3A_281 = vector.shape_cast %swap3A_280 : vector<1x16xf32> to vector<16xf32>
    %swap3A_282 = vector.shape_cast %broadcast_in_dim3A_1 : vector<16xf32> to vector<1x16xf32>
    tpu.vector_store %arg9[%swap3A_278, %swap3A_279], %swap3A_282 {strides = array<i32>} : memref<8x128xf32, #tpu.memory_space<vmem>>, vector<1x16xf32>,
    %swap3A_283 = arith.constant 5 : i32
    %swap3A_284 = arith.index_cast %swap3A_283 : i32 to index
    %swap3A_285 = arith.constant 112 : index
    %swap3A_286 = tpu.vector_load %arg9[%swap3A_284, %swap3A_285] {strides = array<i32>} : memref<8x128xf32, #tpu.memory_space<vmem>>, vector<1x16xf32>,
    %swap3A_287 = vector.shape_cast %swap3A_286 : vector<1x16xf32> to vector<16xf32>
    %swap3A_288 = vector.shape_cast %broadcast_in_dim3A_1 : vector<16xf32> to vector<1x16xf32>
    tpu.vector_store %arg9[%swap3A_284, %swap3A_285], %swap3A_288 {strides = array<i32>} : memref<8x128xf32, #tpu.memory_space<vmem>>, vector<1x16xf32>,
    %swap3A_289 = arith.constant 6 : i32
    %swap3A_290 = arith.index_cast %swap3A_289 : i32 to index
    %swap3A_291 = arith.constant 0 : index
    %swap3A_292 = tpu.vector_load %arg9[%swap3A_290, %swap3A_291] {strides = array<i32>} : memref<8x128xf32, #tpu.memory_space<vmem>>, vector<1x16xf32>,
    %swap3A_293 = vector.shape_cast %swap3A_292 : vector<1x16xf32> to vector<16xf32>
    %swap3A_294 = vector.shape_cast %broadcast_in_dim3A_1 : vector<16xf32> to vector<1x16xf32>
    tpu.vector_store %arg9[%swap3A_290, %swap3A_291], %swap3A_294 {strides = array<i32>} : memref<8x128xf32, #tpu.memory_space<vmem>>, vector<1x16xf32>,
    %swap3A_295 = arith.constant 6 : i32
    %swap3A_296 = arith.index_cast %swap3A_295 : i32 to index
    %swap3A_297 = arith.constant 16 : index
    %swap3A_298 = tpu.vector_load %arg9[%swap3A_296, %swap3A_297] {strides = array<i32>} : memref<8x128xf32, #tpu.memory_space<vmem>>, vector<1x16xf32>,
    %swap3A_299 = vector.shape_cast %swap3A_298 : vector<1x16xf32> to vector<16xf32>
    %swap3A_300 = vector.shape_cast %broadcast_in_dim3A_1 : vector<16xf32> to vector<1x16xf32>
    tpu.vector_store %arg9[%swap3A_296, %swap3A_297], %swap3A_300 {strides = array<i32>} : memref<8x128xf32, #tpu.memory_space<vmem>>, vector<1x16xf32>,
    %swap3A_301 = arith.constant 6 : i32
    %swap3A_302 = arith.index_cast %swap3A_301 : i32 to index
    %swap3A_303 = arith.constant 32 : index
    %swap3A_304 = tpu.vector_load %arg9[%swap3A_302, %swap3A_303] {strides = array<i32>} : memref<8x128xf32, #tpu.memory_space<vmem>>, vector<1x16xf32>,
    %swap3A_305 = vector.shape_cast %swap3A_304 : vector<1x16xf32> to vector<16xf32>
    %swap3A_306 = vector.shape_cast %broadcast_in_dim3A_1 : vector<16xf32> to vector<1x16xf32>
    tpu.vector_store %arg9[%swap3A_302, %swap3A_303], %swap3A_306 {strides = array<i32>} : memref<8x128xf32, #tpu.memory_space<vmem>>, vector<1x16xf32>,
    %swap3A_307 = arith.constant 6 : i32
    %swap3A_308 = arith.index_cast %swap3A_307 : i32 to index
    %swap3A_309 = arith.constant 48 : index
    %swap3A_310 = tpu.vector_load %arg9[%swap3A_308, %swap3A_309] {strides = array<i32>} : memref<8x128xf32, #tpu.memory_space<vmem>>, vector<1x16xf32>,
    %swap3A_311 = vector.shape_cast %swap3A_310 : vector<1x16xf32> to vector<16xf32>
    %swap3A_312 = vector.shape_cast %broadcast_in_dim3A_1 : vector<16xf32> to vector<1x16xf32>
    tpu.vector_store %arg9[%swap3A_308, %swap3A_309], %swap3A_312 {strides = array<i32>} : memref<8x128xf32, #tpu.memory_space<vmem>>, vector<1x16xf32>,
    %swap3A_313 = arith.constant 6 : i32
    %swap3A_314 = arith.index_cast %swap3A_313 : i32 to index
    %swap3A_315 = arith.constant 64 : index
    %swap3A_316 = tpu.vector_load %arg9[%swap3A_314, %swap3A_315] {strides = array<i32>} : memref<8x128xf32, #tpu.memory_space<vmem>>, vector<1x16xf32>,
    %swap3A_317 = vector.shape_cast %swap3A_316 : vector<1x16xf32> to vector<16xf32>
    %swap3A_318 = vector.shape_cast %broadcast_in_dim3A_1 : vector<16xf32> to vector<1x16xf32>
    tpu.vector_store %arg9[%swap3A_314, %swap3A_315], %swap3A_318 {strides = array<i32>} : memref<8x128xf32, #tpu.memory_space<vmem>>, vector<1x16xf32>,
    %swap3A_319 = arith.constant 6 : i32
    %swap3A_320 = arith.index_cast %swap3A_319 : i32 to index
    %swap3A_321 = arith.constant 80 : index
    %swap3A_322 = tpu.vector_load %arg9[%swap3A_320, %swap3A_321] {strides = array<i32>} : memref<8x128xf32, #tpu.memory_space<vmem>>, vector<1x16xf32>,
    %swap3A_323 = vector.shape_cast %swap3A_322 : vector<1x16xf32> to vector<16xf32>
    %swap3A_324 = vector.shape_cast %broadcast_in_dim3A_1 : vector<16xf32> to vector<1x16xf32>
    tpu.vector_store %arg9[%swap3A_320, %swap3A_321], %swap3A_324 {strides = array<i32>} : memref<8x128xf32, #tpu.memory_space<vmem>>, vector<1x16xf32>,
    %swap3A_325 = arith.constant 6 : i32
    %swap3A_326 = arith.index_cast %swap3A_325 : i32 to index
    %swap3A_327 = arith.constant 96 : index
    %swap3A_328 = tpu.vector_load %arg9[%swap3A_326, %swap3A_327] {strides = array<i32>} : memref<8x128xf32, #tpu.memory_space<vmem>>, vector<1x16xf32>,
    %swap3A_329 = vector.shape_cast %swap3A_328 : vector<1x16xf32> to vector<16xf32>
    %swap3A_330 = vector.shape_cast %broadcast_in_dim3A_1 : vector<16xf32> to vector<1x16xf32>
    tpu.vector_store %arg9[%swap3A_326, %swap3A_327], %swap3A_330 {strides = array<i32>} : memref<8x128xf32, #tpu.memory_space<vmem>>, vector<1x16xf32>,
    %swap3A_331 = arith.constant 6 : i32
    %swap3A_332 = arith.index_cast %swap3A_331 : i32 to index
    %swap3A_333 = arith.constant 112 : index
    %swap3A_334 = tpu.vector_load %arg9[%swap3A_332, %swap3A_333] {strides = array<i32>} : memref<8x128xf32, #tpu.memory_space<vmem>>, vector<1x16xf32>,
    %swap3A_335 = vector.shape_cast %swap3A_334 : vector<1x16xf32> to vector<16xf32>
    %swap3A_336 = vector.shape_cast %broadcast_in_dim3A_1 : vector<16xf32> to vector<1x16xf32>
    tpu.vector_store %arg9[%swap3A_332, %swap3A_333], %swap3A_336 {strides = array<i32>} : memref<8x128xf32, #tpu.memory_space<vmem>>, vector<1x16xf32>,
    %swap3A_337 = arith.constant 7 : i32
    %swap3A_338 = arith.index_cast %swap3A_337 : i32 to index
    %swap3A_339 = arith.constant 0 : index
    %swap3A_340 = tpu.vector_load %arg9[%swap3A_338, %swap3A_339] {strides = array<i32>} : memref<8x128xf32, #tpu.memory_space<vmem>>, vector<1x16xf32>,
    %swap3A_341 = vector.shape_cast %swap3A_340 : vector<1x16xf32> to vector<16xf32>
    %swap3A_342 = vector.shape_cast %broadcast_in_dim3A_1 : vector<16xf32> to vector<1x16xf32>
    tpu.vector_store %arg9[%swap3A_338, %swap3A_339], %swap3A_342 {strides = array<i32>} : memref<8x128xf32, #tpu.memory_space<vmem>>, vector<1x16xf32>,
    %swap3A_343 = arith.constant 7 : i32
    %swap3A_344 = arith.index_cast %swap3A_343 : i32 to index
    %swap3A_345 = arith.constant 16 : index
    %swap3A_346 = tpu.vector_load %arg9[%swap3A_344, %swap3A_345] {strides = array<i32>} : memref<8x128xf32, #tpu.memory_space<vmem>>, vector<1x16xf32>,
    %swap3A_347 = vector.shape_cast %swap3A_346 : vector<1x16xf32> to vector<16xf32>
    %swap3A_348 = vector.shape_cast %broadcast_in_dim3A_1 : vector<16xf32> to vector<1x16xf32>
    tpu.vector_store %arg9[%swap3A_344, %swap3A_345], %swap3A_348 {strides = array<i32>} : memref<8x128xf32, #tpu.memory_space<vmem>>, vector<1x16xf32>,
    %swap3A_349 = arith.constant 7 : i32
    %swap3A_350 = arith.index_cast %swap3A_349 : i32 to index
    %swap3A_351 = arith.constant 32 : index
    %swap3A_352 = tpu.vector_load %arg9[%swap3A_350, %swap3A_351] {strides = array<i32>} : memref<8x128xf32, #tpu.memory_space<vmem>>, vector<1x16xf32>,
    %swap3A_353 = vector.shape_cast %swap3A_352 : vector<1x16xf32> to vector<16xf32>
    %swap3A_354 = vector.shape_cast %broadcast_in_dim3A_1 : vector<16xf32> to vector<1x16xf32>
    tpu.vector_store %arg9[%swap3A_350, %swap3A_351], %swap3A_354 {strides = array<i32>} : memref<8x128xf32, #tpu.memory_space<vmem>>, vector<1x16xf32>,
    %swap3A_355 = arith.constant 7 : i32
    %swap3A_356 = arith.index_cast %swap3A_355 : i32 to index
    %swap3A_357 = arith.constant 48 : index
    %swap3A_358 = tpu.vector_load %arg9[%swap3A_356, %swap3A_357] {strides = array<i32>} : memref<8x128xf32, #tpu.memory_space<vmem>>, vector<1x16xf32>,
    %swap3A_359 = vector.shape_cast %swap3A_358 : vector<1x16xf32> to vector<16xf32>
    %swap3A_360 = vector.shape_cast %broadcast_in_dim3A_1 : vector<16xf32> to vector<1x16xf32>
    tpu.vector_store %arg9[%swap3A_356, %swap3A_357], %swap3A_360 {strides = array<i32>} : memref<8x128xf32, #tpu.memory_space<vmem>>, vector<1x16xf32>,
    %swap3A_361 = arith.constant 7 : i32
    %swap3A_362 = arith.index_cast %swap3A_361 : i32 to index
    %swap3A_363 = arith.constant 64 : index
    %swap3A_364 = tpu.vector_load %arg9[%swap3A_362, %swap3A_363] {strides = array<i32>} : memref<8x128xf32, #tpu.memory_space<vmem>>, vector<1x16xf32>,
    %swap3A_365 = vector.shape_cast %swap3A_364 : vector<1x16xf32> to vector<16xf32>
    %swap3A_366 = vector.shape_cast %broadcast_in_dim3A_1 : vector<16xf32> to vector<1x16xf32>
    tpu.vector_store %arg9[%swap3A_362, %swap3A_363], %swap3A_366 {strides = array<i32>} : memref<8x128xf32, #tpu.memory_space<vmem>>, vector<1x16xf32>,
    %swap3A_367 = arith.constant 7 : i32
    %swap3A_368 = arith.index_cast %swap3A_367 : i32 to index
    %swap3A_369 = arith.constant 80 : index
    %swap3A_370 = tpu.vector_load %arg9[%swap3A_368, %swap3A_369] {strides = array<i32>} : memref<8x128xf32, #tpu.memory_space<vmem>>, vector<1x16xf32>,
    %swap3A_371 = vector.shape_cast %swap3A_370 : vector<1x16xf32> to vector<16xf32>
    %swap3A_372 = vector.shape_cast %broadcast_in_dim3A_1 : vector<16xf32> to vector<1x16xf32>
    tpu.vector_store %arg9[%swap3A_368, %swap3A_369], %swap3A_372 {strides = array<i32>} : memref<8x128xf32, #tpu.memory_space<vmem>>, vector<1x16xf32>,
    %swap3A_373 = arith.constant 7 : i32
    %swap3A_374 = arith.index_cast %swap3A_373 : i32 to index
    %swap3A_375 = arith.constant 96 : index
    %swap3A_376 = tpu.vector_load %arg9[%swap3A_374, %swap3A_375] {strides = array<i32>} : memref<8x128xf32, #tpu.memory_space<vmem>>, vector<1x16xf32>,
    %swap3A_377 = vector.shape_cast %swap3A_376 : vector<1x16xf32> to vector<16xf32>
    %swap3A_378 = vector.shape_cast %broadcast_in_dim3A_1 : vector<16xf32> to vector<1x16xf32>
    tpu.vector_store %arg9[%swap3A_374, %swap3A_375], %swap3A_378 {strides = array<i32>} : memref<8x128xf32, #tpu.memory_space<vmem>>, vector<1x16xf32>,
    %swap3A_379 = arith.constant 7 : i32
    %swap3A_380 = arith.index_cast %swap3A_379 : i32 to index
    %swap3A_381 = arith.constant 112 : index
    %swap3A_382 = tpu.vector_load %arg9[%swap3A_380, %swap3A_381] {strides = array<i32>} : memref<8x128xf32, #tpu.memory_space<vmem>>, vector<1x16xf32>,
    %swap3A_383 = vector.shape_cast %swap3A_382 : vector<1x16xf32> to vector<16xf32>
    %swap3A_384 = vector.shape_cast %broadcast_in_dim3A_1 : vector<16xf32> to vector<1x16xf32>
    tpu.vector_store %arg9[%swap3A_380, %swap3A_381], %swap3A_384 {strides = array<i32>} : memref<8x128xf32, #tpu.memory_space<vmem>>, vector<1x16xf32>,
    %scan3A = arith.constant 0 : i32
    %scan3A_385 = arith.constant 0 : i32
    %scan3A_386 = arith.constant 79 : i32
    %scan3A_387 = arith.addi %scan3A_385, %scan3A_386 : i32
    %scan3A_388 = arith.constant 1 : i32
    %scan3A_389 = scf.for %scan3A_456 = %scan3A_385 to %scan3A_387 step %scan3A_388 iter_args(%scan3A_457 = %scan3A) -> (i32)  : i32 {
      %mul3A_458 = arith.constant 632 : i32
      %mul3A_459 = arith.muli %arg1, %mul3A_458 : i32
      %mul3A_460 = arith.constant 8 : i32
      %mul3A_461 = arith.muli %scan3A_456, %mul3A_460 : i32
      %add3A_462 = arith.addi %mul3A_459, %mul3A_461 : i32
      "tpu.region"() ({
        %run_scoped3A = tpu.sem_alloc : memref<!tpu.dma_semaphore, #tpu.memory_space<semaphore_mem>>
        %dma_start3A_464 = arith.constant 0 : i32
        %dma_start3A_465 = tpu.memref_slice %arg10[%add3A_462, %dma_start3A_464] : memref<10112x128xf32, #tpu.memory_space<vmem_shared>> -> memref<8x128xf32, #tpu.memory_space<vmem_shared>>
        %dma_start3A_466 = arith.constant 0 : i32
        %dma_start3A_467 = tpu.memref_slice %arg10[%add3A_462, %dma_start3A_466] : memref<10112x128xf32, #tpu.memory_space<vmem_shared>> -> memref<8x128xf32, #tpu.memory_space<vmem_shared>>
        tpu.enqueue_dma source(%arg9 : memref<8x128xf32, #tpu.memory_space<vmem>>) target(%dma_start3A_467 : memref<8x128xf32, #tpu.memory_space<vmem_shared>>) target_semaphore(%run_scoped3A : memref<!tpu.dma_semaphore, #tpu.memory_space<semaphore_mem>>)
        %dma_wait3A_468 = arith.constant 0 : i32
        %dma_wait3A_469 = tpu.memref_slice %arg10[%add3A_462, %dma_wait3A_468] : memref<10112x128xf32, #tpu.memory_space<vmem_shared>> -> memref<8x128xf32, #tpu.memory_space<vmem_shared>>
        %dma_wait3A_470 = arith.constant 0 : i32
        %dma_wait3A_471 = tpu.memref_slice %arg10[%add3A_462, %dma_wait3A_470] : memref<10112x128xf32, #tpu.memory_space<vmem_shared>> -> memref<8x128xf32, #tpu.memory_space<vmem_shared>>
        tpu.wait_dma2 semaphore(%run_scoped3A : memref<!tpu.dma_semaphore, #tpu.memory_space<semaphore_mem>>) src(%arg9 : memref<8x128xf32, #tpu.memory_space<vmem>>) dst(%dma_wait3A_471 : memref<8x128xf32, #tpu.memory_space<vmem_shared>>)
        tpu.yield
      }) : () -> ()
      %scan3A_463 = arith.constant 0 : i32
      scf.yield %scan3A_463 : i32
    }
    %scan3A_390 = arith.constant 79 : i32
    %barrier3A = arith.constant 0 : index
    tpu.barrier barrier_id(%barrier3A)
    "tpu.region"() ({
      %run_scoped3A = tpu.sem_alloc : memref<!tpu.dma_semaphore, #tpu.memory_space<semaphore_mem>>
      %dma_start3A_456 = arith.constant 0 : i32
      %dma_start3A_457 = arith.constant 0 : i32
      %dma_start3A_458 = tpu.memref_slice %arg2[%add3A, %dma_start3A_456, %dma_start3A_457] : memref<32x80x128xi32, #tpu.memory_space<hbm>> -> memref<1x80x128xi32, #tpu.memory_space<hbm>>
      %dma_start3A_459 = tpu.memref_squeeze %dma_start3A_458 : memref<1x80x128xi32, #tpu.memory_space<hbm>> -> memref<80x128xi32, #tpu.memory_space<hbm>>
      %dma_start3A_460 = arith.constant 0 : i32
      %dma_start3A_461 = arith.constant 0 : i32
      %dma_start3A_462 = tpu.memref_slice %dma_start3A_459[%dma_start3A_460, %dma_start3A_461] : memref<80x128xi32, #tpu.memory_space<hbm>> -> memref<40x128xi32, #tpu.memory_space<hbm>>
      %dma_start3A_463 = arith.constant 0 : i32
      %dma_start3A_464 = arith.constant 0 : i32
      %dma_start3A_465 = tpu.memref_slice %arg2[%add3A, %dma_start3A_463, %dma_start3A_464] : memref<32x80x128xi32, #tpu.memory_space<hbm>> -> memref<1x80x128xi32, #tpu.memory_space<hbm>>
      %dma_start3A_466 = tpu.memref_squeeze %dma_start3A_465 : memref<1x80x128xi32, #tpu.memory_space<hbm>> -> memref<80x128xi32, #tpu.memory_space<hbm>>
      %dma_start3A_467 = arith.constant 0 : i32
      %dma_start3A_468 = arith.constant 0 : i32
      %dma_start3A_469 = tpu.memref_slice %dma_start3A_466[%dma_start3A_467, %dma_start3A_468] : memref<80x128xi32, #tpu.memory_space<hbm>> -> memref<40x128xi32, #tpu.memory_space<hbm>>
      tpu.enqueue_dma source(%dma_start3A_469 : memref<40x128xi32, #tpu.memory_space<hbm>>) target(%arg6 : memref<40x128xi32, #tpu.memory_space<vmem>>) target_semaphore(%run_scoped3A : memref<!tpu.dma_semaphore, #tpu.memory_space<semaphore_mem>>)
      %dma_wait3A_470 = arith.constant 0 : i32
      %dma_wait3A_471 = arith.constant 0 : i32
      %dma_wait3A_472 = tpu.memref_slice %arg2[%add3A, %dma_wait3A_470, %dma_wait3A_471] : memref<32x80x128xi32, #tpu.memory_space<hbm>> -> memref<1x80x128xi32, #tpu.memory_space<hbm>>
      %dma_wait3A_473 = tpu.memref_squeeze %dma_wait3A_472 : memref<1x80x128xi32, #tpu.memory_space<hbm>> -> memref<80x128xi32, #tpu.memory_space<hbm>>
      %dma_wait3A_474 = arith.constant 0 : i32
      %dma_wait3A_475 = arith.constant 0 : i32
      %dma_wait3A_476 = tpu.memref_slice %dma_wait3A_473[%dma_wait3A_474, %dma_wait3A_475] : memref<80x128xi32, #tpu.memory_space<hbm>> -> memref<40x128xi32, #tpu.memory_space<hbm>>
      %dma_wait3A_477 = arith.constant 0 : i32
      %dma_wait3A_478 = arith.constant 0 : i32
      %dma_wait3A_479 = tpu.memref_slice %arg2[%add3A, %dma_wait3A_477, %dma_wait3A_478] : memref<32x80x128xi32, #tpu.memory_space<hbm>> -> memref<1x80x128xi32, #tpu.memory_space<hbm>>
      %dma_wait3A_480 = tpu.memref_squeeze %dma_wait3A_479 : memref<1x80x128xi32, #tpu.memory_space<hbm>> -> memref<80x128xi32, #tpu.memory_space<hbm>>
      %dma_wait3A_481 = arith.constant 0 : i32
      %dma_wait3A_482 = arith.constant 0 : i32
      %dma_wait3A_483 = tpu.memref_slice %dma_wait3A_480[%dma_wait3A_481, %dma_wait3A_482] : memref<80x128xi32, #tpu.memory_space<hbm>> -> memref<40x128xi32, #tpu.memory_space<hbm>>
      tpu.wait_dma2 semaphore(%run_scoped3A : memref<!tpu.dma_semaphore, #tpu.memory_space<semaphore_mem>>) src(%dma_wait3A_483 : memref<40x128xi32, #tpu.memory_space<hbm>>) dst(%arg6 : memref<40x128xi32, #tpu.memory_space<vmem>>)
      tpu.yield
    }) : () -> ()
    "tpu.region"() ({
      %run_scoped3A = tpu.sem_alloc : memref<!tpu.dma_semaphore, #tpu.memory_space<semaphore_mem>>
      %dma_start3A_456 = arith.constant 0 : i32
      %dma_start3A_457 = arith.constant 0 : i32
      %dma_start3A_458 = tpu.memref_slice %arg3[%add3A, %dma_start3A_456, %dma_start3A_457] : memref<32x80x128xi32, #tpu.memory_space<hbm>> -> memref<1x80x128xi32, #tpu.memory_space<hbm>>
      %dma_start3A_459 = tpu.memref_squeeze %dma_start3A_458 : memref<1x80x128xi32, #tpu.memory_space<hbm>> -> memref<80x128xi32, #tpu.memory_space<hbm>>
      %dma_start3A_460 = arith.constant 0 : i32
      %dma_start3A_461 = arith.constant 0 : i32
      %dma_start3A_462 = tpu.memref_slice %dma_start3A_459[%dma_start3A_460, %dma_start3A_461] : memref<80x128xi32, #tpu.memory_space<hbm>> -> memref<40x128xi32, #tpu.memory_space<hbm>>
      %dma_start3A_463 = arith.constant 0 : i32
      %dma_start3A_464 = arith.constant 0 : i32
      %dma_start3A_465 = tpu.memref_slice %arg3[%add3A, %dma_start3A_463, %dma_start3A_464] : memref<32x80x128xi32, #tpu.memory_space<hbm>> -> memref<1x80x128xi32, #tpu.memory_space<hbm>>
      %dma_start3A_466 = tpu.memref_squeeze %dma_start3A_465 : memref<1x80x128xi32, #tpu.memory_space<hbm>> -> memref<80x128xi32, #tpu.memory_space<hbm>>
      %dma_start3A_467 = arith.constant 0 : i32
      %dma_start3A_468 = arith.constant 0 : i32
      %dma_start3A_469 = tpu.memref_slice %dma_start3A_466[%dma_start3A_467, %dma_start3A_468] : memref<80x128xi32, #tpu.memory_space<hbm>> -> memref<40x128xi32, #tpu.memory_space<hbm>>
      tpu.enqueue_dma source(%dma_start3A_469 : memref<40x128xi32, #tpu.memory_space<hbm>>) target(%arg7 : memref<40x128xi32, #tpu.memory_space<vmem>>) target_semaphore(%run_scoped3A : memref<!tpu.dma_semaphore, #tpu.memory_space<semaphore_mem>>)
      %dma_wait3A_470 = arith.constant 0 : i32
      %dma_wait3A_471 = arith.constant 0 : i32
      %dma_wait3A_472 = tpu.memref_slice %arg3[%add3A, %dma_wait3A_470, %dma_wait3A_471] : memref<32x80x128xi32, #tpu.memory_space<hbm>> -> memref<1x80x128xi32, #tpu.memory_space<hbm>>
      %dma_wait3A_473 = tpu.memref_squeeze %dma_wait3A_472 : memref<1x80x128xi32, #tpu.memory_space<hbm>> -> memref<80x128xi32, #tpu.memory_space<hbm>>
      %dma_wait3A_474 = arith.constant 0 : i32
      %dma_wait3A_475 = arith.constant 0 : i32
      %dma_wait3A_476 = tpu.memref_slice %dma_wait3A_473[%dma_wait3A_474, %dma_wait3A_475] : memref<80x128xi32, #tpu.memory_space<hbm>> -> memref<40x128xi32, #tpu.memory_space<hbm>>
      %dma_wait3A_477 = arith.constant 0 : i32
      %dma_wait3A_478 = arith.constant 0 : i32
      %dma_wait3A_479 = tpu.memref_slice %arg3[%add3A, %dma_wait3A_477, %dma_wait3A_478] : memref<32x80x128xi32, #tpu.memory_space<hbm>> -> memref<1x80x128xi32, #tpu.memory_space<hbm>>
      %dma_wait3A_480 = tpu.memref_squeeze %dma_wait3A_479 : memref<1x80x128xi32, #tpu.memory_space<hbm>> -> memref<80x128xi32, #tpu.memory_space<hbm>>
      %dma_wait3A_481 = arith.constant 0 : i32
      %dma_wait3A_482 = arith.constant 0 : i32
      %dma_wait3A_483 = tpu.memref_slice %dma_wait3A_480[%dma_wait3A_481, %dma_wait3A_482] : memref<80x128xi32, #tpu.memory_space<hbm>> -> memref<40x128xi32, #tpu.memory_space<hbm>>
      tpu.wait_dma2 semaphore(%run_scoped3A : memref<!tpu.dma_semaphore, #tpu.memory_space<semaphore_mem>>) src(%dma_wait3A_483 : memref<40x128xi32, #tpu.memory_space<hbm>>) dst(%arg7 : memref<40x128xi32, #tpu.memory_space<vmem>>)
      tpu.yield
    }) : () -> ()
    %dma_start3A = arith.constant 0 : i32
    %dma_start3A_391 = arith.constant 0 : i32
    %dma_start3A_392 = arith.constant 0 : i32
    %dma_start3A_393 = arith.constant 0 : i32
    %dma_start3A_394 = tpu.memref_slice %arg8[%dma_start3A_391, %dma_start3A_392, %dma_start3A_393] : memref<2x128x128xf32, #tpu.memory_space<vmem>> -> memref<1x128x128xf32, #tpu.memory_space<vmem>>
    %dma_start3A_395 = tpu.memref_squeeze %dma_start3A_394 : memref<1x128x128xf32, #tpu.memory_space<vmem>> -> memref<128x128xf32, #tpu.memory_space<vmem>>
    %dma_start3A_396 = arith.constant 0 : i32
    %dma_start3A_397 = tpu.memref_slice %arg6[%dma_start3A, %dma_start3A_396] : memref<40x128xi32, #tpu.memory_space<vmem>> -> memref<1x128xi32, #tpu.memory_space<vmem>>
    %dma_start3A_398 = tpu.memref_squeeze %dma_start3A_397 : memref<1x128xi32, #tpu.memory_space<vmem>> -> memref<128xi32, #tpu.memory_space<vmem>>
    %dma_start3A_399 = arith.constant 0 : i32
    %dma_start3A_400 = arith.constant 0 : i32
    %dma_start3A_401 = tpu.memref_slice %arg4[%dma_start3A_399, %dma_start3A_400] : memref<10112x128xf32, #tpu.memory_space<hbm>> -> memref<10112x128xf32, #tpu.memory_space<hbm>>
    tpu.enqueue_indirect_dma source(%dma_start3A_401 : memref<10112x128xf32, #tpu.memory_space<hbm>>) target(%dma_start3A_395 : memref<128x128xf32, #tpu.memory_space<vmem>>) offsets(%dma_start3A_398 : memref<128xi32, #tpu.memory_space<vmem>>) semaphore(%arg11 : memref<!tpu.dma_semaphore, #tpu.memory_space<semaphore_mem>>)
    %scan3A_402 = arith.constant 0 : i32
    %scan3A_403 = arith.constant 0 : i32
    %scan3A_404 = arith.constant 20 : i32
    %scan3A_405 = arith.addi %scan3A_403, %scan3A_404 : i32
    %scan3A_406 = arith.constant 1 : i32
    %scan3A_407 = scf.for %scan3A_456 = %scan3A_403 to %scan3A_405 step %scan3A_406 iter_args(%scan3A_457 = %scan3A_402) -> (i32)  : i32 {
      %mul3A_458 = arith.constant 2 : i32
      %mul3A_459 = arith.muli %mul3A_458, %scan3A_456 : i32
      %add3A_460 = arith.constant 1 : i32
      %add3A_461 = arith.addi %mul3A_459, %add3A_460 : i32
      %dma_start3A_462 = arith.constant 1 : i32
      %dma_start3A_463 = arith.constant 0 : i32
      %dma_start3A_464 = arith.constant 0 : i32
      %dma_start3A_465 = tpu.memref_slice %arg8[%dma_start3A_462, %dma_start3A_463, %dma_start3A_464] : memref<2x128x128xf32, #tpu.memory_space<vmem>> -> memref<1x128x128xf32, #tpu.memory_space<vmem>>
      %dma_start3A_466 = tpu.memref_squeeze %dma_start3A_465 : memref<1x128x128xf32, #tpu.memory_space<vmem>> -> memref<128x128xf32, #tpu.memory_space<vmem>>
      %dma_start3A_467 = arith.constant 0 : i32
      %dma_start3A_468 = tpu.memref_slice %arg6[%add3A_461, %dma_start3A_467] : memref<40x128xi32, #tpu.memory_space<vmem>> -> memref<1x128xi32, #tpu.memory_space<vmem>>
      %dma_start3A_469 = tpu.memref_squeeze %dma_start3A_468 : memref<1x128xi32, #tpu.memory_space<vmem>> -> memref<128xi32, #tpu.memory_space<vmem>>
      %dma_start3A_470 = arith.constant 0 : i32
      %dma_start3A_471 = arith.constant 0 : i32
      %dma_start3A_472 = tpu.memref_slice %arg4[%dma_start3A_470, %dma_start3A_471] : memref<10112x128xf32, #tpu.memory_space<hbm>> -> memref<10112x128xf32, #tpu.memory_space<hbm>>
      tpu.enqueue_indirect_dma source(%dma_start3A_472 : memref<10112x128xf32, #tpu.memory_space<hbm>>) target(%dma_start3A_466 : memref<128x128xf32, #tpu.memory_space<vmem>>) offsets(%dma_start3A_469 : memref<128xi32, #tpu.memory_space<vmem>>) semaphore(%arg12 : memref<!tpu.dma_semaphore, #tpu.memory_space<semaphore_mem>>)
      %dma_wait3A_473 = arith.constant 0 : i32
      %dma_wait3A_474 = arith.constant 0 : i32
      %dma_wait3A_475 = arith.constant 0 : i32
      %dma_wait3A_476 = tpu.memref_slice %arg8[%dma_wait3A_473, %dma_wait3A_474, %dma_wait3A_475] : memref<2x128x128xf32, #tpu.memory_space<vmem>> -> memref<1x128x128xf32, #tpu.memory_space<vmem>>
      %dma_wait3A_477 = tpu.memref_squeeze %dma_wait3A_476 : memref<1x128x128xf32, #tpu.memory_space<vmem>> -> memref<128x128xf32, #tpu.memory_space<vmem>>
      %dma_wait3A_478 = arith.constant 0 : i32
      %dma_wait3A_479 = tpu.memref_slice %arg6[%mul3A_459, %dma_wait3A_478] : memref<40x128xi32, #tpu.memory_space<vmem>> -> memref<1x128xi32, #tpu.memory_space<vmem>>
      %dma_wait3A_480 = tpu.memref_squeeze %dma_wait3A_479 : memref<1x128xi32, #tpu.memory_space<vmem>> -> memref<128xi32, #tpu.memory_space<vmem>>
      %dma_wait3A_481 = arith.constant 0 : i32
      %dma_wait3A_482 = arith.constant 0 : i32
      %dma_wait3A_483 = tpu.memref_slice %arg4[%dma_wait3A_481, %dma_wait3A_482] : memref<10112x128xf32, #tpu.memory_space<hbm>> -> memref<10112x128xf32, #tpu.memory_space<hbm>>
      tpu.wait_indirect_dma semaphore(%arg11 : memref<!tpu.dma_semaphore, #tpu.memory_space<semaphore_mem>>) src(%dma_wait3A_483 : memref<10112x128xf32, #tpu.memory_space<hbm>>) dst(%dma_wait3A_477 : memref<128x128xf32, #tpu.memory_space<vmem>>)
      %run_scoped3A = arith.constant 0 : i32
      "tpu.region"() ({
        %run_scoped3A_515 = tpu.sem_alloc : memref<!tpu.dma_semaphore, #tpu.memory_space<semaphore_mem>>
        %dma_start3A_516 = arith.constant 0 : i32
        %dma_start3A_517 = arith.constant 0 : i32
        %dma_start3A_518 = tpu.memref_slice %arg8[%run_scoped3A, %dma_start3A_516, %dma_start3A_517] : memref<2x128x128xf32, #tpu.memory_space<vmem>> -> memref<1x128x128xf32, #tpu.memory_space<vmem>>
        %dma_start3A_519 = tpu.memref_squeeze %dma_start3A_518 : memref<1x128x128xf32, #tpu.memory_space<vmem>> -> memref<128x128xf32, #tpu.memory_space<vmem>>
        %dma_start3A_520 = arith.constant 0 : i32
        %dma_start3A_521 = tpu.memref_slice %arg7[%mul3A_459, %dma_start3A_520] : memref<40x128xi32, #tpu.memory_space<vmem>> -> memref<1x128xi32, #tpu.memory_space<vmem>>
        %dma_start3A_522 = tpu.memref_squeeze %dma_start3A_521 : memref<1x128xi32, #tpu.memory_space<vmem>> -> memref<128xi32, #tpu.memory_space<vmem>>
        %dma_start3A_523 = arith.constant 0 : i32
        %dma_start3A_524 = arith.constant 0 : i32
        %dma_start3A_525 = tpu.memref_slice %arg10[%dma_start3A_523, %dma_start3A_524] : memref<10112x128xf32, #tpu.memory_space<vmem_shared>> -> memref<10112x128xf32, #tpu.memory_space<vmem_shared>>
        tpu.enqueue_indirect_dma source(%dma_start3A_519 : memref<128x128xf32, #tpu.memory_space<vmem>>) target(%dma_start3A_525 : memref<10112x128xf32, #tpu.memory_space<vmem_shared>>) offsets(%dma_start3A_522 : memref<128xi32, #tpu.memory_space<vmem>>) semaphore(%run_scoped3A_515 : memref<!tpu.dma_semaphore, #tpu.memory_space<semaphore_mem>>) {add = true}
        %dma_wait3A_526 = arith.constant 0 : i32
        %dma_wait3A_527 = arith.constant 0 : i32
        %dma_wait3A_528 = tpu.memref_slice %arg8[%run_scoped3A, %dma_wait3A_526, %dma_wait3A_527] : memref<2x128x128xf32, #tpu.memory_space<vmem>> -> memref<1x128x128xf32, #tpu.memory_space<vmem>>
        %dma_wait3A_529 = tpu.memref_squeeze %dma_wait3A_528 : memref<1x128x128xf32, #tpu.memory_space<vmem>> -> memref<128x128xf32, #tpu.memory_space<vmem>>
        %dma_wait3A_530 = arith.constant 0 : i32
        %dma_wait3A_531 = tpu.memref_slice %arg7[%mul3A_459, %dma_wait3A_530] : memref<40x128xi32, #tpu.memory_space<vmem>> -> memref<1x128xi32, #tpu.memory_space<vmem>>
        %dma_wait3A_532 = tpu.memref_squeeze %dma_wait3A_531 : memref<1x128xi32, #tpu.memory_space<vmem>> -> memref<128xi32, #tpu.memory_space<vmem>>
        %dma_wait3A_533 = arith.constant 0 : i32
        %dma_wait3A_534 = arith.constant 0 : i32
        %dma_wait3A_535 = tpu.memref_slice %arg10[%dma_wait3A_533, %dma_wait3A_534] : memref<10112x128xf32, #tpu.memory_space<vmem_shared>> -> memref<10112x128xf32, #tpu.memory_space<vmem_shared>>
        tpu.wait_indirect_dma semaphore(%run_scoped3A_515 : memref<!tpu.dma_semaphore, #tpu.memory_space<semaphore_mem>>) src(%dma_wait3A_529 : memref<128x128xf32, #tpu.memory_space<vmem>>) dst(%dma_wait3A_535 : memref<10112x128xf32, #tpu.memory_space<vmem_shared>>)
        tpu.yield
      }) : () -> ()
      %add3A_484 = arith.constant 2 : i32
      %add3A_485 = arith.addi %mul3A_459, %add3A_484 : i32
      %min3A = arith.constant 39 : i32
      %min3A_486 = arith.minsi %add3A_485, %min3A : i32
      %dma_start3A_487 = arith.constant 0 : i32
      %dma_start3A_488 = arith.constant 0 : i32
      %dma_start3A_489 = arith.constant 0 : i32
      %dma_start3A_490 = tpu.memref_slice %arg8[%dma_start3A_487, %dma_start3A_488, %dma_start3A_489] : memref<2x128x128xf32, #tpu.memory_space<vmem>> -> memref<1x128x128xf32, #tpu.memory_space<vmem>>
      %dma_start3A_491 = tpu.memref_squeeze %dma_start3A_490 : memref<1x128x128xf32, #tpu.memory_space<vmem>> -> memref<128x128xf32, #tpu.memory_space<vmem>>
      %dma_start3A_492 = arith.constant 0 : i32
      %dma_start3A_493 = tpu.memref_slice %arg6[%min3A_486, %dma_start3A_492] : memref<40x128xi32, #tpu.memory_space<vmem>> -> memref<1x128xi32, #tpu.memory_space<vmem>>
      %dma_start3A_494 = tpu.memref_squeeze %dma_start3A_493 : memref<1x128xi32, #tpu.memory_space<vmem>> -> memref<128xi32, #tpu.memory_space<vmem>>
      %dma_start3A_495 = arith.constant 0 : i32
      %dma_start3A_496 = arith.constant 0 : i32
      %dma_start3A_497 = tpu.memref_slice %arg4[%dma_start3A_495, %dma_start3A_496] : memref<10112x128xf32, #tpu.memory_space<hbm>> -> memref<10112x128xf32, #tpu.memory_space<hbm>>
      tpu.enqueue_indirect_dma source(%dma_start3A_497 : memref<10112x128xf32, #tpu.memory_space<hbm>>) target(%dma_start3A_491 : memref<128x128xf32, #tpu.memory_space<vmem>>) offsets(%dma_start3A_494 : memref<128xi32, #tpu.memory_space<vmem>>) semaphore(%arg11 : memref<!tpu.dma_semaphore, #tpu.memory_space<semaphore_mem>>)
      %add3A_498 = arith.constant 1 : i32
      %add3A_499 = arith.addi %mul3A_459, %add3A_498 : i32
      %dma_wait3A_500 = arith.constant 1 : i32
      %dma_wait3A_501 = arith.constant 0 : i32
      %dma_wait3A_502 = arith.constant 0 : i32
      %dma_wait3A_503 = tpu.memref_slice %arg8[%dma_wait3A_500, %dma_wait3A_501, %dma_wait3A_502] : memref<2x128x128xf32, #tpu.memory_space<vmem>> -> memref<1x128x128xf32, #tpu.memory_space<vmem>>
      %dma_wait3A_504 = tpu.memref_squeeze %dma_wait3A_503 : memref<1x128x128xf32, #tpu.memory_space<vmem>> -> memref<128x128xf32, #tpu.memory_space<vmem>>
      %dma_wait3A_505 = arith.constant 0 : i32
      %dma_wait3A_506 = tpu.memref_slice %arg6[%add3A_499, %dma_wait3A_505] : memref<40x128xi32, #tpu.memory_space<vmem>> -> memref<1x128xi32, #tpu.memory_space<vmem>>
      %dma_wait3A_507 = tpu.memref_squeeze %dma_wait3A_506 : memref<1x128xi32, #tpu.memory_space<vmem>> -> memref<128xi32, #tpu.memory_space<vmem>>
      %dma_wait3A_508 = arith.constant 0 : i32
      %dma_wait3A_509 = arith.constant 0 : i32
      %dma_wait3A_510 = tpu.memref_slice %arg4[%dma_wait3A_508, %dma_wait3A_509] : memref<10112x128xf32, #tpu.memory_space<hbm>> -> memref<10112x128xf32, #tpu.memory_space<hbm>>
      tpu.wait_indirect_dma semaphore(%arg12 : memref<!tpu.dma_semaphore, #tpu.memory_space<semaphore_mem>>) src(%dma_wait3A_510 : memref<10112x128xf32, #tpu.memory_space<hbm>>) dst(%dma_wait3A_504 : memref<128x128xf32, #tpu.memory_space<vmem>>)
      %add3A_511 = arith.constant 1 : i32
      %add3A_512 = arith.addi %mul3A_459, %add3A_511 : i32
      %run_scoped3A_513 = arith.constant 1 : i32
      "tpu.region"() ({
        %run_scoped3A_515 = tpu.sem_alloc : memref<!tpu.dma_semaphore, #tpu.memory_space<semaphore_mem>>
        %dma_start3A_516 = arith.constant 0 : i32
        %dma_start3A_517 = arith.constant 0 : i32
        %dma_start3A_518 = tpu.memref_slice %arg8[%run_scoped3A_513, %dma_start3A_516, %dma_start3A_517] : memref<2x128x128xf32, #tpu.memory_space<vmem>> -> memref<1x128x128xf32, #tpu.memory_space<vmem>>
        %dma_start3A_519 = tpu.memref_squeeze %dma_start3A_518 : memref<1x128x128xf32, #tpu.memory_space<vmem>> -> memref<128x128xf32, #tpu.memory_space<vmem>>
        %dma_start3A_520 = arith.constant 0 : i32
        %dma_start3A_521 = tpu.memref_slice %arg7[%add3A_512, %dma_start3A_520] : memref<40x128xi32, #tpu.memory_space<vmem>> -> memref<1x128xi32, #tpu.memory_space<vmem>>
        %dma_start3A_522 = tpu.memref_squeeze %dma_start3A_521 : memref<1x128xi32, #tpu.memory_space<vmem>> -> memref<128xi32, #tpu.memory_space<vmem>>
        %dma_start3A_523 = arith.constant 0 : i32
        %dma_start3A_524 = arith.constant 0 : i32
        %dma_start3A_525 = tpu.memref_slice %arg10[%dma_start3A_523, %dma_start3A_524] : memref<10112x128xf32, #tpu.memory_space<vmem_shared>> -> memref<10112x128xf32, #tpu.memory_space<vmem_shared>>
        tpu.enqueue_indirect_dma source(%dma_start3A_519 : memref<128x128xf32, #tpu.memory_space<vmem>>) target(%dma_start3A_525 : memref<10112x128xf32, #tpu.memory_space<vmem_shared>>) offsets(%dma_start3A_522 : memref<128xi32, #tpu.memory_space<vmem>>) semaphore(%run_scoped3A_515 : memref<!tpu.dma_semaphore, #tpu.memory_space<semaphore_mem>>) {add = true}
        %dma_wait3A_526 = arith.constant 0 : i32
        %dma_wait3A_527 = arith.constant 0 : i32
        %dma_wait3A_528 = tpu.memref_slice %arg8[%run_scoped3A_513, %dma_wait3A_526, %dma_wait3A_527] : memref<2x128x128xf32, #tpu.memory_space<vmem>> -> memref<1x128x128xf32, #tpu.memory_space<vmem>>
        %dma_wait3A_529 = tpu.memref_squeeze %dma_wait3A_528 : memref<1x128x128xf32, #tpu.memory_space<vmem>> -> memref<128x128xf32, #tpu.memory_space<vmem>>
        %dma_wait3A_530 = arith.constant 0 : i32
        %dma_wait3A_531 = tpu.memref_slice %arg7[%add3A_512, %dma_wait3A_530] : memref<40x128xi32, #tpu.memory_space<vmem>> -> memref<1x128xi32, #tpu.memory_space<vmem>>
        %dma_wait3A_532 = tpu.memref_squeeze %dma_wait3A_531 : memref<1x128xi32, #tpu.memory_space<vmem>> -> memref<128xi32, #tpu.memory_space<vmem>>
        %dma_wait3A_533 = arith.constant 0 : i32
        %dma_wait3A_534 = arith.constant 0 : i32
        %dma_wait3A_535 = tpu.memref_slice %arg10[%dma_wait3A_533, %dma_wait3A_534] : memref<10112x128xf32, #tpu.memory_space<vmem_shared>> -> memref<10112x128xf32, #tpu.memory_space<vmem_shared>>
        tpu.wait_indirect_dma semaphore(%run_scoped3A_515 : memref<!tpu.dma_semaphore, #tpu.memory_space<semaphore_mem>>) src(%dma_wait3A_529 : memref<128x128xf32, #tpu.memory_space<vmem>>) dst(%dma_wait3A_535 : memref<10112x128xf32, #tpu.memory_space<vmem_shared>>)
        tpu.yield
      }) : () -> ()
      %scan3A_514 = arith.constant 0 : i32
      scf.yield %scan3A_514 : i32
    }
    %scan3A_408 = arith.constant 20 : i32
    %dma_wait3A = arith.constant 39 : i32
    %dma_wait3A_409 = arith.constant 0 : i32
    %dma_wait3A_410 = arith.constant 0 : i32
    %dma_wait3A_411 = arith.constant 0 : i32
    %dma_wait3A_412 = tpu.memref_slice %arg8[%dma_wait3A_409, %dma_wait3A_410, %dma_wait3A_411] : memref<2x128x128xf32, #tpu.memory_space<vmem>> -> memref<1x128x128xf32, #tpu.memory_space<vmem>>
    %dma_wait3A_413 = tpu.memref_squeeze %dma_wait3A_412 : memref<1x128x128xf32, #tpu.memory_space<vmem>> -> memref<128x128xf32, #tpu.memory_space<vmem>>
    %dma_wait3A_414 = arith.constant 0 : i32
    %dma_wait3A_415 = tpu.memref_slice %arg6[%dma_wait3A, %dma_wait3A_414] : memref<40x128xi32, #tpu.memory_space<vmem>> -> memref<1x128xi32, #tpu.memory_space<vmem>>
    %dma_wait3A_416 = tpu.memref_squeeze %dma_wait3A_415 : memref<1x128xi32, #tpu.memory_space<vmem>> -> memref<128xi32, #tpu.memory_space<vmem>>
    %dma_wait3A_417 = arith.constant 0 : i32
    %dma_wait3A_418 = arith.constant 0 : i32
    %dma_wait3A_419 = tpu.memref_slice %arg4[%dma_wait3A_417, %dma_wait3A_418] : memref<10112x128xf32, #tpu.memory_space<hbm>> -> memref<10112x128xf32, #tpu.memory_space<hbm>>
    tpu.wait_indirect_dma semaphore(%arg11 : memref<!tpu.dma_semaphore, #tpu.memory_space<semaphore_mem>>) src(%dma_wait3A_419 : memref<10112x128xf32, #tpu.memory_space<hbm>>) dst(%dma_wait3A_413 : memref<128x128xf32, #tpu.memory_space<vmem>>)
    "tpu.region"() ({
      %run_scoped3A = tpu.sem_alloc : memref<!tpu.dma_semaphore, #tpu.memory_space<semaphore_mem>>
      %dma_start3A_456 = arith.constant 0 : i32
      %dma_start3A_457 = arith.constant 0 : i32
      %dma_start3A_458 = tpu.memref_slice %arg2[%add3A, %dma_start3A_456, %dma_start3A_457] : memref<32x80x128xi32, #tpu.memory_space<hbm>> -> memref<1x80x128xi32, #tpu.memory_space<hbm>>
      %dma_start3A_459 = tpu.memref_squeeze %dma_start3A_458 : memref<1x80x128xi32, #tpu.memory_space<hbm>> -> memref<80x128xi32, #tpu.memory_space<hbm>>
      %dma_start3A_460 = arith.constant 40 : i32
      %dma_start3A_461 = arith.constant 0 : i32
      %dma_start3A_462 = tpu.memref_slice %dma_start3A_459[%dma_start3A_460, %dma_start3A_461] : memref<80x128xi32, #tpu.memory_space<hbm>> -> memref<40x128xi32, #tpu.memory_space<hbm>>
      %dma_start3A_463 = arith.constant 0 : i32
      %dma_start3A_464 = arith.constant 0 : i32
      %dma_start3A_465 = tpu.memref_slice %arg2[%add3A, %dma_start3A_463, %dma_start3A_464] : memref<32x80x128xi32, #tpu.memory_space<hbm>> -> memref<1x80x128xi32, #tpu.memory_space<hbm>>
      %dma_start3A_466 = tpu.memref_squeeze %dma_start3A_465 : memref<1x80x128xi32, #tpu.memory_space<hbm>> -> memref<80x128xi32, #tpu.memory_space<hbm>>
      %dma_start3A_467 = arith.constant 40 : i32
      %dma_start3A_468 = arith.constant 0 : i32
      %dma_start3A_469 = tpu.memref_slice %dma_start3A_466[%dma_start3A_467, %dma_start3A_468] : memref<80x128xi32, #tpu.memory_space<hbm>> -> memref<40x128xi32, #tpu.memory_space<hbm>>
      tpu.enqueue_dma source(%dma_start3A_469 : memref<40x128xi32, #tpu.memory_space<hbm>>) target(%arg6 : memref<40x128xi32, #tpu.memory_space<vmem>>) target_semaphore(%run_scoped3A : memref<!tpu.dma_semaphore, #tpu.memory_space<semaphore_mem>>)
      %dma_wait3A_470 = arith.constant 0 : i32
      %dma_wait3A_471 = arith.constant 0 : i32
      %dma_wait3A_472 = tpu.memref_slice %arg2[%add3A, %dma_wait3A_470, %dma_wait3A_471] : memref<32x80x128xi32, #tpu.memory_space<hbm>> -> memref<1x80x128xi32, #tpu.memory_space<hbm>>
      %dma_wait3A_473 = tpu.memref_squeeze %dma_wait3A_472 : memref<1x80x128xi32, #tpu.memory_space<hbm>> -> memref<80x128xi32, #tpu.memory_space<hbm>>
      %dma_wait3A_474 = arith.constant 40 : i32
      %dma_wait3A_475 = arith.constant 0 : i32
      %dma_wait3A_476 = tpu.memref_slice %dma_wait3A_473[%dma_wait3A_474, %dma_wait3A_475] : memref<80x128xi32, #tpu.memory_space<hbm>> -> memref<40x128xi32, #tpu.memory_space<hbm>>
      %dma_wait3A_477 = arith.constant 0 : i32
      %dma_wait3A_478 = arith.constant 0 : i32
      %dma_wait3A_479 = tpu.memref_slice %arg2[%add3A, %dma_wait3A_477, %dma_wait3A_478] : memref<32x80x128xi32, #tpu.memory_space<hbm>> -> memref<1x80x128xi32, #tpu.memory_space<hbm>>
      %dma_wait3A_480 = tpu.memref_squeeze %dma_wait3A_479 : memref<1x80x128xi32, #tpu.memory_space<hbm>> -> memref<80x128xi32, #tpu.memory_space<hbm>>
      %dma_wait3A_481 = arith.constant 40 : i32
      %dma_wait3A_482 = arith.constant 0 : i32
      %dma_wait3A_483 = tpu.memref_slice %dma_wait3A_480[%dma_wait3A_481, %dma_wait3A_482] : memref<80x128xi32, #tpu.memory_space<hbm>> -> memref<40x128xi32, #tpu.memory_space<hbm>>
      tpu.wait_dma2 semaphore(%run_scoped3A : memref<!tpu.dma_semaphore, #tpu.memory_space<semaphore_mem>>) src(%dma_wait3A_483 : memref<40x128xi32, #tpu.memory_space<hbm>>) dst(%arg6 : memref<40x128xi32, #tpu.memory_space<vmem>>)
      tpu.yield
    }) : () -> ()
    "tpu.region"() ({
      %run_scoped3A = tpu.sem_alloc : memref<!tpu.dma_semaphore, #tpu.memory_space<semaphore_mem>>
      %dma_start3A_456 = arith.constant 0 : i32
      %dma_start3A_457 = arith.constant 0 : i32
      %dma_start3A_458 = tpu.memref_slice %arg3[%add3A, %dma_start3A_456, %dma_start3A_457] : memref<32x80x128xi32, #tpu.memory_space<hbm>> -> memref<1x80x128xi32, #tpu.memory_space<hbm>>
      %dma_start3A_459 = tpu.memref_squeeze %dma_start3A_458 : memref<1x80x128xi32, #tpu.memory_space<hbm>> -> memref<80x128xi32, #tpu.memory_space<hbm>>
      %dma_start3A_460 = arith.constant 40 : i32
      %dma_start3A_461 = arith.constant 0 : i32
      %dma_start3A_462 = tpu.memref_slice %dma_start3A_459[%dma_start3A_460, %dma_start3A_461] : memref<80x128xi32, #tpu.memory_space<hbm>> -> memref<40x128xi32, #tpu.memory_space<hbm>>
      %dma_start3A_463 = arith.constant 0 : i32
      %dma_start3A_464 = arith.constant 0 : i32
      %dma_start3A_465 = tpu.memref_slice %arg3[%add3A, %dma_start3A_463, %dma_start3A_464] : memref<32x80x128xi32, #tpu.memory_space<hbm>> -> memref<1x80x128xi32, #tpu.memory_space<hbm>>
      %dma_start3A_466 = tpu.memref_squeeze %dma_start3A_465 : memref<1x80x128xi32, #tpu.memory_space<hbm>> -> memref<80x128xi32, #tpu.memory_space<hbm>>
      %dma_start3A_467 = arith.constant 40 : i32
      %dma_start3A_468 = arith.constant 0 : i32
      %dma_start3A_469 = tpu.memref_slice %dma_start3A_466[%dma_start3A_467, %dma_start3A_468] : memref<80x128xi32, #tpu.memory_space<hbm>> -> memref<40x128xi32, #tpu.memory_space<hbm>>
      tpu.enqueue_dma source(%dma_start3A_469 : memref<40x128xi32, #tpu.memory_space<hbm>>) target(%arg7 : memref<40x128xi32, #tpu.memory_space<vmem>>) target_semaphore(%run_scoped3A : memref<!tpu.dma_semaphore, #tpu.memory_space<semaphore_mem>>)
      %dma_wait3A_470 = arith.constant 0 : i32
      %dma_wait3A_471 = arith.constant 0 : i32
      %dma_wait3A_472 = tpu.memref_slice %arg3[%add3A, %dma_wait3A_470, %dma_wait3A_471] : memref<32x80x128xi32, #tpu.memory_space<hbm>> -> memref<1x80x128xi32, #tpu.memory_space<hbm>>
      %dma_wait3A_473 = tpu.memref_squeeze %dma_wait3A_472 : memref<1x80x128xi32, #tpu.memory_space<hbm>> -> memref<80x128xi32, #tpu.memory_space<hbm>>
      %dma_wait3A_474 = arith.constant 40 : i32
      %dma_wait3A_475 = arith.constant 0 : i32
      %dma_wait3A_476 = tpu.memref_slice %dma_wait3A_473[%dma_wait3A_474, %dma_wait3A_475] : memref<80x128xi32, #tpu.memory_space<hbm>> -> memref<40x128xi32, #tpu.memory_space<hbm>>
      %dma_wait3A_477 = arith.constant 0 : i32
      %dma_wait3A_478 = arith.constant 0 : i32
      %dma_wait3A_479 = tpu.memref_slice %arg3[%add3A, %dma_wait3A_477, %dma_wait3A_478] : memref<32x80x128xi32, #tpu.memory_space<hbm>> -> memref<1x80x128xi32, #tpu.memory_space<hbm>>
      %dma_wait3A_480 = tpu.memref_squeeze %dma_wait3A_479 : memref<1x80x128xi32, #tpu.memory_space<hbm>> -> memref<80x128xi32, #tpu.memory_space<hbm>>
      %dma_wait3A_481 = arith.constant 40 : i32
      %dma_wait3A_482 = arith.constant 0 : i32
      %dma_wait3A_483 = tpu.memref_slice %dma_wait3A_480[%dma_wait3A_481, %dma_wait3A_482] : memref<80x128xi32, #tpu.memory_space<hbm>> -> memref<40x128xi32, #tpu.memory_space<hbm>>
      tpu.wait_dma2 semaphore(%run_scoped3A : memref<!tpu.dma_semaphore, #tpu.memory_space<semaphore_mem>>) src(%dma_wait3A_483 : memref<40x128xi32, #tpu.memory_space<hbm>>) dst(%arg7 : memref<40x128xi32, #tpu.memory_space<vmem>>)
      tpu.yield
    }) : () -> ()
    %dma_start3A_420 = arith.constant 0 : i32
    %dma_start3A_421 = arith.constant 0 : i32
    %dma_start3A_422 = arith.constant 0 : i32
    %dma_start3A_423 = arith.constant 0 : i32
    %dma_start3A_424 = tpu.memref_slice %arg8[%dma_start3A_421, %dma_start3A_422, %dma_start3A_423] : memref<2x128x128xf32, #tpu.memory_space<vmem>> -> memref<1x128x128xf32, #tpu.memory_space<vmem>>
    %dma_start3A_425 = tpu.memref_squeeze %dma_start3A_424 : memref<1x128x128xf32, #tpu.memory_space<vmem>> -> memref<128x128xf32, #tpu.memory_space<vmem>>
    %dma_start3A_426 = arith.constant 0 : i32
    %dma_start3A_427 = tpu.memref_slice %arg6[%dma_start3A_420, %dma_start3A_426] : memref<40x128xi32, #tpu.memory_space<vmem>> -> memref<1x128xi32, #tpu.memory_space<vmem>>
    %dma_start3A_428 = tpu.memref_squeeze %dma_start3A_427 : memref<1x128xi32, #tpu.memory_space<vmem>> -> memref<128xi32, #tpu.memory_space<vmem>>
    %dma_start3A_429 = arith.constant 0 : i32
    %dma_start3A_430 = arith.constant 0 : i32
    %dma_start3A_431 = tpu.memref_slice %arg4[%dma_start3A_429, %dma_start3A_430] : memref<10112x128xf32, #tpu.memory_space<hbm>> -> memref<10112x128xf32, #tpu.memory_space<hbm>>
    tpu.enqueue_indirect_dma source(%dma_start3A_431 : memref<10112x128xf32, #tpu.memory_space<hbm>>) target(%dma_start3A_425 : memref<128x128xf32, #tpu.memory_space<vmem>>) offsets(%dma_start3A_428 : memref<128xi32, #tpu.memory_space<vmem>>) semaphore(%arg11 : memref<!tpu.dma_semaphore, #tpu.memory_space<semaphore_mem>>)
    %scan3A_432 = arith.constant 0 : i32
    %scan3A_433 = arith.constant 0 : i32
    %scan3A_434 = arith.constant 20 : i32
    %scan3A_435 = arith.addi %scan3A_433, %scan3A_434 : i32
    %scan3A_436 = arith.constant 1 : i32
    %scan3A_437 = scf.for %scan3A_456 = %scan3A_433 to %scan3A_435 step %scan3A_436 iter_args(%scan3A_457 = %scan3A_432) -> (i32)  : i32 {
      %mul3A_458 = arith.constant 2 : i32
      %mul3A_459 = arith.muli %mul3A_458, %scan3A_456 : i32
      %add3A_460 = arith.constant 1 : i32
      %add3A_461 = arith.addi %mul3A_459, %add3A_460 : i32
      %dma_start3A_462 = arith.constant 1 : i32
      %dma_start3A_463 = arith.constant 0 : i32
      %dma_start3A_464 = arith.constant 0 : i32
      %dma_start3A_465 = tpu.memref_slice %arg8[%dma_start3A_462, %dma_start3A_463, %dma_start3A_464] : memref<2x128x128xf32, #tpu.memory_space<vmem>> -> memref<1x128x128xf32, #tpu.memory_space<vmem>>
      %dma_start3A_466 = tpu.memref_squeeze %dma_start3A_465 : memref<1x128x128xf32, #tpu.memory_space<vmem>> -> memref<128x128xf32, #tpu.memory_space<vmem>>
      %dma_start3A_467 = arith.constant 0 : i32
      %dma_start3A_468 = tpu.memref_slice %arg6[%add3A_461, %dma_start3A_467] : memref<40x128xi32, #tpu.memory_space<vmem>> -> memref<1x128xi32, #tpu.memory_space<vmem>>
      %dma_start3A_469 = tpu.memref_squeeze %dma_start3A_468 : memref<1x128xi32, #tpu.memory_space<vmem>> -> memref<128xi32, #tpu.memory_space<vmem>>
      %dma_start3A_470 = arith.constant 0 : i32
      %dma_start3A_471 = arith.constant 0 : i32
      %dma_start3A_472 = tpu.memref_slice %arg4[%dma_start3A_470, %dma_start3A_471] : memref<10112x128xf32, #tpu.memory_space<hbm>> -> memref<10112x128xf32, #tpu.memory_space<hbm>>
      tpu.enqueue_indirect_dma source(%dma_start3A_472 : memref<10112x128xf32, #tpu.memory_space<hbm>>) target(%dma_start3A_466 : memref<128x128xf32, #tpu.memory_space<vmem>>) offsets(%dma_start3A_469 : memref<128xi32, #tpu.memory_space<vmem>>) semaphore(%arg12 : memref<!tpu.dma_semaphore, #tpu.memory_space<semaphore_mem>>)
      %dma_wait3A_473 = arith.constant 0 : i32
      %dma_wait3A_474 = arith.constant 0 : i32
      %dma_wait3A_475 = arith.constant 0 : i32
      %dma_wait3A_476 = tpu.memref_slice %arg8[%dma_wait3A_473, %dma_wait3A_474, %dma_wait3A_475] : memref<2x128x128xf32, #tpu.memory_space<vmem>> -> memref<1x128x128xf32, #tpu.memory_space<vmem>>
      %dma_wait3A_477 = tpu.memref_squeeze %dma_wait3A_476 : memref<1x128x128xf32, #tpu.memory_space<vmem>> -> memref<128x128xf32, #tpu.memory_space<vmem>>
      %dma_wait3A_478 = arith.constant 0 : i32
      %dma_wait3A_479 = tpu.memref_slice %arg6[%mul3A_459, %dma_wait3A_478] : memref<40x128xi32, #tpu.memory_space<vmem>> -> memref<1x128xi32, #tpu.memory_space<vmem>>
      %dma_wait3A_480 = tpu.memref_squeeze %dma_wait3A_479 : memref<1x128xi32, #tpu.memory_space<vmem>> -> memref<128xi32, #tpu.memory_space<vmem>>
      %dma_wait3A_481 = arith.constant 0 : i32
      %dma_wait3A_482 = arith.constant 0 : i32
      %dma_wait3A_483 = tpu.memref_slice %arg4[%dma_wait3A_481, %dma_wait3A_482] : memref<10112x128xf32, #tpu.memory_space<hbm>> -> memref<10112x128xf32, #tpu.memory_space<hbm>>
      tpu.wait_indirect_dma semaphore(%arg11 : memref<!tpu.dma_semaphore, #tpu.memory_space<semaphore_mem>>) src(%dma_wait3A_483 : memref<10112x128xf32, #tpu.memory_space<hbm>>) dst(%dma_wait3A_477 : memref<128x128xf32, #tpu.memory_space<vmem>>)
      %run_scoped3A = arith.constant 0 : i32
      "tpu.region"() ({
        %run_scoped3A_515 = tpu.sem_alloc : memref<!tpu.dma_semaphore, #tpu.memory_space<semaphore_mem>>
        %dma_start3A_516 = arith.constant 0 : i32
        %dma_start3A_517 = arith.constant 0 : i32
        %dma_start3A_518 = tpu.memref_slice %arg8[%run_scoped3A, %dma_start3A_516, %dma_start3A_517] : memref<2x128x128xf32, #tpu.memory_space<vmem>> -> memref<1x128x128xf32, #tpu.memory_space<vmem>>
        %dma_start3A_519 = tpu.memref_squeeze %dma_start3A_518 : memref<1x128x128xf32, #tpu.memory_space<vmem>> -> memref<128x128xf32, #tpu.memory_space<vmem>>
        %dma_start3A_520 = arith.constant 0 : i32
        %dma_start3A_521 = tpu.memref_slice %arg7[%mul3A_459, %dma_start3A_520] : memref<40x128xi32, #tpu.memory_space<vmem>> -> memref<1x128xi32, #tpu.memory_space<vmem>>
        %dma_start3A_522 = tpu.memref_squeeze %dma_start3A_521 : memref<1x128xi32, #tpu.memory_space<vmem>> -> memref<128xi32, #tpu.memory_space<vmem>>
        %dma_start3A_523 = arith.constant 0 : i32
        %dma_start3A_524 = arith.constant 0 : i32
        %dma_start3A_525 = tpu.memref_slice %arg10[%dma_start3A_523, %dma_start3A_524] : memref<10112x128xf32, #tpu.memory_space<vmem_shared>> -> memref<10112x128xf32, #tpu.memory_space<vmem_shared>>
        tpu.enqueue_indirect_dma source(%dma_start3A_519 : memref<128x128xf32, #tpu.memory_space<vmem>>) target(%dma_start3A_525 : memref<10112x128xf32, #tpu.memory_space<vmem_shared>>) offsets(%dma_start3A_522 : memref<128xi32, #tpu.memory_space<vmem>>) semaphore(%run_scoped3A_515 : memref<!tpu.dma_semaphore, #tpu.memory_space<semaphore_mem>>) {add = true}
        %dma_wait3A_526 = arith.constant 0 : i32
        %dma_wait3A_527 = arith.constant 0 : i32
        %dma_wait3A_528 = tpu.memref_slice %arg8[%run_scoped3A, %dma_wait3A_526, %dma_wait3A_527] : memref<2x128x128xf32, #tpu.memory_space<vmem>> -> memref<1x128x128xf32, #tpu.memory_space<vmem>>
        %dma_wait3A_529 = tpu.memref_squeeze %dma_wait3A_528 : memref<1x128x128xf32, #tpu.memory_space<vmem>> -> memref<128x128xf32, #tpu.memory_space<vmem>>
        %dma_wait3A_530 = arith.constant 0 : i32
        %dma_wait3A_531 = tpu.memref_slice %arg7[%mul3A_459, %dma_wait3A_530] : memref<40x128xi32, #tpu.memory_space<vmem>> -> memref<1x128xi32, #tpu.memory_space<vmem>>
        %dma_wait3A_532 = tpu.memref_squeeze %dma_wait3A_531 : memref<1x128xi32, #tpu.memory_space<vmem>> -> memref<128xi32, #tpu.memory_space<vmem>>
        %dma_wait3A_533 = arith.constant 0 : i32
        %dma_wait3A_534 = arith.constant 0 : i32
        %dma_wait3A_535 = tpu.memref_slice %arg10[%dma_wait3A_533, %dma_wait3A_534] : memref<10112x128xf32, #tpu.memory_space<vmem_shared>> -> memref<10112x128xf32, #tpu.memory_space<vmem_shared>>
        tpu.wait_indirect_dma semaphore(%run_scoped3A_515 : memref<!tpu.dma_semaphore, #tpu.memory_space<semaphore_mem>>) src(%dma_wait3A_529 : memref<128x128xf32, #tpu.memory_space<vmem>>) dst(%dma_wait3A_535 : memref<10112x128xf32, #tpu.memory_space<vmem_shared>>)
        tpu.yield
      }) : () -> ()
      %add3A_484 = arith.constant 2 : i32
      %add3A_485 = arith.addi %mul3A_459, %add3A_484 : i32
      %min3A = arith.constant 39 : i32
      %min3A_486 = arith.minsi %add3A_485, %min3A : i32
      %dma_start3A_487 = arith.constant 0 : i32
      %dma_start3A_488 = arith.constant 0 : i32
      %dma_start3A_489 = arith.constant 0 : i32
      %dma_start3A_490 = tpu.memref_slice %arg8[%dma_start3A_487, %dma_start3A_488, %dma_start3A_489] : memref<2x128x128xf32, #tpu.memory_space<vmem>> -> memref<1x128x128xf32, #tpu.memory_space<vmem>>
      %dma_start3A_491 = tpu.memref_squeeze %dma_start3A_490 : memref<1x128x128xf32, #tpu.memory_space<vmem>> -> memref<128x128xf32, #tpu.memory_space<vmem>>
      %dma_start3A_492 = arith.constant 0 : i32
      %dma_start3A_493 = tpu.memref_slice %arg6[%min3A_486, %dma_start3A_492] : memref<40x128xi32, #tpu.memory_space<vmem>> -> memref<1x128xi32, #tpu.memory_space<vmem>>
      %dma_start3A_494 = tpu.memref_squeeze %dma_start3A_493 : memref<1x128xi32, #tpu.memory_space<vmem>> -> memref<128xi32, #tpu.memory_space<vmem>>
      %dma_start3A_495 = arith.constant 0 : i32
      %dma_start3A_496 = arith.constant 0 : i32
      %dma_start3A_497 = tpu.memref_slice %arg4[%dma_start3A_495, %dma_start3A_496] : memref<10112x128xf32, #tpu.memory_space<hbm>> -> memref<10112x128xf32, #tpu.memory_space<hbm>>
      tpu.enqueue_indirect_dma source(%dma_start3A_497 : memref<10112x128xf32, #tpu.memory_space<hbm>>) target(%dma_start3A_491 : memref<128x128xf32, #tpu.memory_space<vmem>>) offsets(%dma_start3A_494 : memref<128xi32, #tpu.memory_space<vmem>>) semaphore(%arg11 : memref<!tpu.dma_semaphore, #tpu.memory_space<semaphore_mem>>)
      %add3A_498 = arith.constant 1 : i32
      %add3A_499 = arith.addi %mul3A_459, %add3A_498 : i32
      %dma_wait3A_500 = arith.constant 1 : i32
      %dma_wait3A_501 = arith.constant 0 : i32
      %dma_wait3A_502 = arith.constant 0 : i32
      %dma_wait3A_503 = tpu.memref_slice %arg8[%dma_wait3A_500, %dma_wait3A_501, %dma_wait3A_502] : memref<2x128x128xf32, #tpu.memory_space<vmem>> -> memref<1x128x128xf32, #tpu.memory_space<vmem>>
      %dma_wait3A_504 = tpu.memref_squeeze %dma_wait3A_503 : memref<1x128x128xf32, #tpu.memory_space<vmem>> -> memref<128x128xf32, #tpu.memory_space<vmem>>
      %dma_wait3A_505 = arith.constant 0 : i32
      %dma_wait3A_506 = tpu.memref_slice %arg6[%add3A_499, %dma_wait3A_505] : memref<40x128xi32, #tpu.memory_space<vmem>> -> memref<1x128xi32, #tpu.memory_space<vmem>>
      %dma_wait3A_507 = tpu.memref_squeeze %dma_wait3A_506 : memref<1x128xi32, #tpu.memory_space<vmem>> -> memref<128xi32, #tpu.memory_space<vmem>>
      %dma_wait3A_508 = arith.constant 0 : i32
      %dma_wait3A_509 = arith.constant 0 : i32
      %dma_wait3A_510 = tpu.memref_slice %arg4[%dma_wait3A_508, %dma_wait3A_509] : memref<10112x128xf32, #tpu.memory_space<hbm>> -> memref<10112x128xf32, #tpu.memory_space<hbm>>
      tpu.wait_indirect_dma semaphore(%arg12 : memref<!tpu.dma_semaphore, #tpu.memory_space<semaphore_mem>>) src(%dma_wait3A_510 : memref<10112x128xf32, #tpu.memory_space<hbm>>) dst(%dma_wait3A_504 : memref<128x128xf32, #tpu.memory_space<vmem>>)
      %add3A_511 = arith.constant 1 : i32
      %add3A_512 = arith.addi %mul3A_459, %add3A_511 : i32
      %run_scoped3A_513 = arith.constant 1 : i32
      "tpu.region"() ({
        %run_scoped3A_515 = tpu.sem_alloc : memref<!tpu.dma_semaphore, #tpu.memory_space<semaphore_mem>>
        %dma_start3A_516 = arith.constant 0 : i32
        %dma_start3A_517 = arith.constant 0 : i32
        %dma_start3A_518 = tpu.memref_slice %arg8[%run_scoped3A_513, %dma_start3A_516, %dma_start3A_517] : memref<2x128x128xf32, #tpu.memory_space<vmem>> -> memref<1x128x128xf32, #tpu.memory_space<vmem>>
        %dma_start3A_519 = tpu.memref_squeeze %dma_start3A_518 : memref<1x128x128xf32, #tpu.memory_space<vmem>> -> memref<128x128xf32, #tpu.memory_space<vmem>>
        %dma_start3A_520 = arith.constant 0 : i32
        %dma_start3A_521 = tpu.memref_slice %arg7[%add3A_512, %dma_start3A_520] : memref<40x128xi32, #tpu.memory_space<vmem>> -> memref<1x128xi32, #tpu.memory_space<vmem>>
        %dma_start3A_522 = tpu.memref_squeeze %dma_start3A_521 : memref<1x128xi32, #tpu.memory_space<vmem>> -> memref<128xi32, #tpu.memory_space<vmem>>
        %dma_start3A_523 = arith.constant 0 : i32
        %dma_start3A_524 = arith.constant 0 : i32
        %dma_start3A_525 = tpu.memref_slice %arg10[%dma_start3A_523, %dma_start3A_524] : memref<10112x128xf32, #tpu.memory_space<vmem_shared>> -> memref<10112x128xf32, #tpu.memory_space<vmem_shared>>
        tpu.enqueue_indirect_dma source(%dma_start3A_519 : memref<128x128xf32, #tpu.memory_space<vmem>>) target(%dma_start3A_525 : memref<10112x128xf32, #tpu.memory_space<vmem_shared>>) offsets(%dma_start3A_522 : memref<128xi32, #tpu.memory_space<vmem>>) semaphore(%run_scoped3A_515 : memref<!tpu.dma_semaphore, #tpu.memory_space<semaphore_mem>>) {add = true}
        %dma_wait3A_526 = arith.constant 0 : i32
        %dma_wait3A_527 = arith.constant 0 : i32
        %dma_wait3A_528 = tpu.memref_slice %arg8[%run_scoped3A_513, %dma_wait3A_526, %dma_wait3A_527] : memref<2x128x128xf32, #tpu.memory_space<vmem>> -> memref<1x128x128xf32, #tpu.memory_space<vmem>>
        %dma_wait3A_529 = tpu.memref_squeeze %dma_wait3A_528 : memref<1x128x128xf32, #tpu.memory_space<vmem>> -> memref<128x128xf32, #tpu.memory_space<vmem>>
        %dma_wait3A_530 = arith.constant 0 : i32
        %dma_wait3A_531 = tpu.memref_slice %arg7[%add3A_512, %dma_wait3A_530] : memref<40x128xi32, #tpu.memory_space<vmem>> -> memref<1x128xi32, #tpu.memory_space<vmem>>
        %dma_wait3A_532 = tpu.memref_squeeze %dma_wait3A_531 : memref<1x128xi32, #tpu.memory_space<vmem>> -> memref<128xi32, #tpu.memory_space<vmem>>
        %dma_wait3A_533 = arith.constant 0 : i32
        %dma_wait3A_534 = arith.constant 0 : i32
        %dma_wait3A_535 = tpu.memref_slice %arg10[%dma_wait3A_533, %dma_wait3A_534] : memref<10112x128xf32, #tpu.memory_space<vmem_shared>> -> memref<10112x128xf32, #tpu.memory_space<vmem_shared>>
        tpu.wait_indirect_dma semaphore(%run_scoped3A_515 : memref<!tpu.dma_semaphore, #tpu.memory_space<semaphore_mem>>) src(%dma_wait3A_529 : memref<128x128xf32, #tpu.memory_space<vmem>>) dst(%dma_wait3A_535 : memref<10112x128xf32, #tpu.memory_space<vmem_shared>>)
        tpu.yield
      }) : () -> ()
      %scan3A_514 = arith.constant 0 : i32
      scf.yield %scan3A_514 : i32
    }
    %scan3A_438 = arith.constant 20 : i32
    %dma_wait3A_439 = arith.constant 39 : i32
    %dma_wait3A_440 = arith.constant 0 : i32
    %dma_wait3A_441 = arith.constant 0 : i32
    %dma_wait3A_442 = arith.constant 0 : i32
    %dma_wait3A_443 = tpu.memref_slice %arg8[%dma_wait3A_440, %dma_wait3A_441, %dma_wait3A_442] : memref<2x128x128xf32, #tpu.memory_space<vmem>> -> memref<1x128x128xf32, #tpu.memory_space<vmem>>
    %dma_wait3A_444 = tpu.memref_squeeze %dma_wait3A_443 : memref<1x128x128xf32, #tpu.memory_space<vmem>> -> memref<128x128xf32, #tpu.memory_space<vmem>>
    %dma_wait3A_445 = arith.constant 0 : i32
    %dma_wait3A_446 = tpu.memref_slice %arg6[%dma_wait3A_439, %dma_wait3A_445] : memref<40x128xi32, #tpu.memory_space<vmem>> -> memref<1x128xi32, #tpu.memory_space<vmem>>
    %dma_wait3A_447 = tpu.memref_squeeze %dma_wait3A_446 : memref<1x128xi32, #tpu.memory_space<vmem>> -> memref<128xi32, #tpu.memory_space<vmem>>
    %dma_wait3A_448 = arith.constant 0 : i32
    %dma_wait3A_449 = arith.constant 0 : i32
    %dma_wait3A_450 = tpu.memref_slice %arg4[%dma_wait3A_448, %dma_wait3A_449] : memref<10112x128xf32, #tpu.memory_space<hbm>> -> memref<10112x128xf32, #tpu.memory_space<hbm>>
    tpu.wait_indirect_dma semaphore(%arg11 : memref<!tpu.dma_semaphore, #tpu.memory_space<semaphore_mem>>) src(%dma_wait3A_450 : memref<10112x128xf32, #tpu.memory_space<hbm>>) dst(%dma_wait3A_444 : memref<128x128xf32, #tpu.memory_space<vmem>>)
    %barrier3A_451 = arith.constant 0 : index
    tpu.barrier barrier_id(%barrier3A_451)
    %mul3A_452 = arith.constant 632 : i32
    %mul3A_453 = arith.muli %arg1, %mul3A_452 : i32
    %mul3A_454 = arith.constant 632 : i32
    %mul3A_455 = arith.muli %arg1, %mul3A_454 : i32
    "tpu.region"() ({
      %run_scoped3A = tpu.sem_alloc : memref<!tpu.dma_semaphore, #tpu.memory_space<semaphore_mem>>
      %dma_start3A_456 = arith.constant 0 : i32
      %dma_start3A_457 = arith.constant 0 : i32
      %dma_start3A_458 = tpu.memref_slice %arg5[%arg0, %dma_start3A_456, %dma_start3A_457] : memref<2x10112x128xf32, #tpu.memory_space<hbm>> -> memref<1x10112x128xf32, #tpu.memory_space<hbm>>
      %dma_start3A_459 = tpu.memref_squeeze %dma_start3A_458 : memref<1x10112x128xf32, #tpu.memory_space<hbm>> -> memref<10112x128xf32, #tpu.memory_space<hbm>>
      %dma_start3A_460 = arith.constant 0 : i32
      %dma_start3A_461 = tpu.memref_slice %dma_start3A_459[%mul3A_455, %dma_start3A_460] : memref<10112x128xf32, #tpu.memory_space<hbm>> -> memref<632x128xf32, #tpu.memory_space<hbm>>
      %dma_start3A_462 = arith.constant 0 : i32
      %dma_start3A_463 = tpu.memref_slice %arg10[%mul3A_453, %dma_start3A_462] : memref<10112x128xf32, #tpu.memory_space<vmem_shared>> -> memref<632x128xf32, #tpu.memory_space<vmem_shared>>
      tpu.enqueue_dma source(%dma_start3A_463 : memref<632x128xf32, #tpu.memory_space<vmem_shared>>) target(%dma_start3A_461 : memref<632x128xf32, #tpu.memory_space<hbm>>) target_semaphore(%run_scoped3A : memref<!tpu.dma_semaphore, #tpu.memory_space<semaphore_mem>>)
      %dma_wait3A_464 = arith.constant 0 : i32
      %dma_wait3A_465 = arith.constant 0 : i32
      %dma_wait3A_466 = tpu.memref_slice %arg5[%arg0, %dma_wait3A_464, %dma_wait3A_465] : memref<2x10112x128xf32, #tpu.memory_space<hbm>> -> memref<1x10112x128xf32, #tpu.memory_space<hbm>>
      %dma_wait3A_467 = tpu.memref_squeeze %dma_wait3A_466 : memref<1x10112x128xf32, #tpu.memory_space<hbm>> -> memref<10112x128xf32, #tpu.memory_space<hbm>>
      %dma_wait3A_468 = arith.constant 0 : i32
      %dma_wait3A_469 = tpu.memref_slice %dma_wait3A_467[%mul3A_455, %dma_wait3A_468] : memref<10112x128xf32, #tpu.memory_space<hbm>> -> memref<632x128xf32, #tpu.memory_space<hbm>>
      %dma_wait3A_470 = arith.constant 0 : i32
      %dma_wait3A_471 = tpu.memref_slice %arg10[%mul3A_453, %dma_wait3A_470] : memref<10112x128xf32, #tpu.memory_space<vmem_shared>> -> memref<632x128xf32, #tpu.memory_space<vmem_shared>>
      tpu.wait_dma2 semaphore(%run_scoped3A : memref<!tpu.dma_semaphore, #tpu.memory_space<semaphore_mem>>) src(%dma_wait3A_471 : memref<632x128xf32, #tpu.memory_space<vmem_shared>>) dst(%dma_wait3A_469 : memref<632x128xf32, #tpu.memory_space<hbm>>)
      tpu.yield
    }) : () -> ()
    return
  }
}

#map = affine_map<(d0, d1) -> (0, 0, 0)>
#map1 = affine_map<(d0, d1) -> (0, 0)>
module attributes {stable_mosaic.version = 14 : i64} {
  func.func @_deg_kernel(%arg0: i32, %arg1: i32, %arg2: memref<32x80x128xi32, #tpu.memory_space<hbm>>, %arg3: memref<2x10240xf32, #tpu.memory_space<hbm>>, %arg4: memref<80x128xi32, #tpu.memory_space<vmem>>, %arg5: memref<128xf32, #tpu.memory_space<vmem>>, %arg6: memref<640xf32, #tpu.memory_space<vmem>>, %arg7: memref<10240xf32, #tpu.memory_space<vmem_shared>>) attributes {dimension_semantics = [#tpu.dimension_semantics<core_parallel>, #tpu.dimension_semantics<subcore_parallel>], iteration_bounds = array<i64: 2, 16>, scalar_prefetch = 0 : i64, scratch_operands = 4 : i64, tpu.core_type = #tpu.core_type<sc_vector_subcore>, window_params = [{transform_indices = #map}, {transform_indices = #map1}]} {
    %mul3A = arith.constant 16 : i32
    %mul3A_0 = arith.muli %arg0, %mul3A : i32
    %add3A = arith.addi %mul3A_0, %arg1 : i32
    %broadcast_in_dim3A = arith.constant 1.000000e+00 : f32
    %broadcast_in_dim3A_1 = vector.broadcast %broadcast_in_dim3A : f32 to vector<16xf32>
    %broadcast_in_dim3A_2 = arith.constant 0.000000e+00 : f32
    %broadcast_in_dim3A_3 = vector.broadcast %broadcast_in_dim3A_2 : f32 to vector<16xf32>
    %swap3A = arith.constant 0 : index
    %swap3A_4 = tpu.vector_load %arg5[%swap3A] {strides = array<i32>} : memref<128xf32, #tpu.memory_space<vmem>>, vector<16xf32>,
    %swap3A_5 = vector.shape_cast %swap3A_4 : vector<16xf32> to vector<16xf32>
    %swap3A_6 = vector.shape_cast %broadcast_in_dim3A_1 : vector<16xf32> to vector<16xf32>
    tpu.vector_store %arg5[%swap3A], %swap3A_6 {strides = array<i32>} : memref<128xf32, #tpu.memory_space<vmem>>, vector<16xf32>,
    %swap3A_7 = arith.constant 16 : index
    %swap3A_8 = tpu.vector_load %arg5[%swap3A_7] {strides = array<i32>} : memref<128xf32, #tpu.memory_space<vmem>>, vector<16xf32>,
    %swap3A_9 = vector.shape_cast %swap3A_8 : vector<16xf32> to vector<16xf32>
    %swap3A_10 = vector.shape_cast %broadcast_in_dim3A_1 : vector<16xf32> to vector<16xf32>
    tpu.vector_store %arg5[%swap3A_7], %swap3A_10 {strides = array<i32>} : memref<128xf32, #tpu.memory_space<vmem>>, vector<16xf32>,
    %swap3A_11 = arith.constant 32 : index
    %swap3A_12 = tpu.vector_load %arg5[%swap3A_11] {strides = array<i32>} : memref<128xf32, #tpu.memory_space<vmem>>, vector<16xf32>,
    %swap3A_13 = vector.shape_cast %swap3A_12 : vector<16xf32> to vector<16xf32>
    %swap3A_14 = vector.shape_cast %broadcast_in_dim3A_1 : vector<16xf32> to vector<16xf32>
    tpu.vector_store %arg5[%swap3A_11], %swap3A_14 {strides = array<i32>} : memref<128xf32, #tpu.memory_space<vmem>>, vector<16xf32>,
    %swap3A_15 = arith.constant 48 : index
    %swap3A_16 = tpu.vector_load %arg5[%swap3A_15] {strides = array<i32>} : memref<128xf32, #tpu.memory_space<vmem>>, vector<16xf32>,
    %swap3A_17 = vector.shape_cast %swap3A_16 : vector<16xf32> to vector<16xf32>
    %swap3A_18 = vector.shape_cast %broadcast_in_dim3A_1 : vector<16xf32> to vector<16xf32>
    tpu.vector_store %arg5[%swap3A_15], %swap3A_18 {strides = array<i32>} : memref<128xf32, #tpu.memory_space<vmem>>, vector<16xf32>,
    %swap3A_19 = arith.constant 64 : index
    %swap3A_20 = tpu.vector_load %arg5[%swap3A_19] {strides = array<i32>} : memref<128xf32, #tpu.memory_space<vmem>>, vector<16xf32>,
    %swap3A_21 = vector.shape_cast %swap3A_20 : vector<16xf32> to vector<16xf32>
    %swap3A_22 = vector.shape_cast %broadcast_in_dim3A_1 : vector<16xf32> to vector<16xf32>
    tpu.vector_store %arg5[%swap3A_19], %swap3A_22 {strides = array<i32>} : memref<128xf32, #tpu.memory_space<vmem>>, vector<16xf32>,
    %swap3A_23 = arith.constant 80 : index
    %swap3A_24 = tpu.vector_load %arg5[%swap3A_23] {strides = array<i32>} : memref<128xf32, #tpu.memory_space<vmem>>, vector<16xf32>,
    %swap3A_25 = vector.shape_cast %swap3A_24 : vector<16xf32> to vector<16xf32>
    %swap3A_26 = vector.shape_cast %broadcast_in_dim3A_1 : vector<16xf32> to vector<16xf32>
    tpu.vector_store %arg5[%swap3A_23], %swap3A_26 {strides = array<i32>} : memref<128xf32, #tpu.memory_space<vmem>>, vector<16xf32>,
    %swap3A_27 = arith.constant 96 : index
    %swap3A_28 = tpu.vector_load %arg5[%swap3A_27] {strides = array<i32>} : memref<128xf32, #tpu.memory_space<vmem>>, vector<16xf32>,
    %swap3A_29 = vector.shape_cast %swap3A_28 : vector<16xf32> to vector<16xf32>
    %swap3A_30 = vector.shape_cast %broadcast_in_dim3A_1 : vector<16xf32> to vector<16xf32>
    tpu.vector_store %arg5[%swap3A_27], %swap3A_30 {strides = array<i32>} : memref<128xf32, #tpu.memory_space<vmem>>, vector<16xf32>,
    %swap3A_31 = arith.constant 112 : index
    %swap3A_32 = tpu.vector_load %arg5[%swap3A_31] {strides = array<i32>} : memref<128xf32, #tpu.memory_space<vmem>>, vector<16xf32>,
    %swap3A_33 = vector.shape_cast %swap3A_32 : vector<16xf32> to vector<16xf32>
    %swap3A_34 = vector.shape_cast %broadcast_in_dim3A_1 : vector<16xf32> to vector<16xf32>
    tpu.vector_store %arg5[%swap3A_31], %swap3A_34 {strides = array<i32>} : memref<128xf32, #tpu.memory_space<vmem>>, vector<16xf32>,
    %scan3A = arith.constant 0 : i32
    %scan3A_35 = arith.constant 0 : i32
    %scan3A_36 = arith.constant 40 : i32
    %scan3A_37 = arith.addi %scan3A_35, %scan3A_36 : i32
    %scan3A_38 = arith.constant 1 : i32
    %scan3A_39 = scf.for %scan3A_55 = %scan3A_35 to %scan3A_37 step %scan3A_38 iter_args(%scan3A_56 = %scan3A) -> (i32)  : i32 {
      %mul3A_57 = arith.constant 16 : i32
      %mul3A_58 = arith.muli %scan3A_55, %mul3A_57 : i32
      %swap3A_59 = arith.index_cast %mul3A_58 : i32 to index
      %swap3A_60 = tpu.vector_load %arg6[%swap3A_59] {strides = array<i32>} : memref<640xf32, #tpu.memory_space<vmem>>, vector<16xf32>,
      %swap3A_61 = vector.shape_cast %swap3A_60 : vector<16xf32> to vector<16xf32>
      %swap3A_62 = vector.shape_cast %broadcast_in_dim3A_3 : vector<16xf32> to vector<16xf32>
      tpu.vector_store %arg6[%swap3A_59], %swap3A_62 {strides = array<i32>} : memref<640xf32, #tpu.memory_space<vmem>>, vector<16xf32>,
      %scan3A_63 = arith.constant 0 : i32
      scf.yield %scan3A_63 : i32
    }
    %scan3A_40 = arith.constant 40 : i32
    %mul3A_41 = arith.constant 640 : i32
    %mul3A_42 = arith.muli %arg1, %mul3A_41 : i32
    "tpu.region"() ({
      %run_scoped3A = tpu.sem_alloc : memref<!tpu.dma_semaphore, #tpu.memory_space<semaphore_mem>>
      %dma_start3A = tpu.memref_slice %arg7[%mul3A_42] : memref<10240xf32, #tpu.memory_space<vmem_shared>> -> memref<640xf32, #tpu.memory_space<vmem_shared>>
      %dma_start3A_55 = tpu.memref_slice %arg7[%mul3A_42] : memref<10240xf32, #tpu.memory_space<vmem_shared>> -> memref<640xf32, #tpu.memory_space<vmem_shared>>
      tpu.enqueue_dma source(%arg6 : memref<640xf32, #tpu.memory_space<vmem>>) target(%dma_start3A_55 : memref<640xf32, #tpu.memory_space<vmem_shared>>) target_semaphore(%run_scoped3A : memref<!tpu.dma_semaphore, #tpu.memory_space<semaphore_mem>>)
      %dma_wait3A = tpu.memref_slice %arg7[%mul3A_42] : memref<10240xf32, #tpu.memory_space<vmem_shared>> -> memref<640xf32, #tpu.memory_space<vmem_shared>>
      %dma_wait3A_56 = tpu.memref_slice %arg7[%mul3A_42] : memref<10240xf32, #tpu.memory_space<vmem_shared>> -> memref<640xf32, #tpu.memory_space<vmem_shared>>
      tpu.wait_dma2 semaphore(%run_scoped3A : memref<!tpu.dma_semaphore, #tpu.memory_space<semaphore_mem>>) src(%arg6 : memref<640xf32, #tpu.memory_space<vmem>>) dst(%dma_wait3A_56 : memref<640xf32, #tpu.memory_space<vmem_shared>>)
      tpu.yield
    }) : () -> ()
    %barrier3A = arith.constant 0 : index
    tpu.barrier barrier_id(%barrier3A)
    "tpu.region"() ({
      %run_scoped3A = tpu.sem_alloc : memref<!tpu.dma_semaphore, #tpu.memory_space<semaphore_mem>>
      %dma_start3A = arith.constant 0 : i32
      %dma_start3A_55 = arith.constant 0 : i32
      %dma_start3A_56 = tpu.memref_slice %arg2[%add3A, %dma_start3A, %dma_start3A_55] : memref<32x80x128xi32, #tpu.memory_space<hbm>> -> memref<1x80x128xi32, #tpu.memory_space<hbm>>
      %dma_start3A_57 = tpu.memref_squeeze %dma_start3A_56 : memref<1x80x128xi32, #tpu.memory_space<hbm>> -> memref<80x128xi32, #tpu.memory_space<hbm>>
      %dma_start3A_58 = arith.constant 0 : i32
      %dma_start3A_59 = arith.constant 0 : i32
      %dma_start3A_60 = tpu.memref_slice %arg2[%add3A, %dma_start3A_58, %dma_start3A_59] : memref<32x80x128xi32, #tpu.memory_space<hbm>> -> memref<1x80x128xi32, #tpu.memory_space<hbm>>
      %dma_start3A_61 = tpu.memref_squeeze %dma_start3A_60 : memref<1x80x128xi32, #tpu.memory_space<hbm>> -> memref<80x128xi32, #tpu.memory_space<hbm>>
      tpu.enqueue_dma source(%dma_start3A_61 : memref<80x128xi32, #tpu.memory_space<hbm>>) target(%arg4 : memref<80x128xi32, #tpu.memory_space<vmem>>) target_semaphore(%run_scoped3A : memref<!tpu.dma_semaphore, #tpu.memory_space<semaphore_mem>>)
      %dma_wait3A = arith.constant 0 : i32
      %dma_wait3A_62 = arith.constant 0 : i32
      %dma_wait3A_63 = tpu.memref_slice %arg2[%add3A, %dma_wait3A, %dma_wait3A_62] : memref<32x80x128xi32, #tpu.memory_space<hbm>> -> memref<1x80x128xi32, #tpu.memory_space<hbm>>
      %dma_wait3A_64 = tpu.memref_squeeze %dma_wait3A_63 : memref<1x80x128xi32, #tpu.memory_space<hbm>> -> memref<80x128xi32, #tpu.memory_space<hbm>>
      %dma_wait3A_65 = arith.constant 0 : i32
      %dma_wait3A_66 = arith.constant 0 : i32
      %dma_wait3A_67 = tpu.memref_slice %arg2[%add3A, %dma_wait3A_65, %dma_wait3A_66] : memref<32x80x128xi32, #tpu.memory_space<hbm>> -> memref<1x80x128xi32, #tpu.memory_space<hbm>>
      %dma_wait3A_68 = tpu.memref_squeeze %dma_wait3A_67 : memref<1x80x128xi32, #tpu.memory_space<hbm>> -> memref<80x128xi32, #tpu.memory_space<hbm>>
      tpu.wait_dma2 semaphore(%run_scoped3A : memref<!tpu.dma_semaphore, #tpu.memory_space<semaphore_mem>>) src(%dma_wait3A_68 : memref<80x128xi32, #tpu.memory_space<hbm>>) dst(%arg4 : memref<80x128xi32, #tpu.memory_space<vmem>>)
      tpu.yield
    }) : () -> ()
    %scan3A_43 = arith.constant 0 : i32
    %scan3A_44 = arith.constant 0 : i32
    %scan3A_45 = arith.constant 80 : i32
    %scan3A_46 = arith.addi %scan3A_44, %scan3A_45 : i32
    %scan3A_47 = arith.constant 1 : i32
    %scan3A_48 = scf.for %scan3A_55 = %scan3A_44 to %scan3A_46 step %scan3A_47 iter_args(%scan3A_56 = %scan3A_43) -> (i32)  : i32 {
      "tpu.region"() ({
        %run_scoped3A = tpu.sem_alloc : memref<!tpu.dma_semaphore, #tpu.memory_space<semaphore_mem>>
        %dma_start3A = arith.constant 0 : i32
        %dma_start3A_58 = tpu.memref_slice %arg4[%scan3A_55, %dma_start3A] : memref<80x128xi32, #tpu.memory_space<vmem>> -> memref<1x128xi32, #tpu.memory_space<vmem>>
        %dma_start3A_59 = tpu.memref_squeeze %dma_start3A_58 : memref<1x128xi32, #tpu.memory_space<vmem>> -> memref<128xi32, #tpu.memory_space<vmem>>
        %dma_start3A_60 = arith.constant 0 : i32
        %dma_start3A_61 = tpu.memref_slice %arg7[%dma_start3A_60] : memref<10240xf32, #tpu.memory_space<vmem_shared>> -> memref<10240xf32, #tpu.memory_space<vmem_shared>>
        tpu.enqueue_indirect_dma source(%arg5 : memref<128xf32, #tpu.memory_space<vmem>>) target(%dma_start3A_61 : memref<10240xf32, #tpu.memory_space<vmem_shared>>) offsets(%dma_start3A_59 : memref<128xi32, #tpu.memory_space<vmem>>) semaphore(%run_scoped3A : memref<!tpu.dma_semaphore, #tpu.memory_space<semaphore_mem>>) {add = true}
        %dma_wait3A = arith.constant 0 : i32
        %dma_wait3A_62 = tpu.memref_slice %arg4[%scan3A_55, %dma_wait3A] : memref<80x128xi32, #tpu.memory_space<vmem>> -> memref<1x128xi32, #tpu.memory_space<vmem>>
        %dma_wait3A_63 = tpu.memref_squeeze %dma_wait3A_62 : memref<1x128xi32, #tpu.memory_space<vmem>> -> memref<128xi32, #tpu.memory_space<vmem>>
        %dma_wait3A_64 = arith.constant 0 : i32
        %dma_wait3A_65 = tpu.memref_slice %arg7[%dma_wait3A_64] : memref<10240xf32, #tpu.memory_space<vmem_shared>> -> memref<10240xf32, #tpu.memory_space<vmem_shared>>
        tpu.wait_indirect_dma semaphore(%run_scoped3A : memref<!tpu.dma_semaphore, #tpu.memory_space<semaphore_mem>>) src(%arg5 : memref<128xf32, #tpu.memory_space<vmem>>) dst(%dma_wait3A_65 : memref<10240xf32, #tpu.memory_space<vmem_shared>>)
        tpu.yield
      }) : () -> ()
      %scan3A_57 = arith.constant 0 : i32
      scf.yield %scan3A_57 : i32
    }
    %scan3A_49 = arith.constant 80 : i32
    %barrier3A_50 = arith.constant 0 : index
    tpu.barrier barrier_id(%barrier3A_50)
    %mul3A_51 = arith.constant 640 : i32
    %mul3A_52 = arith.muli %arg1, %mul3A_51 : i32
    %mul3A_53 = arith.constant 640 : i32
    %mul3A_54 = arith.muli %arg1, %mul3A_53 : i32
    "tpu.region"() ({
      %run_scoped3A = tpu.sem_alloc : memref<!tpu.dma_semaphore, #tpu.memory_space<semaphore_mem>>
      %dma_start3A = arith.constant 0 : i32
      %dma_start3A_55 = tpu.memref_slice %arg3[%arg0, %dma_start3A] : memref<2x10240xf32, #tpu.memory_space<hbm>> -> memref<1x10240xf32, #tpu.memory_space<hbm>>
      %dma_start3A_56 = tpu.memref_squeeze %dma_start3A_55 : memref<1x10240xf32, #tpu.memory_space<hbm>> -> memref<10240xf32, #tpu.memory_space<hbm>>
      %dma_start3A_57 = tpu.memref_slice %dma_start3A_56[%mul3A_54] : memref<10240xf32, #tpu.memory_space<hbm>> -> memref<640xf32, #tpu.memory_space<hbm>>
      %dma_start3A_58 = tpu.memref_slice %arg7[%mul3A_52] : memref<10240xf32, #tpu.memory_space<vmem_shared>> -> memref<640xf32, #tpu.memory_space<vmem_shared>>
      tpu.enqueue_dma source(%dma_start3A_58 : memref<640xf32, #tpu.memory_space<vmem_shared>>) target(%dma_start3A_57 : memref<640xf32, #tpu.memory_space<hbm>>) target_semaphore(%run_scoped3A : memref<!tpu.dma_semaphore, #tpu.memory_space<semaphore_mem>>)
      %dma_wait3A = arith.constant 0 : i32
      %dma_wait3A_59 = tpu.memref_slice %arg3[%arg0, %dma_wait3A] : memref<2x10240xf32, #tpu.memory_space<hbm>> -> memref<1x10240xf32, #tpu.memory_space<hbm>>
      %dma_wait3A_60 = tpu.memref_squeeze %dma_wait3A_59 : memref<1x10240xf32, #tpu.memory_space<hbm>> -> memref<10240xf32, #tpu.memory_space<hbm>>
      %dma_wait3A_61 = tpu.memref_slice %dma_wait3A_60[%mul3A_54] : memref<10240xf32, #tpu.memory_space<hbm>> -> memref<640xf32, #tpu.memory_space<hbm>>
      %dma_wait3A_62 = tpu.memref_slice %arg7[%mul3A_52] : memref<10240xf32, #tpu.memory_space<vmem_shared>> -> memref<640xf32, #tpu.memory_space<vmem_shared>>
      tpu.wait_dma2 semaphore(%run_scoped3A : memref<!tpu.dma_semaphore, #tpu.memory_space<semaphore_mem>>) src(%dma_wait3A_62 : memref<640xf32, #tpu.memory_space<vmem_shared>>) dst(%dma_wait3A_61 : memref<640xf32, #tpu.memory_space<hbm>>)
      tpu.yield
    }) : () -> ()
    return
  }
}

#map = affine_map<(d0, d1) -> (0, 0, 0)>
#map1 = affine_map<(d0, d1) -> (0, 0)>
module attributes {stable_mosaic.version = 14 : i64} {
  func.func @_agg_kernel(%arg0: i32, %arg1: i32, %arg2: memref<32x80x128xi32, #tpu.memory_space<hbm>>, %arg3: memref<32x80x128xi32, #tpu.memory_space<hbm>>, %arg4: memref<10112x128xf32, #tpu.memory_space<hbm>>, %arg5: memref<2x10112x128xf32, #tpu.memory_space<hbm>>, %arg6: memref<40x128xi32, #tpu.memory_space<vmem>>, %arg7: memref<40x128xi32, #tpu.memory_space<vmem>>, %arg8: memref<2x128x128xf32, #tpu.memory_space<vmem>>, %arg9: memref<8x128xf32, #tpu.memory_space<vmem>>, %arg10: memref<10112x128xf32, #tpu.memory_space<vmem_shared>>, %arg11: memref<!tpu.dma_semaphore, #tpu.memory_space<semaphore_mem>>, %arg12: memref<!tpu.dma_semaphore, #tpu.memory_space<semaphore_mem>>) attributes {dimension_semantics = [#tpu.dimension_semantics<core_parallel>, #tpu.dimension_semantics<subcore_parallel>], iteration_bounds = array<i64: 2, 16>, scalar_prefetch = 0 : i64, scratch_operands = 7 : i64, tpu.core_type = #tpu.core_type<sc_vector_subcore>, window_params = [{transform_indices = #map}, {transform_indices = #map}, {transform_indices = #map1}, {transform_indices = #map}]} {
    %mul3A = arith.constant 16 : i32
    %mul3A_0 = arith.muli %arg0, %mul3A : i32
    %add3A = arith.addi %mul3A_0, %arg1 : i32
    %broadcast_in_dim3A = arith.constant 0.000000e+00 : f32
    %broadcast_in_dim3A_1 = vector.broadcast %broadcast_in_dim3A : f32 to vector<16xf32>
    %swap3A = arith.constant 0 : i32
    %swap3A_2 = arith.index_cast %swap3A : i32 to index
    %swap3A_3 = arith.constant 0 : index
    %swap3A_4 = tpu.vector_load %arg9[%swap3A_2, %swap3A_3] {strides = array<i32>} : memref<8x128xf32, #tpu.memory_space<vmem>>, vector<1x16xf32>,
    %swap3A_5 = vector.shape_cast %swap3A_4 : vector<1x16xf32> to vector<16xf32>
    %swap3A_6 = vector.shape_cast %broadcast_in_dim3A_1 : vector<16xf32> to vector<1x16xf32>
    tpu.vector_store %arg9[%swap3A_2, %swap3A_3], %swap3A_6 {strides = array<i32>} : memref<8x128xf32, #tpu.memory_space<vmem>>, vector<1x16xf32>,
    %swap3A_7 = arith.constant 0 : i32
    %swap3A_8 = arith.index_cast %swap3A_7 : i32 to index
    %swap3A_9 = arith.constant 16 : index
    %swap3A_10 = tpu.vector_load %arg9[%swap3A_8, %swap3A_9] {strides = array<i32>} : memref<8x128xf32, #tpu.memory_space<vmem>>, vector<1x16xf32>,
    %swap3A_11 = vector.shape_cast %swap3A_10 : vector<1x16xf32> to vector<16xf32>
    %swap3A_12 = vector.shape_cast %broadcast_in_dim3A_1 : vector<16xf32> to vector<1x16xf32>
    tpu.vector_store %arg9[%swap3A_8, %swap3A_9], %swap3A_12 {strides = array<i32>} : memref<8x128xf32, #tpu.memory_space<vmem>>, vector<1x16xf32>,
    %swap3A_13 = arith.constant 0 : i32
    %swap3A_14 = arith.index_cast %swap3A_13 : i32 to index
    %swap3A_15 = arith.constant 32 : index
    %swap3A_16 = tpu.vector_load %arg9[%swap3A_14, %swap3A_15] {strides = array<i32>} : memref<8x128xf32, #tpu.memory_space<vmem>>, vector<1x16xf32>,
    %swap3A_17 = vector.shape_cast %swap3A_16 : vector<1x16xf32> to vector<16xf32>
    %swap3A_18 = vector.shape_cast %broadcast_in_dim3A_1 : vector<16xf32> to vector<1x16xf32>
    tpu.vector_store %arg9[%swap3A_14, %swap3A_15], %swap3A_18 {strides = array<i32>} : memref<8x128xf32, #tpu.memory_space<vmem>>, vector<1x16xf32>,
    %swap3A_19 = arith.constant 0 : i32
    %swap3A_20 = arith.index_cast %swap3A_19 : i32 to index
    %swap3A_21 = arith.constant 48 : index
    %swap3A_22 = tpu.vector_load %arg9[%swap3A_20, %swap3A_21] {strides = array<i32>} : memref<8x128xf32, #tpu.memory_space<vmem>>, vector<1x16xf32>,
    %swap3A_23 = vector.shape_cast %swap3A_22 : vector<1x16xf32> to vector<16xf32>
    %swap3A_24 = vector.shape_cast %broadcast_in_dim3A_1 : vector<16xf32> to vector<1x16xf32>
    tpu.vector_store %arg9[%swap3A_20, %swap3A_21], %swap3A_24 {strides = array<i32>} : memref<8x128xf32, #tpu.memory_space<vmem>>, vector<1x16xf32>,
    %swap3A_25 = arith.constant 0 : i32
    %swap3A_26 = arith.index_cast %swap3A_25 : i32 to index
    %swap3A_27 = arith.constant 64 : index
    %swap3A_28 = tpu.vector_load %arg9[%swap3A_26, %swap3A_27] {strides = array<i32>} : memref<8x128xf32, #tpu.memory_space<vmem>>, vector<1x16xf32>,
    %swap3A_29 = vector.shape_cast %swap3A_28 : vector<1x16xf32> to vector<16xf32>
    %swap3A_30 = vector.shape_cast %broadcast_in_dim3A_1 : vector<16xf32> to vector<1x16xf32>
    tpu.vector_store %arg9[%swap3A_26, %swap3A_27], %swap3A_30 {strides = array<i32>} : memref<8x128xf32, #tpu.memory_space<vmem>>, vector<1x16xf32>,
    %swap3A_31 = arith.constant 0 : i32
    %swap3A_32 = arith.index_cast %swap3A_31 : i32 to index
    %swap3A_33 = arith.constant 80 : index
    %swap3A_34 = tpu.vector_load %arg9[%swap3A_32, %swap3A_33] {strides = array<i32>} : memref<8x128xf32, #tpu.memory_space<vmem>>, vector<1x16xf32>,
    %swap3A_35 = vector.shape_cast %swap3A_34 : vector<1x16xf32> to vector<16xf32>
    %swap3A_36 = vector.shape_cast %broadcast_in_dim3A_1 : vector<16xf32> to vector<1x16xf32>
    tpu.vector_store %arg9[%swap3A_32, %swap3A_33], %swap3A_36 {strides = array<i32>} : memref<8x128xf32, #tpu.memory_space<vmem>>, vector<1x16xf32>,
    %swap3A_37 = arith.constant 0 : i32
    %swap3A_38 = arith.index_cast %swap3A_37 : i32 to index
    %swap3A_39 = arith.constant 96 : index
    %swap3A_40 = tpu.vector_load %arg9[%swap3A_38, %swap3A_39] {strides = array<i32>} : memref<8x128xf32, #tpu.memory_space<vmem>>, vector<1x16xf32>,
    %swap3A_41 = vector.shape_cast %swap3A_40 : vector<1x16xf32> to vector<16xf32>
    %swap3A_42 = vector.shape_cast %broadcast_in_dim3A_1 : vector<16xf32> to vector<1x16xf32>
    tpu.vector_store %arg9[%swap3A_38, %swap3A_39], %swap3A_42 {strides = array<i32>} : memref<8x128xf32, #tpu.memory_space<vmem>>, vector<1x16xf32>,
    %swap3A_43 = arith.constant 0 : i32
    %swap3A_44 = arith.index_cast %swap3A_43 : i32 to index
    %swap3A_45 = arith.constant 112 : index
    %swap3A_46 = tpu.vector_load %arg9[%swap3A_44, %swap3A_45] {strides = array<i32>} : memref<8x128xf32, #tpu.memory_space<vmem>>, vector<1x16xf32>,
    %swap3A_47 = vector.shape_cast %swap3A_46 : vector<1x16xf32> to vector<16xf32>
    %swap3A_48 = vector.shape_cast %broadcast_in_dim3A_1 : vector<16xf32> to vector<1x16xf32>
    tpu.vector_store %arg9[%swap3A_44, %swap3A_45], %swap3A_48 {strides = array<i32>} : memref<8x128xf32, #tpu.memory_space<vmem>>, vector<1x16xf32>,
    %swap3A_49 = arith.constant 1 : i32
    %swap3A_50 = arith.index_cast %swap3A_49 : i32 to index
    %swap3A_51 = arith.constant 0 : index
    %swap3A_52 = tpu.vector_load %arg9[%swap3A_50, %swap3A_51] {strides = array<i32>} : memref<8x128xf32, #tpu.memory_space<vmem>>, vector<1x16xf32>,
    %swap3A_53 = vector.shape_cast %swap3A_52 : vector<1x16xf32> to vector<16xf32>
    %swap3A_54 = vector.shape_cast %broadcast_in_dim3A_1 : vector<16xf32> to vector<1x16xf32>
    tpu.vector_store %arg9[%swap3A_50, %swap3A_51], %swap3A_54 {strides = array<i32>} : memref<8x128xf32, #tpu.memory_space<vmem>>, vector<1x16xf32>,
    %swap3A_55 = arith.constant 1 : i32
    %swap3A_56 = arith.index_cast %swap3A_55 : i32 to index
    %swap3A_57 = arith.constant 16 : index
    %swap3A_58 = tpu.vector_load %arg9[%swap3A_56, %swap3A_57] {strides = array<i32>} : memref<8x128xf32, #tpu.memory_space<vmem>>, vector<1x16xf32>,
    %swap3A_59 = vector.shape_cast %swap3A_58 : vector<1x16xf32> to vector<16xf32>
    %swap3A_60 = vector.shape_cast %broadcast_in_dim3A_1 : vector<16xf32> to vector<1x16xf32>
    tpu.vector_store %arg9[%swap3A_56, %swap3A_57], %swap3A_60 {strides = array<i32>} : memref<8x128xf32, #tpu.memory_space<vmem>>, vector<1x16xf32>,
    %swap3A_61 = arith.constant 1 : i32
    %swap3A_62 = arith.index_cast %swap3A_61 : i32 to index
    %swap3A_63 = arith.constant 32 : index
    %swap3A_64 = tpu.vector_load %arg9[%swap3A_62, %swap3A_63] {strides = array<i32>} : memref<8x128xf32, #tpu.memory_space<vmem>>, vector<1x16xf32>,
    %swap3A_65 = vector.shape_cast %swap3A_64 : vector<1x16xf32> to vector<16xf32>
    %swap3A_66 = vector.shape_cast %broadcast_in_dim3A_1 : vector<16xf32> to vector<1x16xf32>
    tpu.vector_store %arg9[%swap3A_62, %swap3A_63], %swap3A_66 {strides = array<i32>} : memref<8x128xf32, #tpu.memory_space<vmem>>, vector<1x16xf32>,
    %swap3A_67 = arith.constant 1 : i32
    %swap3A_68 = arith.index_cast %swap3A_67 : i32 to index
    %swap3A_69 = arith.constant 48 : index
    %swap3A_70 = tpu.vector_load %arg9[%swap3A_68, %swap3A_69] {strides = array<i32>} : memref<8x128xf32, #tpu.memory_space<vmem>>, vector<1x16xf32>,
    %swap3A_71 = vector.shape_cast %swap3A_70 : vector<1x16xf32> to vector<16xf32>
    %swap3A_72 = vector.shape_cast %broadcast_in_dim3A_1 : vector<16xf32> to vector<1x16xf32>
    tpu.vector_store %arg9[%swap3A_68, %swap3A_69], %swap3A_72 {strides = array<i32>} : memref<8x128xf32, #tpu.memory_space<vmem>>, vector<1x16xf32>,
    %swap3A_73 = arith.constant 1 : i32
    %swap3A_74 = arith.index_cast %swap3A_73 : i32 to index
    %swap3A_75 = arith.constant 64 : index
    %swap3A_76 = tpu.vector_load %arg9[%swap3A_74, %swap3A_75] {strides = array<i32>} : memref<8x128xf32, #tpu.memory_space<vmem>>, vector<1x16xf32>,
    %swap3A_77 = vector.shape_cast %swap3A_76 : vector<1x16xf32> to vector<16xf32>
    %swap3A_78 = vector.shape_cast %broadcast_in_dim3A_1 : vector<16xf32> to vector<1x16xf32>
    tpu.vector_store %arg9[%swap3A_74, %swap3A_75], %swap3A_78 {strides = array<i32>} : memref<8x128xf32, #tpu.memory_space<vmem>>, vector<1x16xf32>,
    %swap3A_79 = arith.constant 1 : i32
    %swap3A_80 = arith.index_cast %swap3A_79 : i32 to index
    %swap3A_81 = arith.constant 80 : index
    %swap3A_82 = tpu.vector_load %arg9[%swap3A_80, %swap3A_81] {strides = array<i32>} : memref<8x128xf32, #tpu.memory_space<vmem>>, vector<1x16xf32>,
    %swap3A_83 = vector.shape_cast %swap3A_82 : vector<1x16xf32> to vector<16xf32>
    %swap3A_84 = vector.shape_cast %broadcast_in_dim3A_1 : vector<16xf32> to vector<1x16xf32>
    tpu.vector_store %arg9[%swap3A_80, %swap3A_81], %swap3A_84 {strides = array<i32>} : memref<8x128xf32, #tpu.memory_space<vmem>>, vector<1x16xf32>,
    %swap3A_85 = arith.constant 1 : i32
    %swap3A_86 = arith.index_cast %swap3A_85 : i32 to index
    %swap3A_87 = arith.constant 96 : index
    %swap3A_88 = tpu.vector_load %arg9[%swap3A_86, %swap3A_87] {strides = array<i32>} : memref<8x128xf32, #tpu.memory_space<vmem>>, vector<1x16xf32>,
    %swap3A_89 = vector.shape_cast %swap3A_88 : vector<1x16xf32> to vector<16xf32>
    %swap3A_90 = vector.shape_cast %broadcast_in_dim3A_1 : vector<16xf32> to vector<1x16xf32>
    tpu.vector_store %arg9[%swap3A_86, %swap3A_87], %swap3A_90 {strides = array<i32>} : memref<8x128xf32, #tpu.memory_space<vmem>>, vector<1x16xf32>,
    %swap3A_91 = arith.constant 1 : i32
    %swap3A_92 = arith.index_cast %swap3A_91 : i32 to index
    %swap3A_93 = arith.constant 112 : index
    %swap3A_94 = tpu.vector_load %arg9[%swap3A_92, %swap3A_93] {strides = array<i32>} : memref<8x128xf32, #tpu.memory_space<vmem>>, vector<1x16xf32>,
    %swap3A_95 = vector.shape_cast %swap3A_94 : vector<1x16xf32> to vector<16xf32>
    %swap3A_96 = vector.shape_cast %broadcast_in_dim3A_1 : vector<16xf32> to vector<1x16xf32>
    tpu.vector_store %arg9[%swap3A_92, %swap3A_93], %swap3A_96 {strides = array<i32>} : memref<8x128xf32, #tpu.memory_space<vmem>>, vector<1x16xf32>,
    %swap3A_97 = arith.constant 2 : i32
    %swap3A_98 = arith.index_cast %swap3A_97 : i32 to index
    %swap3A_99 = arith.constant 0 : index
    %swap3A_100 = tpu.vector_load %arg9[%swap3A_98, %swap3A_99] {strides = array<i32>} : memref<8x128xf32, #tpu.memory_space<vmem>>, vector<1x16xf32>,
    %swap3A_101 = vector.shape_cast %swap3A_100 : vector<1x16xf32> to vector<16xf32>
    %swap3A_102 = vector.shape_cast %broadcast_in_dim3A_1 : vector<16xf32> to vector<1x16xf32>
    tpu.vector_store %arg9[%swap3A_98, %swap3A_99], %swap3A_102 {strides = array<i32>} : memref<8x128xf32, #tpu.memory_space<vmem>>, vector<1x16xf32>,
    %swap3A_103 = arith.constant 2 : i32
    %swap3A_104 = arith.index_cast %swap3A_103 : i32 to index
    %swap3A_105 = arith.constant 16 : index
    %swap3A_106 = tpu.vector_load %arg9[%swap3A_104, %swap3A_105] {strides = array<i32>} : memref<8x128xf32, #tpu.memory_space<vmem>>, vector<1x16xf32>,
    %swap3A_107 = vector.shape_cast %swap3A_106 : vector<1x16xf32> to vector<16xf32>
    %swap3A_108 = vector.shape_cast %broadcast_in_dim3A_1 : vector<16xf32> to vector<1x16xf32>
    tpu.vector_store %arg9[%swap3A_104, %swap3A_105], %swap3A_108 {strides = array<i32>} : memref<8x128xf32, #tpu.memory_space<vmem>>, vector<1x16xf32>,
    %swap3A_109 = arith.constant 2 : i32
    %swap3A_110 = arith.index_cast %swap3A_109 : i32 to index
    %swap3A_111 = arith.constant 32 : index
    %swap3A_112 = tpu.vector_load %arg9[%swap3A_110, %swap3A_111] {strides = array<i32>} : memref<8x128xf32, #tpu.memory_space<vmem>>, vector<1x16xf32>,
    %swap3A_113 = vector.shape_cast %swap3A_112 : vector<1x16xf32> to vector<16xf32>
    %swap3A_114 = vector.shape_cast %broadcast_in_dim3A_1 : vector<16xf32> to vector<1x16xf32>
    tpu.vector_store %arg9[%swap3A_110, %swap3A_111], %swap3A_114 {strides = array<i32>} : memref<8x128xf32, #tpu.memory_space<vmem>>, vector<1x16xf32>,
    %swap3A_115 = arith.constant 2 : i32
    %swap3A_116 = arith.index_cast %swap3A_115 : i32 to index
    %swap3A_117 = arith.constant 48 : index
    %swap3A_118 = tpu.vector_load %arg9[%swap3A_116, %swap3A_117] {strides = array<i32>} : memref<8x128xf32, #tpu.memory_space<vmem>>, vector<1x16xf32>,
    %swap3A_119 = vector.shape_cast %swap3A_118 : vector<1x16xf32> to vector<16xf32>
    %swap3A_120 = vector.shape_cast %broadcast_in_dim3A_1 : vector<16xf32> to vector<1x16xf32>
    tpu.vector_store %arg9[%swap3A_116, %swap3A_117], %swap3A_120 {strides = array<i32>} : memref<8x128xf32, #tpu.memory_space<vmem>>, vector<1x16xf32>,
    %swap3A_121 = arith.constant 2 : i32
    %swap3A_122 = arith.index_cast %swap3A_121 : i32 to index
    %swap3A_123 = arith.constant 64 : index
    %swap3A_124 = tpu.vector_load %arg9[%swap3A_122, %swap3A_123] {strides = array<i32>} : memref<8x128xf32, #tpu.memory_space<vmem>>, vector<1x16xf32>,
    %swap3A_125 = vector.shape_cast %swap3A_124 : vector<1x16xf32> to vector<16xf32>
    %swap3A_126 = vector.shape_cast %broadcast_in_dim3A_1 : vector<16xf32> to vector<1x16xf32>
    tpu.vector_store %arg9[%swap3A_122, %swap3A_123], %swap3A_126 {strides = array<i32>} : memref<8x128xf32, #tpu.memory_space<vmem>>, vector<1x16xf32>,
    %swap3A_127 = arith.constant 2 : i32
    %swap3A_128 = arith.index_cast %swap3A_127 : i32 to index
    %swap3A_129 = arith.constant 80 : index
    %swap3A_130 = tpu.vector_load %arg9[%swap3A_128, %swap3A_129] {strides = array<i32>} : memref<8x128xf32, #tpu.memory_space<vmem>>, vector<1x16xf32>,
    %swap3A_131 = vector.shape_cast %swap3A_130 : vector<1x16xf32> to vector<16xf32>
    %swap3A_132 = vector.shape_cast %broadcast_in_dim3A_1 : vector<16xf32> to vector<1x16xf32>
    tpu.vector_store %arg9[%swap3A_128, %swap3A_129], %swap3A_132 {strides = array<i32>} : memref<8x128xf32, #tpu.memory_space<vmem>>, vector<1x16xf32>,
    %swap3A_133 = arith.constant 2 : i32
    %swap3A_134 = arith.index_cast %swap3A_133 : i32 to index
    %swap3A_135 = arith.constant 96 : index
    %swap3A_136 = tpu.vector_load %arg9[%swap3A_134, %swap3A_135] {strides = array<i32>} : memref<8x128xf32, #tpu.memory_space<vmem>>, vector<1x16xf32>,
    %swap3A_137 = vector.shape_cast %swap3A_136 : vector<1x16xf32> to vector<16xf32>
    %swap3A_138 = vector.shape_cast %broadcast_in_dim3A_1 : vector<16xf32> to vector<1x16xf32>
    tpu.vector_store %arg9[%swap3A_134, %swap3A_135], %swap3A_138 {strides = array<i32>} : memref<8x128xf32, #tpu.memory_space<vmem>>, vector<1x16xf32>,
    %swap3A_139 = arith.constant 2 : i32
    %swap3A_140 = arith.index_cast %swap3A_139 : i32 to index
    %swap3A_141 = arith.constant 112 : index
    %swap3A_142 = tpu.vector_load %arg9[%swap3A_140, %swap3A_141] {strides = array<i32>} : memref<8x128xf32, #tpu.memory_space<vmem>>, vector<1x16xf32>,
    %swap3A_143 = vector.shape_cast %swap3A_142 : vector<1x16xf32> to vector<16xf32>
    %swap3A_144 = vector.shape_cast %broadcast_in_dim3A_1 : vector<16xf32> to vector<1x16xf32>
    tpu.vector_store %arg9[%swap3A_140, %swap3A_141], %swap3A_144 {strides = array<i32>} : memref<8x128xf32, #tpu.memory_space<vmem>>, vector<1x16xf32>,
    %swap3A_145 = arith.constant 3 : i32
    %swap3A_146 = arith.index_cast %swap3A_145 : i32 to index
    %swap3A_147 = arith.constant 0 : index
    %swap3A_148 = tpu.vector_load %arg9[%swap3A_146, %swap3A_147] {strides = array<i32>} : memref<8x128xf32, #tpu.memory_space<vmem>>, vector<1x16xf32>,
    %swap3A_149 = vector.shape_cast %swap3A_148 : vector<1x16xf32> to vector<16xf32>
    %swap3A_150 = vector.shape_cast %broadcast_in_dim3A_1 : vector<16xf32> to vector<1x16xf32>
    tpu.vector_store %arg9[%swap3A_146, %swap3A_147], %swap3A_150 {strides = array<i32>} : memref<8x128xf32, #tpu.memory_space<vmem>>, vector<1x16xf32>,
    %swap3A_151 = arith.constant 3 : i32
    %swap3A_152 = arith.index_cast %swap3A_151 : i32 to index
    %swap3A_153 = arith.constant 16 : index
    %swap3A_154 = tpu.vector_load %arg9[%swap3A_152, %swap3A_153] {strides = array<i32>} : memref<8x128xf32, #tpu.memory_space<vmem>>, vector<1x16xf32>,
    %swap3A_155 = vector.shape_cast %swap3A_154 : vector<1x16xf32> to vector<16xf32>
    %swap3A_156 = vector.shape_cast %broadcast_in_dim3A_1 : vector<16xf32> to vector<1x16xf32>
    tpu.vector_store %arg9[%swap3A_152, %swap3A_153], %swap3A_156 {strides = array<i32>} : memref<8x128xf32, #tpu.memory_space<vmem>>, vector<1x16xf32>,
    %swap3A_157 = arith.constant 3 : i32
    %swap3A_158 = arith.index_cast %swap3A_157 : i32 to index
    %swap3A_159 = arith.constant 32 : index
    %swap3A_160 = tpu.vector_load %arg9[%swap3A_158, %swap3A_159] {strides = array<i32>} : memref<8x128xf32, #tpu.memory_space<vmem>>, vector<1x16xf32>,
    %swap3A_161 = vector.shape_cast %swap3A_160 : vector<1x16xf32> to vector<16xf32>
    %swap3A_162 = vector.shape_cast %broadcast_in_dim3A_1 : vector<16xf32> to vector<1x16xf32>
    tpu.vector_store %arg9[%swap3A_158, %swap3A_159], %swap3A_162 {strides = array<i32>} : memref<8x128xf32, #tpu.memory_space<vmem>>, vector<1x16xf32>,
    %swap3A_163 = arith.constant 3 : i32
    %swap3A_164 = arith.index_cast %swap3A_163 : i32 to index
    %swap3A_165 = arith.constant 48 : index
    %swap3A_166 = tpu.vector_load %arg9[%swap3A_164, %swap3A_165] {strides = array<i32>} : memref<8x128xf32, #tpu.memory_space<vmem>>, vector<1x16xf32>,
    %swap3A_167 = vector.shape_cast %swap3A_166 : vector<1x16xf32> to vector<16xf32>
    %swap3A_168 = vector.shape_cast %broadcast_in_dim3A_1 : vector<16xf32> to vector<1x16xf32>
    tpu.vector_store %arg9[%swap3A_164, %swap3A_165], %swap3A_168 {strides = array<i32>} : memref<8x128xf32, #tpu.memory_space<vmem>>, vector<1x16xf32>,
    %swap3A_169 = arith.constant 3 : i32
    %swap3A_170 = arith.index_cast %swap3A_169 : i32 to index
    %swap3A_171 = arith.constant 64 : index
    %swap3A_172 = tpu.vector_load %arg9[%swap3A_170, %swap3A_171] {strides = array<i32>} : memref<8x128xf32, #tpu.memory_space<vmem>>, vector<1x16xf32>,
    %swap3A_173 = vector.shape_cast %swap3A_172 : vector<1x16xf32> to vector<16xf32>
    %swap3A_174 = vector.shape_cast %broadcast_in_dim3A_1 : vector<16xf32> to vector<1x16xf32>
    tpu.vector_store %arg9[%swap3A_170, %swap3A_171], %swap3A_174 {strides = array<i32>} : memref<8x128xf32, #tpu.memory_space<vmem>>, vector<1x16xf32>,
    %swap3A_175 = arith.constant 3 : i32
    %swap3A_176 = arith.index_cast %swap3A_175 : i32 to index
    %swap3A_177 = arith.constant 80 : index
    %swap3A_178 = tpu.vector_load %arg9[%swap3A_176, %swap3A_177] {strides = array<i32>} : memref<8x128xf32, #tpu.memory_space<vmem>>, vector<1x16xf32>,
    %swap3A_179 = vector.shape_cast %swap3A_178 : vector<1x16xf32> to vector<16xf32>
    %swap3A_180 = vector.shape_cast %broadcast_in_dim3A_1 : vector<16xf32> to vector<1x16xf32>
    tpu.vector_store %arg9[%swap3A_176, %swap3A_177], %swap3A_180 {strides = array<i32>} : memref<8x128xf32, #tpu.memory_space<vmem>>, vector<1x16xf32>,
    %swap3A_181 = arith.constant 3 : i32
    %swap3A_182 = arith.index_cast %swap3A_181 : i32 to index
    %swap3A_183 = arith.constant 96 : index
    %swap3A_184 = tpu.vector_load %arg9[%swap3A_182, %swap3A_183] {strides = array<i32>} : memref<8x128xf32, #tpu.memory_space<vmem>>, vector<1x16xf32>,
    %swap3A_185 = vector.shape_cast %swap3A_184 : vector<1x16xf32> to vector<16xf32>
    %swap3A_186 = vector.shape_cast %broadcast_in_dim3A_1 : vector<16xf32> to vector<1x16xf32>
    tpu.vector_store %arg9[%swap3A_182, %swap3A_183], %swap3A_186 {strides = array<i32>} : memref<8x128xf32, #tpu.memory_space<vmem>>, vector<1x16xf32>,
    %swap3A_187 = arith.constant 3 : i32
    %swap3A_188 = arith.index_cast %swap3A_187 : i32 to index
    %swap3A_189 = arith.constant 112 : index
    %swap3A_190 = tpu.vector_load %arg9[%swap3A_188, %swap3A_189] {strides = array<i32>} : memref<8x128xf32, #tpu.memory_space<vmem>>, vector<1x16xf32>,
    %swap3A_191 = vector.shape_cast %swap3A_190 : vector<1x16xf32> to vector<16xf32>
    %swap3A_192 = vector.shape_cast %broadcast_in_dim3A_1 : vector<16xf32> to vector<1x16xf32>
    tpu.vector_store %arg9[%swap3A_188, %swap3A_189], %swap3A_192 {strides = array<i32>} : memref<8x128xf32, #tpu.memory_space<vmem>>, vector<1x16xf32>,
    %swap3A_193 = arith.constant 4 : i32
    %swap3A_194 = arith.index_cast %swap3A_193 : i32 to index
    %swap3A_195 = arith.constant 0 : index
    %swap3A_196 = tpu.vector_load %arg9[%swap3A_194, %swap3A_195] {strides = array<i32>} : memref<8x128xf32, #tpu.memory_space<vmem>>, vector<1x16xf32>,
    %swap3A_197 = vector.shape_cast %swap3A_196 : vector<1x16xf32> to vector<16xf32>
    %swap3A_198 = vector.shape_cast %broadcast_in_dim3A_1 : vector<16xf32> to vector<1x16xf32>
    tpu.vector_store %arg9[%swap3A_194, %swap3A_195], %swap3A_198 {strides = array<i32>} : memref<8x128xf32, #tpu.memory_space<vmem>>, vector<1x16xf32>,
    %swap3A_199 = arith.constant 4 : i32
    %swap3A_200 = arith.index_cast %swap3A_199 : i32 to index
    %swap3A_201 = arith.constant 16 : index
    %swap3A_202 = tpu.vector_load %arg9[%swap3A_200, %swap3A_201] {strides = array<i32>} : memref<8x128xf32, #tpu.memory_space<vmem>>, vector<1x16xf32>,
    %swap3A_203 = vector.shape_cast %swap3A_202 : vector<1x16xf32> to vector<16xf32>
    %swap3A_204 = vector.shape_cast %broadcast_in_dim3A_1 : vector<16xf32> to vector<1x16xf32>
    tpu.vector_store %arg9[%swap3A_200, %swap3A_201], %swap3A_204 {strides = array<i32>} : memref<8x128xf32, #tpu.memory_space<vmem>>, vector<1x16xf32>,
    %swap3A_205 = arith.constant 4 : i32
    %swap3A_206 = arith.index_cast %swap3A_205 : i32 to index
    %swap3A_207 = arith.constant 32 : index
    %swap3A_208 = tpu.vector_load %arg9[%swap3A_206, %swap3A_207] {strides = array<i32>} : memref<8x128xf32, #tpu.memory_space<vmem>>, vector<1x16xf32>,
    %swap3A_209 = vector.shape_cast %swap3A_208 : vector<1x16xf32> to vector<16xf32>
    %swap3A_210 = vector.shape_cast %broadcast_in_dim3A_1 : vector<16xf32> to vector<1x16xf32>
    tpu.vector_store %arg9[%swap3A_206, %swap3A_207], %swap3A_210 {strides = array<i32>} : memref<8x128xf32, #tpu.memory_space<vmem>>, vector<1x16xf32>,
    %swap3A_211 = arith.constant 4 : i32
    %swap3A_212 = arith.index_cast %swap3A_211 : i32 to index
    %swap3A_213 = arith.constant 48 : index
    %swap3A_214 = tpu.vector_load %arg9[%swap3A_212, %swap3A_213] {strides = array<i32>} : memref<8x128xf32, #tpu.memory_space<vmem>>, vector<1x16xf32>,
    %swap3A_215 = vector.shape_cast %swap3A_214 : vector<1x16xf32> to vector<16xf32>
    %swap3A_216 = vector.shape_cast %broadcast_in_dim3A_1 : vector<16xf32> to vector<1x16xf32>
    tpu.vector_store %arg9[%swap3A_212, %swap3A_213], %swap3A_216 {strides = array<i32>} : memref<8x128xf32, #tpu.memory_space<vmem>>, vector<1x16xf32>,
    %swap3A_217 = arith.constant 4 : i32
    %swap3A_218 = arith.index_cast %swap3A_217 : i32 to index
    %swap3A_219 = arith.constant 64 : index
    %swap3A_220 = tpu.vector_load %arg9[%swap3A_218, %swap3A_219] {strides = array<i32>} : memref<8x128xf32, #tpu.memory_space<vmem>>, vector<1x16xf32>,
    %swap3A_221 = vector.shape_cast %swap3A_220 : vector<1x16xf32> to vector<16xf32>
    %swap3A_222 = vector.shape_cast %broadcast_in_dim3A_1 : vector<16xf32> to vector<1x16xf32>
    tpu.vector_store %arg9[%swap3A_218, %swap3A_219], %swap3A_222 {strides = array<i32>} : memref<8x128xf32, #tpu.memory_space<vmem>>, vector<1x16xf32>,
    %swap3A_223 = arith.constant 4 : i32
    %swap3A_224 = arith.index_cast %swap3A_223 : i32 to index
    %swap3A_225 = arith.constant 80 : index
    %swap3A_226 = tpu.vector_load %arg9[%swap3A_224, %swap3A_225] {strides = array<i32>} : memref<8x128xf32, #tpu.memory_space<vmem>>, vector<1x16xf32>,
    %swap3A_227 = vector.shape_cast %swap3A_226 : vector<1x16xf32> to vector<16xf32>
    %swap3A_228 = vector.shape_cast %broadcast_in_dim3A_1 : vector<16xf32> to vector<1x16xf32>
    tpu.vector_store %arg9[%swap3A_224, %swap3A_225], %swap3A_228 {strides = array<i32>} : memref<8x128xf32, #tpu.memory_space<vmem>>, vector<1x16xf32>,
    %swap3A_229 = arith.constant 4 : i32
    %swap3A_230 = arith.index_cast %swap3A_229 : i32 to index
    %swap3A_231 = arith.constant 96 : index
    %swap3A_232 = tpu.vector_load %arg9[%swap3A_230, %swap3A_231] {strides = array<i32>} : memref<8x128xf32, #tpu.memory_space<vmem>>, vector<1x16xf32>,
    %swap3A_233 = vector.shape_cast %swap3A_232 : vector<1x16xf32> to vector<16xf32>
    %swap3A_234 = vector.shape_cast %broadcast_in_dim3A_1 : vector<16xf32> to vector<1x16xf32>
    tpu.vector_store %arg9[%swap3A_230, %swap3A_231], %swap3A_234 {strides = array<i32>} : memref<8x128xf32, #tpu.memory_space<vmem>>, vector<1x16xf32>,
    %swap3A_235 = arith.constant 4 : i32
    %swap3A_236 = arith.index_cast %swap3A_235 : i32 to index
    %swap3A_237 = arith.constant 112 : index
    %swap3A_238 = tpu.vector_load %arg9[%swap3A_236, %swap3A_237] {strides = array<i32>} : memref<8x128xf32, #tpu.memory_space<vmem>>, vector<1x16xf32>,
    %swap3A_239 = vector.shape_cast %swap3A_238 : vector<1x16xf32> to vector<16xf32>
    %swap3A_240 = vector.shape_cast %broadcast_in_dim3A_1 : vector<16xf32> to vector<1x16xf32>
    tpu.vector_store %arg9[%swap3A_236, %swap3A_237], %swap3A_240 {strides = array<i32>} : memref<8x128xf32, #tpu.memory_space<vmem>>, vector<1x16xf32>,
    %swap3A_241 = arith.constant 5 : i32
    %swap3A_242 = arith.index_cast %swap3A_241 : i32 to index
    %swap3A_243 = arith.constant 0 : index
    %swap3A_244 = tpu.vector_load %arg9[%swap3A_242, %swap3A_243] {strides = array<i32>} : memref<8x128xf32, #tpu.memory_space<vmem>>, vector<1x16xf32>,
    %swap3A_245 = vector.shape_cast %swap3A_244 : vector<1x16xf32> to vector<16xf32>
    %swap3A_246 = vector.shape_cast %broadcast_in_dim3A_1 : vector<16xf32> to vector<1x16xf32>
    tpu.vector_store %arg9[%swap3A_242, %swap3A_243], %swap3A_246 {strides = array<i32>} : memref<8x128xf32, #tpu.memory_space<vmem>>, vector<1x16xf32>,
    %swap3A_247 = arith.constant 5 : i32
    %swap3A_248 = arith.index_cast %swap3A_247 : i32 to index
    %swap3A_249 = arith.constant 16 : index
    %swap3A_250 = tpu.vector_load %arg9[%swap3A_248, %swap3A_249] {strides = array<i32>} : memref<8x128xf32, #tpu.memory_space<vmem>>, vector<1x16xf32>,
    %swap3A_251 = vector.shape_cast %swap3A_250 : vector<1x16xf32> to vector<16xf32>
    %swap3A_252 = vector.shape_cast %broadcast_in_dim3A_1 : vector<16xf32> to vector<1x16xf32>
    tpu.vector_store %arg9[%swap3A_248, %swap3A_249], %swap3A_252 {strides = array<i32>} : memref<8x128xf32, #tpu.memory_space<vmem>>, vector<1x16xf32>,
    %swap3A_253 = arith.constant 5 : i32
    %swap3A_254 = arith.index_cast %swap3A_253 : i32 to index
    %swap3A_255 = arith.constant 32 : index
    %swap3A_256 = tpu.vector_load %arg9[%swap3A_254, %swap3A_255] {strides = array<i32>} : memref<8x128xf32, #tpu.memory_space<vmem>>, vector<1x16xf32>,
    %swap3A_257 = vector.shape_cast %swap3A_256 : vector<1x16xf32> to vector<16xf32>
    %swap3A_258 = vector.shape_cast %broadcast_in_dim3A_1 : vector<16xf32> to vector<1x16xf32>
    tpu.vector_store %arg9[%swap3A_254, %swap3A_255], %swap3A_258 {strides = array<i32>} : memref<8x128xf32, #tpu.memory_space<vmem>>, vector<1x16xf32>,
    %swap3A_259 = arith.constant 5 : i32
    %swap3A_260 = arith.index_cast %swap3A_259 : i32 to index
    %swap3A_261 = arith.constant 48 : index
    %swap3A_262 = tpu.vector_load %arg9[%swap3A_260, %swap3A_261] {strides = array<i32>} : memref<8x128xf32, #tpu.memory_space<vmem>>, vector<1x16xf32>,
    %swap3A_263 = vector.shape_cast %swap3A_262 : vector<1x16xf32> to vector<16xf32>
    %swap3A_264 = vector.shape_cast %broadcast_in_dim3A_1 : vector<16xf32> to vector<1x16xf32>
    tpu.vector_store %arg9[%swap3A_260, %swap3A_261], %swap3A_264 {strides = array<i32>} : memref<8x128xf32, #tpu.memory_space<vmem>>, vector<1x16xf32>,
    %swap3A_265 = arith.constant 5 : i32
    %swap3A_266 = arith.index_cast %swap3A_265 : i32 to index
    %swap3A_267 = arith.constant 64 : index
    %swap3A_268 = tpu.vector_load %arg9[%swap3A_266, %swap3A_267] {strides = array<i32>} : memref<8x128xf32, #tpu.memory_space<vmem>>, vector<1x16xf32>,
    %swap3A_269 = vector.shape_cast %swap3A_268 : vector<1x16xf32> to vector<16xf32>
    %swap3A_270 = vector.shape_cast %broadcast_in_dim3A_1 : vector<16xf32> to vector<1x16xf32>
    tpu.vector_store %arg9[%swap3A_266, %swap3A_267], %swap3A_270 {strides = array<i32>} : memref<8x128xf32, #tpu.memory_space<vmem>>, vector<1x16xf32>,
    %swap3A_271 = arith.constant 5 : i32
    %swap3A_272 = arith.index_cast %swap3A_271 : i32 to index
    %swap3A_273 = arith.constant 80 : index
    %swap3A_274 = tpu.vector_load %arg9[%swap3A_272, %swap3A_273] {strides = array<i32>} : memref<8x128xf32, #tpu.memory_space<vmem>>, vector<1x16xf32>,
    %swap3A_275 = vector.shape_cast %swap3A_274 : vector<1x16xf32> to vector<16xf32>
    %swap3A_276 = vector.shape_cast %broadcast_in_dim3A_1 : vector<16xf32> to vector<1x16xf32>
    tpu.vector_store %arg9[%swap3A_272, %swap3A_273], %swap3A_276 {strides = array<i32>} : memref<8x128xf32, #tpu.memory_space<vmem>>, vector<1x16xf32>,
    %swap3A_277 = arith.constant 5 : i32
    %swap3A_278 = arith.index_cast %swap3A_277 : i32 to index
    %swap3A_279 = arith.constant 96 : index
    %swap3A_280 = tpu.vector_load %arg9[%swap3A_278, %swap3A_279] {strides = array<i32>} : memref<8x128xf32, #tpu.memory_space<vmem>>, vector<1x16xf32>,
    %swap3A_281 = vector.shape_cast %swap3A_280 : vector<1x16xf32> to vector<16xf32>
    %swap3A_282 = vector.shape_cast %broadcast_in_dim3A_1 : vector<16xf32> to vector<1x16xf32>
    tpu.vector_store %arg9[%swap3A_278, %swap3A_279], %swap3A_282 {strides = array<i32>} : memref<8x128xf32, #tpu.memory_space<vmem>>, vector<1x16xf32>,
    %swap3A_283 = arith.constant 5 : i32
    %swap3A_284 = arith.index_cast %swap3A_283 : i32 to index
    %swap3A_285 = arith.constant 112 : index
    %swap3A_286 = tpu.vector_load %arg9[%swap3A_284, %swap3A_285] {strides = array<i32>} : memref<8x128xf32, #tpu.memory_space<vmem>>, vector<1x16xf32>,
    %swap3A_287 = vector.shape_cast %swap3A_286 : vector<1x16xf32> to vector<16xf32>
    %swap3A_288 = vector.shape_cast %broadcast_in_dim3A_1 : vector<16xf32> to vector<1x16xf32>
    tpu.vector_store %arg9[%swap3A_284, %swap3A_285], %swap3A_288 {strides = array<i32>} : memref<8x128xf32, #tpu.memory_space<vmem>>, vector<1x16xf32>,
    %swap3A_289 = arith.constant 6 : i32
    %swap3A_290 = arith.index_cast %swap3A_289 : i32 to index
    %swap3A_291 = arith.constant 0 : index
    %swap3A_292 = tpu.vector_load %arg9[%swap3A_290, %swap3A_291] {strides = array<i32>} : memref<8x128xf32, #tpu.memory_space<vmem>>, vector<1x16xf32>,
    %swap3A_293 = vector.shape_cast %swap3A_292 : vector<1x16xf32> to vector<16xf32>
    %swap3A_294 = vector.shape_cast %broadcast_in_dim3A_1 : vector<16xf32> to vector<1x16xf32>
    tpu.vector_store %arg9[%swap3A_290, %swap3A_291], %swap3A_294 {strides = array<i32>} : memref<8x128xf32, #tpu.memory_space<vmem>>, vector<1x16xf32>,
    %swap3A_295 = arith.constant 6 : i32
    %swap3A_296 = arith.index_cast %swap3A_295 : i32 to index
    %swap3A_297 = arith.constant 16 : index
    %swap3A_298 = tpu.vector_load %arg9[%swap3A_296, %swap3A_297] {strides = array<i32>} : memref<8x128xf32, #tpu.memory_space<vmem>>, vector<1x16xf32>,
    %swap3A_299 = vector.shape_cast %swap3A_298 : vector<1x16xf32> to vector<16xf32>
    %swap3A_300 = vector.shape_cast %broadcast_in_dim3A_1 : vector<16xf32> to vector<1x16xf32>
    tpu.vector_store %arg9[%swap3A_296, %swap3A_297], %swap3A_300 {strides = array<i32>} : memref<8x128xf32, #tpu.memory_space<vmem>>, vector<1x16xf32>,
    %swap3A_301 = arith.constant 6 : i32
    %swap3A_302 = arith.index_cast %swap3A_301 : i32 to index
    %swap3A_303 = arith.constant 32 : index
    %swap3A_304 = tpu.vector_load %arg9[%swap3A_302, %swap3A_303] {strides = array<i32>} : memref<8x128xf32, #tpu.memory_space<vmem>>, vector<1x16xf32>,
    %swap3A_305 = vector.shape_cast %swap3A_304 : vector<1x16xf32> to vector<16xf32>
    %swap3A_306 = vector.shape_cast %broadcast_in_dim3A_1 : vector<16xf32> to vector<1x16xf32>
    tpu.vector_store %arg9[%swap3A_302, %swap3A_303], %swap3A_306 {strides = array<i32>} : memref<8x128xf32, #tpu.memory_space<vmem>>, vector<1x16xf32>,
    %swap3A_307 = arith.constant 6 : i32
    %swap3A_308 = arith.index_cast %swap3A_307 : i32 to index
    %swap3A_309 = arith.constant 48 : index
    %swap3A_310 = tpu.vector_load %arg9[%swap3A_308, %swap3A_309] {strides = array<i32>} : memref<8x128xf32, #tpu.memory_space<vmem>>, vector<1x16xf32>,
    %swap3A_311 = vector.shape_cast %swap3A_310 : vector<1x16xf32> to vector<16xf32>
    %swap3A_312 = vector.shape_cast %broadcast_in_dim3A_1 : vector<16xf32> to vector<1x16xf32>
    tpu.vector_store %arg9[%swap3A_308, %swap3A_309], %swap3A_312 {strides = array<i32>} : memref<8x128xf32, #tpu.memory_space<vmem>>, vector<1x16xf32>,
    %swap3A_313 = arith.constant 6 : i32
    %swap3A_314 = arith.index_cast %swap3A_313 : i32 to index
    %swap3A_315 = arith.constant 64 : index
    %swap3A_316 = tpu.vector_load %arg9[%swap3A_314, %swap3A_315] {strides = array<i32>} : memref<8x128xf32, #tpu.memory_space<vmem>>, vector<1x16xf32>,
    %swap3A_317 = vector.shape_cast %swap3A_316 : vector<1x16xf32> to vector<16xf32>
    %swap3A_318 = vector.shape_cast %broadcast_in_dim3A_1 : vector<16xf32> to vector<1x16xf32>
    tpu.vector_store %arg9[%swap3A_314, %swap3A_315], %swap3A_318 {strides = array<i32>} : memref<8x128xf32, #tpu.memory_space<vmem>>, vector<1x16xf32>,
    %swap3A_319 = arith.constant 6 : i32
    %swap3A_320 = arith.index_cast %swap3A_319 : i32 to index
    %swap3A_321 = arith.constant 80 : index
    %swap3A_322 = tpu.vector_load %arg9[%swap3A_320, %swap3A_321] {strides = array<i32>} : memref<8x128xf32, #tpu.memory_space<vmem>>, vector<1x16xf32>,
    %swap3A_323 = vector.shape_cast %swap3A_322 : vector<1x16xf32> to vector<16xf32>
    %swap3A_324 = vector.shape_cast %broadcast_in_dim3A_1 : vector<16xf32> to vector<1x16xf32>
    tpu.vector_store %arg9[%swap3A_320, %swap3A_321], %swap3A_324 {strides = array<i32>} : memref<8x128xf32, #tpu.memory_space<vmem>>, vector<1x16xf32>,
    %swap3A_325 = arith.constant 6 : i32
    %swap3A_326 = arith.index_cast %swap3A_325 : i32 to index
    %swap3A_327 = arith.constant 96 : index
    %swap3A_328 = tpu.vector_load %arg9[%swap3A_326, %swap3A_327] {strides = array<i32>} : memref<8x128xf32, #tpu.memory_space<vmem>>, vector<1x16xf32>,
    %swap3A_329 = vector.shape_cast %swap3A_328 : vector<1x16xf32> to vector<16xf32>
    %swap3A_330 = vector.shape_cast %broadcast_in_dim3A_1 : vector<16xf32> to vector<1x16xf32>
    tpu.vector_store %arg9[%swap3A_326, %swap3A_327], %swap3A_330 {strides = array<i32>} : memref<8x128xf32, #tpu.memory_space<vmem>>, vector<1x16xf32>,
    %swap3A_331 = arith.constant 6 : i32
    %swap3A_332 = arith.index_cast %swap3A_331 : i32 to index
    %swap3A_333 = arith.constant 112 : index
    %swap3A_334 = tpu.vector_load %arg9[%swap3A_332, %swap3A_333] {strides = array<i32>} : memref<8x128xf32, #tpu.memory_space<vmem>>, vector<1x16xf32>,
    %swap3A_335 = vector.shape_cast %swap3A_334 : vector<1x16xf32> to vector<16xf32>
    %swap3A_336 = vector.shape_cast %broadcast_in_dim3A_1 : vector<16xf32> to vector<1x16xf32>
    tpu.vector_store %arg9[%swap3A_332, %swap3A_333], %swap3A_336 {strides = array<i32>} : memref<8x128xf32, #tpu.memory_space<vmem>>, vector<1x16xf32>,
    %swap3A_337 = arith.constant 7 : i32
    %swap3A_338 = arith.index_cast %swap3A_337 : i32 to index
    %swap3A_339 = arith.constant 0 : index
    %swap3A_340 = tpu.vector_load %arg9[%swap3A_338, %swap3A_339] {strides = array<i32>} : memref<8x128xf32, #tpu.memory_space<vmem>>, vector<1x16xf32>,
    %swap3A_341 = vector.shape_cast %swap3A_340 : vector<1x16xf32> to vector<16xf32>
    %swap3A_342 = vector.shape_cast %broadcast_in_dim3A_1 : vector<16xf32> to vector<1x16xf32>
    tpu.vector_store %arg9[%swap3A_338, %swap3A_339], %swap3A_342 {strides = array<i32>} : memref<8x128xf32, #tpu.memory_space<vmem>>, vector<1x16xf32>,
    %swap3A_343 = arith.constant 7 : i32
    %swap3A_344 = arith.index_cast %swap3A_343 : i32 to index
    %swap3A_345 = arith.constant 16 : index
    %swap3A_346 = tpu.vector_load %arg9[%swap3A_344, %swap3A_345] {strides = array<i32>} : memref<8x128xf32, #tpu.memory_space<vmem>>, vector<1x16xf32>,
    %swap3A_347 = vector.shape_cast %swap3A_346 : vector<1x16xf32> to vector<16xf32>
    %swap3A_348 = vector.shape_cast %broadcast_in_dim3A_1 : vector<16xf32> to vector<1x16xf32>
    tpu.vector_store %arg9[%swap3A_344, %swap3A_345], %swap3A_348 {strides = array<i32>} : memref<8x128xf32, #tpu.memory_space<vmem>>, vector<1x16xf32>,
    %swap3A_349 = arith.constant 7 : i32
    %swap3A_350 = arith.index_cast %swap3A_349 : i32 to index
    %swap3A_351 = arith.constant 32 : index
    %swap3A_352 = tpu.vector_load %arg9[%swap3A_350, %swap3A_351] {strides = array<i32>} : memref<8x128xf32, #tpu.memory_space<vmem>>, vector<1x16xf32>,
    %swap3A_353 = vector.shape_cast %swap3A_352 : vector<1x16xf32> to vector<16xf32>
    %swap3A_354 = vector.shape_cast %broadcast_in_dim3A_1 : vector<16xf32> to vector<1x16xf32>
    tpu.vector_store %arg9[%swap3A_350, %swap3A_351], %swap3A_354 {strides = array<i32>} : memref<8x128xf32, #tpu.memory_space<vmem>>, vector<1x16xf32>,
    %swap3A_355 = arith.constant 7 : i32
    %swap3A_356 = arith.index_cast %swap3A_355 : i32 to index
    %swap3A_357 = arith.constant 48 : index
    %swap3A_358 = tpu.vector_load %arg9[%swap3A_356, %swap3A_357] {strides = array<i32>} : memref<8x128xf32, #tpu.memory_space<vmem>>, vector<1x16xf32>,
    %swap3A_359 = vector.shape_cast %swap3A_358 : vector<1x16xf32> to vector<16xf32>
    %swap3A_360 = vector.shape_cast %broadcast_in_dim3A_1 : vector<16xf32> to vector<1x16xf32>
    tpu.vector_store %arg9[%swap3A_356, %swap3A_357], %swap3A_360 {strides = array<i32>} : memref<8x128xf32, #tpu.memory_space<vmem>>, vector<1x16xf32>,
    %swap3A_361 = arith.constant 7 : i32
    %swap3A_362 = arith.index_cast %swap3A_361 : i32 to index
    %swap3A_363 = arith.constant 64 : index
    %swap3A_364 = tpu.vector_load %arg9[%swap3A_362, %swap3A_363] {strides = array<i32>} : memref<8x128xf32, #tpu.memory_space<vmem>>, vector<1x16xf32>,
    %swap3A_365 = vector.shape_cast %swap3A_364 : vector<1x16xf32> to vector<16xf32>
    %swap3A_366 = vector.shape_cast %broadcast_in_dim3A_1 : vector<16xf32> to vector<1x16xf32>
    tpu.vector_store %arg9[%swap3A_362, %swap3A_363], %swap3A_366 {strides = array<i32>} : memref<8x128xf32, #tpu.memory_space<vmem>>, vector<1x16xf32>,
    %swap3A_367 = arith.constant 7 : i32
    %swap3A_368 = arith.index_cast %swap3A_367 : i32 to index
    %swap3A_369 = arith.constant 80 : index
    %swap3A_370 = tpu.vector_load %arg9[%swap3A_368, %swap3A_369] {strides = array<i32>} : memref<8x128xf32, #tpu.memory_space<vmem>>, vector<1x16xf32>,
    %swap3A_371 = vector.shape_cast %swap3A_370 : vector<1x16xf32> to vector<16xf32>
    %swap3A_372 = vector.shape_cast %broadcast_in_dim3A_1 : vector<16xf32> to vector<1x16xf32>
    tpu.vector_store %arg9[%swap3A_368, %swap3A_369], %swap3A_372 {strides = array<i32>} : memref<8x128xf32, #tpu.memory_space<vmem>>, vector<1x16xf32>,
    %swap3A_373 = arith.constant 7 : i32
    %swap3A_374 = arith.index_cast %swap3A_373 : i32 to index
    %swap3A_375 = arith.constant 96 : index
    %swap3A_376 = tpu.vector_load %arg9[%swap3A_374, %swap3A_375] {strides = array<i32>} : memref<8x128xf32, #tpu.memory_space<vmem>>, vector<1x16xf32>,
    %swap3A_377 = vector.shape_cast %swap3A_376 : vector<1x16xf32> to vector<16xf32>
    %swap3A_378 = vector.shape_cast %broadcast_in_dim3A_1 : vector<16xf32> to vector<1x16xf32>
    tpu.vector_store %arg9[%swap3A_374, %swap3A_375], %swap3A_378 {strides = array<i32>} : memref<8x128xf32, #tpu.memory_space<vmem>>, vector<1x16xf32>,
    %swap3A_379 = arith.constant 7 : i32
    %swap3A_380 = arith.index_cast %swap3A_379 : i32 to index
    %swap3A_381 = arith.constant 112 : index
    %swap3A_382 = tpu.vector_load %arg9[%swap3A_380, %swap3A_381] {strides = array<i32>} : memref<8x128xf32, #tpu.memory_space<vmem>>, vector<1x16xf32>,
    %swap3A_383 = vector.shape_cast %swap3A_382 : vector<1x16xf32> to vector<16xf32>
    %swap3A_384 = vector.shape_cast %broadcast_in_dim3A_1 : vector<16xf32> to vector<1x16xf32>
    tpu.vector_store %arg9[%swap3A_380, %swap3A_381], %swap3A_384 {strides = array<i32>} : memref<8x128xf32, #tpu.memory_space<vmem>>, vector<1x16xf32>,
    %scan3A = arith.constant 0 : i32
    %scan3A_385 = arith.constant 0 : i32
    %scan3A_386 = arith.constant 79 : i32
    %scan3A_387 = arith.addi %scan3A_385, %scan3A_386 : i32
    %scan3A_388 = arith.constant 1 : i32
    %scan3A_389 = scf.for %scan3A_456 = %scan3A_385 to %scan3A_387 step %scan3A_388 iter_args(%scan3A_457 = %scan3A) -> (i32)  : i32 {
      %mul3A_458 = arith.constant 632 : i32
      %mul3A_459 = arith.muli %arg1, %mul3A_458 : i32
      %mul3A_460 = arith.constant 8 : i32
      %mul3A_461 = arith.muli %scan3A_456, %mul3A_460 : i32
      %add3A_462 = arith.addi %mul3A_459, %mul3A_461 : i32
      "tpu.region"() ({
        %run_scoped3A = tpu.sem_alloc : memref<!tpu.dma_semaphore, #tpu.memory_space<semaphore_mem>>
        %dma_start3A_464 = arith.constant 0 : i32
        %dma_start3A_465 = tpu.memref_slice %arg10[%add3A_462, %dma_start3A_464] : memref<10112x128xf32, #tpu.memory_space<vmem_shared>> -> memref<8x128xf32, #tpu.memory_space<vmem_shared>>
        %dma_start3A_466 = arith.constant 0 : i32
        %dma_start3A_467 = tpu.memref_slice %arg10[%add3A_462, %dma_start3A_466] : memref<10112x128xf32, #tpu.memory_space<vmem_shared>> -> memref<8x128xf32, #tpu.memory_space<vmem_shared>>
        tpu.enqueue_dma source(%arg9 : memref<8x128xf32, #tpu.memory_space<vmem>>) target(%dma_start3A_467 : memref<8x128xf32, #tpu.memory_space<vmem_shared>>) target_semaphore(%run_scoped3A : memref<!tpu.dma_semaphore, #tpu.memory_space<semaphore_mem>>)
        %dma_wait3A_468 = arith.constant 0 : i32
        %dma_wait3A_469 = tpu.memref_slice %arg10[%add3A_462, %dma_wait3A_468] : memref<10112x128xf32, #tpu.memory_space<vmem_shared>> -> memref<8x128xf32, #tpu.memory_space<vmem_shared>>
        %dma_wait3A_470 = arith.constant 0 : i32
        %dma_wait3A_471 = tpu.memref_slice %arg10[%add3A_462, %dma_wait3A_470] : memref<10112x128xf32, #tpu.memory_space<vmem_shared>> -> memref<8x128xf32, #tpu.memory_space<vmem_shared>>
        tpu.wait_dma2 semaphore(%run_scoped3A : memref<!tpu.dma_semaphore, #tpu.memory_space<semaphore_mem>>) src(%arg9 : memref<8x128xf32, #tpu.memory_space<vmem>>) dst(%dma_wait3A_471 : memref<8x128xf32, #tpu.memory_space<vmem_shared>>)
        tpu.yield
      }) : () -> ()
      %scan3A_463 = arith.constant 0 : i32
      scf.yield %scan3A_463 : i32
    }
    %scan3A_390 = arith.constant 79 : i32
    %barrier3A = arith.constant 0 : index
    tpu.barrier barrier_id(%barrier3A)
    "tpu.region"() ({
      %run_scoped3A = tpu.sem_alloc : memref<!tpu.dma_semaphore, #tpu.memory_space<semaphore_mem>>
      %dma_start3A_456 = arith.constant 0 : i32
      %dma_start3A_457 = arith.constant 0 : i32
      %dma_start3A_458 = tpu.memref_slice %arg2[%add3A, %dma_start3A_456, %dma_start3A_457] : memref<32x80x128xi32, #tpu.memory_space<hbm>> -> memref<1x80x128xi32, #tpu.memory_space<hbm>>
      %dma_start3A_459 = tpu.memref_squeeze %dma_start3A_458 : memref<1x80x128xi32, #tpu.memory_space<hbm>> -> memref<80x128xi32, #tpu.memory_space<hbm>>
      %dma_start3A_460 = arith.constant 0 : i32
      %dma_start3A_461 = arith.constant 0 : i32
      %dma_start3A_462 = tpu.memref_slice %dma_start3A_459[%dma_start3A_460, %dma_start3A_461] : memref<80x128xi32, #tpu.memory_space<hbm>> -> memref<40x128xi32, #tpu.memory_space<hbm>>
      %dma_start3A_463 = arith.constant 0 : i32
      %dma_start3A_464 = arith.constant 0 : i32
      %dma_start3A_465 = tpu.memref_slice %arg2[%add3A, %dma_start3A_463, %dma_start3A_464] : memref<32x80x128xi32, #tpu.memory_space<hbm>> -> memref<1x80x128xi32, #tpu.memory_space<hbm>>
      %dma_start3A_466 = tpu.memref_squeeze %dma_start3A_465 : memref<1x80x128xi32, #tpu.memory_space<hbm>> -> memref<80x128xi32, #tpu.memory_space<hbm>>
      %dma_start3A_467 = arith.constant 0 : i32
      %dma_start3A_468 = arith.constant 0 : i32
      %dma_start3A_469 = tpu.memref_slice %dma_start3A_466[%dma_start3A_467, %dma_start3A_468] : memref<80x128xi32, #tpu.memory_space<hbm>> -> memref<40x128xi32, #tpu.memory_space<hbm>>
      tpu.enqueue_dma source(%dma_start3A_469 : memref<40x128xi32, #tpu.memory_space<hbm>>) target(%arg6 : memref<40x128xi32, #tpu.memory_space<vmem>>) target_semaphore(%run_scoped3A : memref<!tpu.dma_semaphore, #tpu.memory_space<semaphore_mem>>)
      %dma_wait3A_470 = arith.constant 0 : i32
      %dma_wait3A_471 = arith.constant 0 : i32
      %dma_wait3A_472 = tpu.memref_slice %arg2[%add3A, %dma_wait3A_470, %dma_wait3A_471] : memref<32x80x128xi32, #tpu.memory_space<hbm>> -> memref<1x80x128xi32, #tpu.memory_space<hbm>>
      %dma_wait3A_473 = tpu.memref_squeeze %dma_wait3A_472 : memref<1x80x128xi32, #tpu.memory_space<hbm>> -> memref<80x128xi32, #tpu.memory_space<hbm>>
      %dma_wait3A_474 = arith.constant 0 : i32
      %dma_wait3A_475 = arith.constant 0 : i32
      %dma_wait3A_476 = tpu.memref_slice %dma_wait3A_473[%dma_wait3A_474, %dma_wait3A_475] : memref<80x128xi32, #tpu.memory_space<hbm>> -> memref<40x128xi32, #tpu.memory_space<hbm>>
      %dma_wait3A_477 = arith.constant 0 : i32
      %dma_wait3A_478 = arith.constant 0 : i32
      %dma_wait3A_479 = tpu.memref_slice %arg2[%add3A, %dma_wait3A_477, %dma_wait3A_478] : memref<32x80x128xi32, #tpu.memory_space<hbm>> -> memref<1x80x128xi32, #tpu.memory_space<hbm>>
      %dma_wait3A_480 = tpu.memref_squeeze %dma_wait3A_479 : memref<1x80x128xi32, #tpu.memory_space<hbm>> -> memref<80x128xi32, #tpu.memory_space<hbm>>
      %dma_wait3A_481 = arith.constant 0 : i32
      %dma_wait3A_482 = arith.constant 0 : i32
      %dma_wait3A_483 = tpu.memref_slice %dma_wait3A_480[%dma_wait3A_481, %dma_wait3A_482] : memref<80x128xi32, #tpu.memory_space<hbm>> -> memref<40x128xi32, #tpu.memory_space<hbm>>
      tpu.wait_dma2 semaphore(%run_scoped3A : memref<!tpu.dma_semaphore, #tpu.memory_space<semaphore_mem>>) src(%dma_wait3A_483 : memref<40x128xi32, #tpu.memory_space<hbm>>) dst(%arg6 : memref<40x128xi32, #tpu.memory_space<vmem>>)
      tpu.yield
    }) : () -> ()
    "tpu.region"() ({
      %run_scoped3A = tpu.sem_alloc : memref<!tpu.dma_semaphore, #tpu.memory_space<semaphore_mem>>
      %dma_start3A_456 = arith.constant 0 : i32
      %dma_start3A_457 = arith.constant 0 : i32
      %dma_start3A_458 = tpu.memref_slice %arg3[%add3A, %dma_start3A_456, %dma_start3A_457] : memref<32x80x128xi32, #tpu.memory_space<hbm>> -> memref<1x80x128xi32, #tpu.memory_space<hbm>>
      %dma_start3A_459 = tpu.memref_squeeze %dma_start3A_458 : memref<1x80x128xi32, #tpu.memory_space<hbm>> -> memref<80x128xi32, #tpu.memory_space<hbm>>
      %dma_start3A_460 = arith.constant 0 : i32
      %dma_start3A_461 = arith.constant 0 : i32
      %dma_start3A_462 = tpu.memref_slice %dma_start3A_459[%dma_start3A_460, %dma_start3A_461] : memref<80x128xi32, #tpu.memory_space<hbm>> -> memref<40x128xi32, #tpu.memory_space<hbm>>
      %dma_start3A_463 = arith.constant 0 : i32
      %dma_start3A_464 = arith.constant 0 : i32
      %dma_start3A_465 = tpu.memref_slice %arg3[%add3A, %dma_start3A_463, %dma_start3A_464] : memref<32x80x128xi32, #tpu.memory_space<hbm>> -> memref<1x80x128xi32, #tpu.memory_space<hbm>>
      %dma_start3A_466 = tpu.memref_squeeze %dma_start3A_465 : memref<1x80x128xi32, #tpu.memory_space<hbm>> -> memref<80x128xi32, #tpu.memory_space<hbm>>
      %dma_start3A_467 = arith.constant 0 : i32
      %dma_start3A_468 = arith.constant 0 : i32
      %dma_start3A_469 = tpu.memref_slice %dma_start3A_466[%dma_start3A_467, %dma_start3A_468] : memref<80x128xi32, #tpu.memory_space<hbm>> -> memref<40x128xi32, #tpu.memory_space<hbm>>
      tpu.enqueue_dma source(%dma_start3A_469 : memref<40x128xi32, #tpu.memory_space<hbm>>) target(%arg7 : memref<40x128xi32, #tpu.memory_space<vmem>>) target_semaphore(%run_scoped3A : memref<!tpu.dma_semaphore, #tpu.memory_space<semaphore_mem>>)
      %dma_wait3A_470 = arith.constant 0 : i32
      %dma_wait3A_471 = arith.constant 0 : i32
      %dma_wait3A_472 = tpu.memref_slice %arg3[%add3A, %dma_wait3A_470, %dma_wait3A_471] : memref<32x80x128xi32, #tpu.memory_space<hbm>> -> memref<1x80x128xi32, #tpu.memory_space<hbm>>
      %dma_wait3A_473 = tpu.memref_squeeze %dma_wait3A_472 : memref<1x80x128xi32, #tpu.memory_space<hbm>> -> memref<80x128xi32, #tpu.memory_space<hbm>>
      %dma_wait3A_474 = arith.constant 0 : i32
      %dma_wait3A_475 = arith.constant 0 : i32
      %dma_wait3A_476 = tpu.memref_slice %dma_wait3A_473[%dma_wait3A_474, %dma_wait3A_475] : memref<80x128xi32, #tpu.memory_space<hbm>> -> memref<40x128xi32, #tpu.memory_space<hbm>>
      %dma_wait3A_477 = arith.constant 0 : i32
      %dma_wait3A_478 = arith.constant 0 : i32
      %dma_wait3A_479 = tpu.memref_slice %arg3[%add3A, %dma_wait3A_477, %dma_wait3A_478] : memref<32x80x128xi32, #tpu.memory_space<hbm>> -> memref<1x80x128xi32, #tpu.memory_space<hbm>>
      %dma_wait3A_480 = tpu.memref_squeeze %dma_wait3A_479 : memref<1x80x128xi32, #tpu.memory_space<hbm>> -> memref<80x128xi32, #tpu.memory_space<hbm>>
      %dma_wait3A_481 = arith.constant 0 : i32
      %dma_wait3A_482 = arith.constant 0 : i32
      %dma_wait3A_483 = tpu.memref_slice %dma_wait3A_480[%dma_wait3A_481, %dma_wait3A_482] : memref<80x128xi32, #tpu.memory_space<hbm>> -> memref<40x128xi32, #tpu.memory_space<hbm>>
      tpu.wait_dma2 semaphore(%run_scoped3A : memref<!tpu.dma_semaphore, #tpu.memory_space<semaphore_mem>>) src(%dma_wait3A_483 : memref<40x128xi32, #tpu.memory_space<hbm>>) dst(%arg7 : memref<40x128xi32, #tpu.memory_space<vmem>>)
      tpu.yield
    }) : () -> ()
    %dma_start3A = arith.constant 0 : i32
    %dma_start3A_391 = arith.constant 0 : i32
    %dma_start3A_392 = arith.constant 0 : i32
    %dma_start3A_393 = arith.constant 0 : i32
    %dma_start3A_394 = tpu.memref_slice %arg8[%dma_start3A_391, %dma_start3A_392, %dma_start3A_393] : memref<2x128x128xf32, #tpu.memory_space<vmem>> -> memref<1x128x128xf32, #tpu.memory_space<vmem>>
    %dma_start3A_395 = tpu.memref_squeeze %dma_start3A_394 : memref<1x128x128xf32, #tpu.memory_space<vmem>> -> memref<128x128xf32, #tpu.memory_space<vmem>>
    %dma_start3A_396 = arith.constant 0 : i32
    %dma_start3A_397 = tpu.memref_slice %arg6[%dma_start3A, %dma_start3A_396] : memref<40x128xi32, #tpu.memory_space<vmem>> -> memref<1x128xi32, #tpu.memory_space<vmem>>
    %dma_start3A_398 = tpu.memref_squeeze %dma_start3A_397 : memref<1x128xi32, #tpu.memory_space<vmem>> -> memref<128xi32, #tpu.memory_space<vmem>>
    %dma_start3A_399 = arith.constant 0 : i32
    %dma_start3A_400 = arith.constant 0 : i32
    %dma_start3A_401 = tpu.memref_slice %arg4[%dma_start3A_399, %dma_start3A_400] : memref<10112x128xf32, #tpu.memory_space<hbm>> -> memref<10112x128xf32, #tpu.memory_space<hbm>>
    tpu.enqueue_indirect_dma source(%dma_start3A_401 : memref<10112x128xf32, #tpu.memory_space<hbm>>) target(%dma_start3A_395 : memref<128x128xf32, #tpu.memory_space<vmem>>) offsets(%dma_start3A_398 : memref<128xi32, #tpu.memory_space<vmem>>) semaphore(%arg11 : memref<!tpu.dma_semaphore, #tpu.memory_space<semaphore_mem>>)
    %scan3A_402 = arith.constant 0 : i32
    %scan3A_403 = arith.constant 0 : i32
    %scan3A_404 = arith.constant 20 : i32
    %scan3A_405 = arith.addi %scan3A_403, %scan3A_404 : i32
    %scan3A_406 = arith.constant 1 : i32
    %scan3A_407 = scf.for %scan3A_456 = %scan3A_403 to %scan3A_405 step %scan3A_406 iter_args(%scan3A_457 = %scan3A_402) -> (i32)  : i32 {
      %mul3A_458 = arith.constant 2 : i32
      %mul3A_459 = arith.muli %mul3A_458, %scan3A_456 : i32
      %add3A_460 = arith.constant 1 : i32
      %add3A_461 = arith.addi %mul3A_459, %add3A_460 : i32
      %dma_start3A_462 = arith.constant 1 : i32
      %dma_start3A_463 = arith.constant 0 : i32
      %dma_start3A_464 = arith.constant 0 : i32
      %dma_start3A_465 = tpu.memref_slice %arg8[%dma_start3A_462, %dma_start3A_463, %dma_start3A_464] : memref<2x128x128xf32, #tpu.memory_space<vmem>> -> memref<1x128x128xf32, #tpu.memory_space<vmem>>
      %dma_start3A_466 = tpu.memref_squeeze %dma_start3A_465 : memref<1x128x128xf32, #tpu.memory_space<vmem>> -> memref<128x128xf32, #tpu.memory_space<vmem>>
      %dma_start3A_467 = arith.constant 0 : i32
      %dma_start3A_468 = tpu.memref_slice %arg6[%add3A_461, %dma_start3A_467] : memref<40x128xi32, #tpu.memory_space<vmem>> -> memref<1x128xi32, #tpu.memory_space<vmem>>
      %dma_start3A_469 = tpu.memref_squeeze %dma_start3A_468 : memref<1x128xi32, #tpu.memory_space<vmem>> -> memref<128xi32, #tpu.memory_space<vmem>>
      %dma_start3A_470 = arith.constant 0 : i32
      %dma_start3A_471 = arith.constant 0 : i32
      %dma_start3A_472 = tpu.memref_slice %arg4[%dma_start3A_470, %dma_start3A_471] : memref<10112x128xf32, #tpu.memory_space<hbm>> -> memref<10112x128xf32, #tpu.memory_space<hbm>>
      tpu.enqueue_indirect_dma source(%dma_start3A_472 : memref<10112x128xf32, #tpu.memory_space<hbm>>) target(%dma_start3A_466 : memref<128x128xf32, #tpu.memory_space<vmem>>) offsets(%dma_start3A_469 : memref<128xi32, #tpu.memory_space<vmem>>) semaphore(%arg12 : memref<!tpu.dma_semaphore, #tpu.memory_space<semaphore_mem>>)
      %dma_wait3A_473 = arith.constant 0 : i32
      %dma_wait3A_474 = arith.constant 0 : i32
      %dma_wait3A_475 = arith.constant 0 : i32
      %dma_wait3A_476 = tpu.memref_slice %arg8[%dma_wait3A_473, %dma_wait3A_474, %dma_wait3A_475] : memref<2x128x128xf32, #tpu.memory_space<vmem>> -> memref<1x128x128xf32, #tpu.memory_space<vmem>>
      %dma_wait3A_477 = tpu.memref_squeeze %dma_wait3A_476 : memref<1x128x128xf32, #tpu.memory_space<vmem>> -> memref<128x128xf32, #tpu.memory_space<vmem>>
      %dma_wait3A_478 = arith.constant 0 : i32
      %dma_wait3A_479 = tpu.memref_slice %arg6[%mul3A_459, %dma_wait3A_478] : memref<40x128xi32, #tpu.memory_space<vmem>> -> memref<1x128xi32, #tpu.memory_space<vmem>>
      %dma_wait3A_480 = tpu.memref_squeeze %dma_wait3A_479 : memref<1x128xi32, #tpu.memory_space<vmem>> -> memref<128xi32, #tpu.memory_space<vmem>>
      %dma_wait3A_481 = arith.constant 0 : i32
      %dma_wait3A_482 = arith.constant 0 : i32
      %dma_wait3A_483 = tpu.memref_slice %arg4[%dma_wait3A_481, %dma_wait3A_482] : memref<10112x128xf32, #tpu.memory_space<hbm>> -> memref<10112x128xf32, #tpu.memory_space<hbm>>
      tpu.wait_indirect_dma semaphore(%arg11 : memref<!tpu.dma_semaphore, #tpu.memory_space<semaphore_mem>>) src(%dma_wait3A_483 : memref<10112x128xf32, #tpu.memory_space<hbm>>) dst(%dma_wait3A_477 : memref<128x128xf32, #tpu.memory_space<vmem>>)
      %run_scoped3A = arith.constant 0 : i32
      "tpu.region"() ({
        %run_scoped3A_515 = tpu.sem_alloc : memref<!tpu.dma_semaphore, #tpu.memory_space<semaphore_mem>>
        %dma_start3A_516 = arith.constant 0 : i32
        %dma_start3A_517 = arith.constant 0 : i32
        %dma_start3A_518 = tpu.memref_slice %arg8[%run_scoped3A, %dma_start3A_516, %dma_start3A_517] : memref<2x128x128xf32, #tpu.memory_space<vmem>> -> memref<1x128x128xf32, #tpu.memory_space<vmem>>
        %dma_start3A_519 = tpu.memref_squeeze %dma_start3A_518 : memref<1x128x128xf32, #tpu.memory_space<vmem>> -> memref<128x128xf32, #tpu.memory_space<vmem>>
        %dma_start3A_520 = arith.constant 0 : i32
        %dma_start3A_521 = tpu.memref_slice %arg7[%mul3A_459, %dma_start3A_520] : memref<40x128xi32, #tpu.memory_space<vmem>> -> memref<1x128xi32, #tpu.memory_space<vmem>>
        %dma_start3A_522 = tpu.memref_squeeze %dma_start3A_521 : memref<1x128xi32, #tpu.memory_space<vmem>> -> memref<128xi32, #tpu.memory_space<vmem>>
        %dma_start3A_523 = arith.constant 0 : i32
        %dma_start3A_524 = arith.constant 0 : i32
        %dma_start3A_525 = tpu.memref_slice %arg10[%dma_start3A_523, %dma_start3A_524] : memref<10112x128xf32, #tpu.memory_space<vmem_shared>> -> memref<10112x128xf32, #tpu.memory_space<vmem_shared>>
        tpu.enqueue_indirect_dma source(%dma_start3A_519 : memref<128x128xf32, #tpu.memory_space<vmem>>) target(%dma_start3A_525 : memref<10112x128xf32, #tpu.memory_space<vmem_shared>>) offsets(%dma_start3A_522 : memref<128xi32, #tpu.memory_space<vmem>>) semaphore(%run_scoped3A_515 : memref<!tpu.dma_semaphore, #tpu.memory_space<semaphore_mem>>) {add = true}
        %dma_wait3A_526 = arith.constant 0 : i32
        %dma_wait3A_527 = arith.constant 0 : i32
        %dma_wait3A_528 = tpu.memref_slice %arg8[%run_scoped3A, %dma_wait3A_526, %dma_wait3A_527] : memref<2x128x128xf32, #tpu.memory_space<vmem>> -> memref<1x128x128xf32, #tpu.memory_space<vmem>>
        %dma_wait3A_529 = tpu.memref_squeeze %dma_wait3A_528 : memref<1x128x128xf32, #tpu.memory_space<vmem>> -> memref<128x128xf32, #tpu.memory_space<vmem>>
        %dma_wait3A_530 = arith.constant 0 : i32
        %dma_wait3A_531 = tpu.memref_slice %arg7[%mul3A_459, %dma_wait3A_530] : memref<40x128xi32, #tpu.memory_space<vmem>> -> memref<1x128xi32, #tpu.memory_space<vmem>>
        %dma_wait3A_532 = tpu.memref_squeeze %dma_wait3A_531 : memref<1x128xi32, #tpu.memory_space<vmem>> -> memref<128xi32, #tpu.memory_space<vmem>>
        %dma_wait3A_533 = arith.constant 0 : i32
        %dma_wait3A_534 = arith.constant 0 : i32
        %dma_wait3A_535 = tpu.memref_slice %arg10[%dma_wait3A_533, %dma_wait3A_534] : memref<10112x128xf32, #tpu.memory_space<vmem_shared>> -> memref<10112x128xf32, #tpu.memory_space<vmem_shared>>
        tpu.wait_indirect_dma semaphore(%run_scoped3A_515 : memref<!tpu.dma_semaphore, #tpu.memory_space<semaphore_mem>>) src(%dma_wait3A_529 : memref<128x128xf32, #tpu.memory_space<vmem>>) dst(%dma_wait3A_535 : memref<10112x128xf32, #tpu.memory_space<vmem_shared>>)
        tpu.yield
      }) : () -> ()
      %add3A_484 = arith.constant 2 : i32
      %add3A_485 = arith.addi %mul3A_459, %add3A_484 : i32
      %min3A = arith.constant 39 : i32
      %min3A_486 = arith.minsi %add3A_485, %min3A : i32
      %dma_start3A_487 = arith.constant 0 : i32
      %dma_start3A_488 = arith.constant 0 : i32
      %dma_start3A_489 = arith.constant 0 : i32
      %dma_start3A_490 = tpu.memref_slice %arg8[%dma_start3A_487, %dma_start3A_488, %dma_start3A_489] : memref<2x128x128xf32, #tpu.memory_space<vmem>> -> memref<1x128x128xf32, #tpu.memory_space<vmem>>
      %dma_start3A_491 = tpu.memref_squeeze %dma_start3A_490 : memref<1x128x128xf32, #tpu.memory_space<vmem>> -> memref<128x128xf32, #tpu.memory_space<vmem>>
      %dma_start3A_492 = arith.constant 0 : i32
      %dma_start3A_493 = tpu.memref_slice %arg6[%min3A_486, %dma_start3A_492] : memref<40x128xi32, #tpu.memory_space<vmem>> -> memref<1x128xi32, #tpu.memory_space<vmem>>
      %dma_start3A_494 = tpu.memref_squeeze %dma_start3A_493 : memref<1x128xi32, #tpu.memory_space<vmem>> -> memref<128xi32, #tpu.memory_space<vmem>>
      %dma_start3A_495 = arith.constant 0 : i32
      %dma_start3A_496 = arith.constant 0 : i32
      %dma_start3A_497 = tpu.memref_slice %arg4[%dma_start3A_495, %dma_start3A_496] : memref<10112x128xf32, #tpu.memory_space<hbm>> -> memref<10112x128xf32, #tpu.memory_space<hbm>>
      tpu.enqueue_indirect_dma source(%dma_start3A_497 : memref<10112x128xf32, #tpu.memory_space<hbm>>) target(%dma_start3A_491 : memref<128x128xf32, #tpu.memory_space<vmem>>) offsets(%dma_start3A_494 : memref<128xi32, #tpu.memory_space<vmem>>) semaphore(%arg11 : memref<!tpu.dma_semaphore, #tpu.memory_space<semaphore_mem>>)
      %add3A_498 = arith.constant 1 : i32
      %add3A_499 = arith.addi %mul3A_459, %add3A_498 : i32
      %dma_wait3A_500 = arith.constant 1 : i32
      %dma_wait3A_501 = arith.constant 0 : i32
      %dma_wait3A_502 = arith.constant 0 : i32
      %dma_wait3A_503 = tpu.memref_slice %arg8[%dma_wait3A_500, %dma_wait3A_501, %dma_wait3A_502] : memref<2x128x128xf32, #tpu.memory_space<vmem>> -> memref<1x128x128xf32, #tpu.memory_space<vmem>>
      %dma_wait3A_504 = tpu.memref_squeeze %dma_wait3A_503 : memref<1x128x128xf32, #tpu.memory_space<vmem>> -> memref<128x128xf32, #tpu.memory_space<vmem>>
      %dma_wait3A_505 = arith.constant 0 : i32
      %dma_wait3A_506 = tpu.memref_slice %arg6[%add3A_499, %dma_wait3A_505] : memref<40x128xi32, #tpu.memory_space<vmem>> -> memref<1x128xi32, #tpu.memory_space<vmem>>
      %dma_wait3A_507 = tpu.memref_squeeze %dma_wait3A_506 : memref<1x128xi32, #tpu.memory_space<vmem>> -> memref<128xi32, #tpu.memory_space<vmem>>
      %dma_wait3A_508 = arith.constant 0 : i32
      %dma_wait3A_509 = arith.constant 0 : i32
      %dma_wait3A_510 = tpu.memref_slice %arg4[%dma_wait3A_508, %dma_wait3A_509] : memref<10112x128xf32, #tpu.memory_space<hbm>> -> memref<10112x128xf32, #tpu.memory_space<hbm>>
      tpu.wait_indirect_dma semaphore(%arg12 : memref<!tpu.dma_semaphore, #tpu.memory_space<semaphore_mem>>) src(%dma_wait3A_510 : memref<10112x128xf32, #tpu.memory_space<hbm>>) dst(%dma_wait3A_504 : memref<128x128xf32, #tpu.memory_space<vmem>>)
      %add3A_511 = arith.constant 1 : i32
      %add3A_512 = arith.addi %mul3A_459, %add3A_511 : i32
      %run_scoped3A_513 = arith.constant 1 : i32
      "tpu.region"() ({
        %run_scoped3A_515 = tpu.sem_alloc : memref<!tpu.dma_semaphore, #tpu.memory_space<semaphore_mem>>
        %dma_start3A_516 = arith.constant 0 : i32
        %dma_start3A_517 = arith.constant 0 : i32
        %dma_start3A_518 = tpu.memref_slice %arg8[%run_scoped3A_513, %dma_start3A_516, %dma_start3A_517] : memref<2x128x128xf32, #tpu.memory_space<vmem>> -> memref<1x128x128xf32, #tpu.memory_space<vmem>>
        %dma_start3A_519 = tpu.memref_squeeze %dma_start3A_518 : memref<1x128x128xf32, #tpu.memory_space<vmem>> -> memref<128x128xf32, #tpu.memory_space<vmem>>
        %dma_start3A_520 = arith.constant 0 : i32
        %dma_start3A_521 = tpu.memref_slice %arg7[%add3A_512, %dma_start3A_520] : memref<40x128xi32, #tpu.memory_space<vmem>> -> memref<1x128xi32, #tpu.memory_space<vmem>>
        %dma_start3A_522 = tpu.memref_squeeze %dma_start3A_521 : memref<1x128xi32, #tpu.memory_space<vmem>> -> memref<128xi32, #tpu.memory_space<vmem>>
        %dma_start3A_523 = arith.constant 0 : i32
        %dma_start3A_524 = arith.constant 0 : i32
        %dma_start3A_525 = tpu.memref_slice %arg10[%dma_start3A_523, %dma_start3A_524] : memref<10112x128xf32, #tpu.memory_space<vmem_shared>> -> memref<10112x128xf32, #tpu.memory_space<vmem_shared>>
        tpu.enqueue_indirect_dma source(%dma_start3A_519 : memref<128x128xf32, #tpu.memory_space<vmem>>) target(%dma_start3A_525 : memref<10112x128xf32, #tpu.memory_space<vmem_shared>>) offsets(%dma_start3A_522 : memref<128xi32, #tpu.memory_space<vmem>>) semaphore(%run_scoped3A_515 : memref<!tpu.dma_semaphore, #tpu.memory_space<semaphore_mem>>) {add = true}
        %dma_wait3A_526 = arith.constant 0 : i32
        %dma_wait3A_527 = arith.constant 0 : i32
        %dma_wait3A_528 = tpu.memref_slice %arg8[%run_scoped3A_513, %dma_wait3A_526, %dma_wait3A_527] : memref<2x128x128xf32, #tpu.memory_space<vmem>> -> memref<1x128x128xf32, #tpu.memory_space<vmem>>
        %dma_wait3A_529 = tpu.memref_squeeze %dma_wait3A_528 : memref<1x128x128xf32, #tpu.memory_space<vmem>> -> memref<128x128xf32, #tpu.memory_space<vmem>>
        %dma_wait3A_530 = arith.constant 0 : i32
        %dma_wait3A_531 = tpu.memref_slice %arg7[%add3A_512, %dma_wait3A_530] : memref<40x128xi32, #tpu.memory_space<vmem>> -> memref<1x128xi32, #tpu.memory_space<vmem>>
        %dma_wait3A_532 = tpu.memref_squeeze %dma_wait3A_531 : memref<1x128xi32, #tpu.memory_space<vmem>> -> memref<128xi32, #tpu.memory_space<vmem>>
        %dma_wait3A_533 = arith.constant 0 : i32
        %dma_wait3A_534 = arith.constant 0 : i32
        %dma_wait3A_535 = tpu.memref_slice %arg10[%dma_wait3A_533, %dma_wait3A_534] : memref<10112x128xf32, #tpu.memory_space<vmem_shared>> -> memref<10112x128xf32, #tpu.memory_space<vmem_shared>>
        tpu.wait_indirect_dma semaphore(%run_scoped3A_515 : memref<!tpu.dma_semaphore, #tpu.memory_space<semaphore_mem>>) src(%dma_wait3A_529 : memref<128x128xf32, #tpu.memory_space<vmem>>) dst(%dma_wait3A_535 : memref<10112x128xf32, #tpu.memory_space<vmem_shared>>)
        tpu.yield
      }) : () -> ()
      %scan3A_514 = arith.constant 0 : i32
      scf.yield %scan3A_514 : i32
    }
    %scan3A_408 = arith.constant 20 : i32
    %dma_wait3A = arith.constant 39 : i32
    %dma_wait3A_409 = arith.constant 0 : i32
    %dma_wait3A_410 = arith.constant 0 : i32
    %dma_wait3A_411 = arith.constant 0 : i32
    %dma_wait3A_412 = tpu.memref_slice %arg8[%dma_wait3A_409, %dma_wait3A_410, %dma_wait3A_411] : memref<2x128x128xf32, #tpu.memory_space<vmem>> -> memref<1x128x128xf32, #tpu.memory_space<vmem>>
    %dma_wait3A_413 = tpu.memref_squeeze %dma_wait3A_412 : memref<1x128x128xf32, #tpu.memory_space<vmem>> -> memref<128x128xf32, #tpu.memory_space<vmem>>
    %dma_wait3A_414 = arith.constant 0 : i32
    %dma_wait3A_415 = tpu.memref_slice %arg6[%dma_wait3A, %dma_wait3A_414] : memref<40x128xi32, #tpu.memory_space<vmem>> -> memref<1x128xi32, #tpu.memory_space<vmem>>
    %dma_wait3A_416 = tpu.memref_squeeze %dma_wait3A_415 : memref<1x128xi32, #tpu.memory_space<vmem>> -> memref<128xi32, #tpu.memory_space<vmem>>
    %dma_wait3A_417 = arith.constant 0 : i32
    %dma_wait3A_418 = arith.constant 0 : i32
    %dma_wait3A_419 = tpu.memref_slice %arg4[%dma_wait3A_417, %dma_wait3A_418] : memref<10112x128xf32, #tpu.memory_space<hbm>> -> memref<10112x128xf32, #tpu.memory_space<hbm>>
    tpu.wait_indirect_dma semaphore(%arg11 : memref<!tpu.dma_semaphore, #tpu.memory_space<semaphore_mem>>) src(%dma_wait3A_419 : memref<10112x128xf32, #tpu.memory_space<hbm>>) dst(%dma_wait3A_413 : memref<128x128xf32, #tpu.memory_space<vmem>>)
    "tpu.region"() ({
      %run_scoped3A = tpu.sem_alloc : memref<!tpu.dma_semaphore, #tpu.memory_space<semaphore_mem>>
      %dma_start3A_456 = arith.constant 0 : i32
      %dma_start3A_457 = arith.constant 0 : i32
      %dma_start3A_458 = tpu.memref_slice %arg2[%add3A, %dma_start3A_456, %dma_start3A_457] : memref<32x80x128xi32, #tpu.memory_space<hbm>> -> memref<1x80x128xi32, #tpu.memory_space<hbm>>
      %dma_start3A_459 = tpu.memref_squeeze %dma_start3A_458 : memref<1x80x128xi32, #tpu.memory_space<hbm>> -> memref<80x128xi32, #tpu.memory_space<hbm>>
      %dma_start3A_460 = arith.constant 40 : i32
      %dma_start3A_461 = arith.constant 0 : i32
      %dma_start3A_462 = tpu.memref_slice %dma_start3A_459[%dma_start3A_460, %dma_start3A_461] : memref<80x128xi32, #tpu.memory_space<hbm>> -> memref<40x128xi32, #tpu.memory_space<hbm>>
      %dma_start3A_463 = arith.constant 0 : i32
      %dma_start3A_464 = arith.constant 0 : i32
      %dma_start3A_465 = tpu.memref_slice %arg2[%add3A, %dma_start3A_463, %dma_start3A_464] : memref<32x80x128xi32, #tpu.memory_space<hbm>> -> memref<1x80x128xi32, #tpu.memory_space<hbm>>
      %dma_start3A_466 = tpu.memref_squeeze %dma_start3A_465 : memref<1x80x128xi32, #tpu.memory_space<hbm>> -> memref<80x128xi32, #tpu.memory_space<hbm>>
      %dma_start3A_467 = arith.constant 40 : i32
      %dma_start3A_468 = arith.constant 0 : i32
      %dma_start3A_469 = tpu.memref_slice %dma_start3A_466[%dma_start3A_467, %dma_start3A_468] : memref<80x128xi32, #tpu.memory_space<hbm>> -> memref<40x128xi32, #tpu.memory_space<hbm>>
      tpu.enqueue_dma source(%dma_start3A_469 : memref<40x128xi32, #tpu.memory_space<hbm>>) target(%arg6 : memref<40x128xi32, #tpu.memory_space<vmem>>) target_semaphore(%run_scoped3A : memref<!tpu.dma_semaphore, #tpu.memory_space<semaphore_mem>>)
      %dma_wait3A_470 = arith.constant 0 : i32
      %dma_wait3A_471 = arith.constant 0 : i32
      %dma_wait3A_472 = tpu.memref_slice %arg2[%add3A, %dma_wait3A_470, %dma_wait3A_471] : memref<32x80x128xi32, #tpu.memory_space<hbm>> -> memref<1x80x128xi32, #tpu.memory_space<hbm>>
      %dma_wait3A_473 = tpu.memref_squeeze %dma_wait3A_472 : memref<1x80x128xi32, #tpu.memory_space<hbm>> -> memref<80x128xi32, #tpu.memory_space<hbm>>
      %dma_wait3A_474 = arith.constant 40 : i32
      %dma_wait3A_475 = arith.constant 0 : i32
      %dma_wait3A_476 = tpu.memref_slice %dma_wait3A_473[%dma_wait3A_474, %dma_wait3A_475] : memref<80x128xi32, #tpu.memory_space<hbm>> -> memref<40x128xi32, #tpu.memory_space<hbm>>
      %dma_wait3A_477 = arith.constant 0 : i32
      %dma_wait3A_478 = arith.constant 0 : i32
      %dma_wait3A_479 = tpu.memref_slice %arg2[%add3A, %dma_wait3A_477, %dma_wait3A_478] : memref<32x80x128xi32, #tpu.memory_space<hbm>> -> memref<1x80x128xi32, #tpu.memory_space<hbm>>
      %dma_wait3A_480 = tpu.memref_squeeze %dma_wait3A_479 : memref<1x80x128xi32, #tpu.memory_space<hbm>> -> memref<80x128xi32, #tpu.memory_space<hbm>>
      %dma_wait3A_481 = arith.constant 40 : i32
      %dma_wait3A_482 = arith.constant 0 : i32
      %dma_wait3A_483 = tpu.memref_slice %dma_wait3A_480[%dma_wait3A_481, %dma_wait3A_482] : memref<80x128xi32, #tpu.memory_space<hbm>> -> memref<40x128xi32, #tpu.memory_space<hbm>>
      tpu.wait_dma2 semaphore(%run_scoped3A : memref<!tpu.dma_semaphore, #tpu.memory_space<semaphore_mem>>) src(%dma_wait3A_483 : memref<40x128xi32, #tpu.memory_space<hbm>>) dst(%arg6 : memref<40x128xi32, #tpu.memory_space<vmem>>)
      tpu.yield
    }) : () -> ()
    "tpu.region"() ({
      %run_scoped3A = tpu.sem_alloc : memref<!tpu.dma_semaphore, #tpu.memory_space<semaphore_mem>>
      %dma_start3A_456 = arith.constant 0 : i32
      %dma_start3A_457 = arith.constant 0 : i32
      %dma_start3A_458 = tpu.memref_slice %arg3[%add3A, %dma_start3A_456, %dma_start3A_457] : memref<32x80x128xi32, #tpu.memory_space<hbm>> -> memref<1x80x128xi32, #tpu.memory_space<hbm>>
      %dma_start3A_459 = tpu.memref_squeeze %dma_start3A_458 : memref<1x80x128xi32, #tpu.memory_space<hbm>> -> memref<80x128xi32, #tpu.memory_space<hbm>>
      %dma_start3A_460 = arith.constant 40 : i32
      %dma_start3A_461 = arith.constant 0 : i32
      %dma_start3A_462 = tpu.memref_slice %dma_start3A_459[%dma_start3A_460, %dma_start3A_461] : memref<80x128xi32, #tpu.memory_space<hbm>> -> memref<40x128xi32, #tpu.memory_space<hbm>>
      %dma_start3A_463 = arith.constant 0 : i32
      %dma_start3A_464 = arith.constant 0 : i32
      %dma_start3A_465 = tpu.memref_slice %arg3[%add3A, %dma_start3A_463, %dma_start3A_464] : memref<32x80x128xi32, #tpu.memory_space<hbm>> -> memref<1x80x128xi32, #tpu.memory_space<hbm>>
      %dma_start3A_466 = tpu.memref_squeeze %dma_start3A_465 : memref<1x80x128xi32, #tpu.memory_space<hbm>> -> memref<80x128xi32, #tpu.memory_space<hbm>>
      %dma_start3A_467 = arith.constant 40 : i32
      %dma_start3A_468 = arith.constant 0 : i32
      %dma_start3A_469 = tpu.memref_slice %dma_start3A_466[%dma_start3A_467, %dma_start3A_468] : memref<80x128xi32, #tpu.memory_space<hbm>> -> memref<40x128xi32, #tpu.memory_space<hbm>>
      tpu.enqueue_dma source(%dma_start3A_469 : memref<40x128xi32, #tpu.memory_space<hbm>>) target(%arg7 : memref<40x128xi32, #tpu.memory_space<vmem>>) target_semaphore(%run_scoped3A : memref<!tpu.dma_semaphore, #tpu.memory_space<semaphore_mem>>)
      %dma_wait3A_470 = arith.constant 0 : i32
      %dma_wait3A_471 = arith.constant 0 : i32
      %dma_wait3A_472 = tpu.memref_slice %arg3[%add3A, %dma_wait3A_470, %dma_wait3A_471] : memref<32x80x128xi32, #tpu.memory_space<hbm>> -> memref<1x80x128xi32, #tpu.memory_space<hbm>>
      %dma_wait3A_473 = tpu.memref_squeeze %dma_wait3A_472 : memref<1x80x128xi32, #tpu.memory_space<hbm>> -> memref<80x128xi32, #tpu.memory_space<hbm>>
      %dma_wait3A_474 = arith.constant 40 : i32
      %dma_wait3A_475 = arith.constant 0 : i32
      %dma_wait3A_476 = tpu.memref_slice %dma_wait3A_473[%dma_wait3A_474, %dma_wait3A_475] : memref<80x128xi32, #tpu.memory_space<hbm>> -> memref<40x128xi32, #tpu.memory_space<hbm>>
      %dma_wait3A_477 = arith.constant 0 : i32
      %dma_wait3A_478 = arith.constant 0 : i32
      %dma_wait3A_479 = tpu.memref_slice %arg3[%add3A, %dma_wait3A_477, %dma_wait3A_478] : memref<32x80x128xi32, #tpu.memory_space<hbm>> -> memref<1x80x128xi32, #tpu.memory_space<hbm>>
      %dma_wait3A_480 = tpu.memref_squeeze %dma_wait3A_479 : memref<1x80x128xi32, #tpu.memory_space<hbm>> -> memref<80x128xi32, #tpu.memory_space<hbm>>
      %dma_wait3A_481 = arith.constant 40 : i32
      %dma_wait3A_482 = arith.constant 0 : i32
      %dma_wait3A_483 = tpu.memref_slice %dma_wait3A_480[%dma_wait3A_481, %dma_wait3A_482] : memref<80x128xi32, #tpu.memory_space<hbm>> -> memref<40x128xi32, #tpu.memory_space<hbm>>
      tpu.wait_dma2 semaphore(%run_scoped3A : memref<!tpu.dma_semaphore, #tpu.memory_space<semaphore_mem>>) src(%dma_wait3A_483 : memref<40x128xi32, #tpu.memory_space<hbm>>) dst(%arg7 : memref<40x128xi32, #tpu.memory_space<vmem>>)
      tpu.yield
    }) : () -> ()
    %dma_start3A_420 = arith.constant 0 : i32
    %dma_start3A_421 = arith.constant 0 : i32
    %dma_start3A_422 = arith.constant 0 : i32
    %dma_start3A_423 = arith.constant 0 : i32
    %dma_start3A_424 = tpu.memref_slice %arg8[%dma_start3A_421, %dma_start3A_422, %dma_start3A_423] : memref<2x128x128xf32, #tpu.memory_space<vmem>> -> memref<1x128x128xf32, #tpu.memory_space<vmem>>
    %dma_start3A_425 = tpu.memref_squeeze %dma_start3A_424 : memref<1x128x128xf32, #tpu.memory_space<vmem>> -> memref<128x128xf32, #tpu.memory_space<vmem>>
    %dma_start3A_426 = arith.constant 0 : i32
    %dma_start3A_427 = tpu.memref_slice %arg6[%dma_start3A_420, %dma_start3A_426] : memref<40x128xi32, #tpu.memory_space<vmem>> -> memref<1x128xi32, #tpu.memory_space<vmem>>
    %dma_start3A_428 = tpu.memref_squeeze %dma_start3A_427 : memref<1x128xi32, #tpu.memory_space<vmem>> -> memref<128xi32, #tpu.memory_space<vmem>>
    %dma_start3A_429 = arith.constant 0 : i32
    %dma_start3A_430 = arith.constant 0 : i32
    %dma_start3A_431 = tpu.memref_slice %arg4[%dma_start3A_429, %dma_start3A_430] : memref<10112x128xf32, #tpu.memory_space<hbm>> -> memref<10112x128xf32, #tpu.memory_space<hbm>>
    tpu.enqueue_indirect_dma source(%dma_start3A_431 : memref<10112x128xf32, #tpu.memory_space<hbm>>) target(%dma_start3A_425 : memref<128x128xf32, #tpu.memory_space<vmem>>) offsets(%dma_start3A_428 : memref<128xi32, #tpu.memory_space<vmem>>) semaphore(%arg11 : memref<!tpu.dma_semaphore, #tpu.memory_space<semaphore_mem>>)
    %scan3A_432 = arith.constant 0 : i32
    %scan3A_433 = arith.constant 0 : i32
    %scan3A_434 = arith.constant 20 : i32
    %scan3A_435 = arith.addi %scan3A_433, %scan3A_434 : i32
    %scan3A_436 = arith.constant 1 : i32
    %scan3A_437 = scf.for %scan3A_456 = %scan3A_433 to %scan3A_435 step %scan3A_436 iter_args(%scan3A_457 = %scan3A_432) -> (i32)  : i32 {
      %mul3A_458 = arith.constant 2 : i32
      %mul3A_459 = arith.muli %mul3A_458, %scan3A_456 : i32
      %add3A_460 = arith.constant 1 : i32
      %add3A_461 = arith.addi %mul3A_459, %add3A_460 : i32
      %dma_start3A_462 = arith.constant 1 : i32
      %dma_start3A_463 = arith.constant 0 : i32
      %dma_start3A_464 = arith.constant 0 : i32
      %dma_start3A_465 = tpu.memref_slice %arg8[%dma_start3A_462, %dma_start3A_463, %dma_start3A_464] : memref<2x128x128xf32, #tpu.memory_space<vmem>> -> memref<1x128x128xf32, #tpu.memory_space<vmem>>
      %dma_start3A_466 = tpu.memref_squeeze %dma_start3A_465 : memref<1x128x128xf32, #tpu.memory_space<vmem>> -> memref<128x128xf32, #tpu.memory_space<vmem>>
      %dma_start3A_467 = arith.constant 0 : i32
      %dma_start3A_468 = tpu.memref_slice %arg6[%add3A_461, %dma_start3A_467] : memref<40x128xi32, #tpu.memory_space<vmem>> -> memref<1x128xi32, #tpu.memory_space<vmem>>
      %dma_start3A_469 = tpu.memref_squeeze %dma_start3A_468 : memref<1x128xi32, #tpu.memory_space<vmem>> -> memref<128xi32, #tpu.memory_space<vmem>>
      %dma_start3A_470 = arith.constant 0 : i32
      %dma_start3A_471 = arith.constant 0 : i32
      %dma_start3A_472 = tpu.memref_slice %arg4[%dma_start3A_470, %dma_start3A_471] : memref<10112x128xf32, #tpu.memory_space<hbm>> -> memref<10112x128xf32, #tpu.memory_space<hbm>>
      tpu.enqueue_indirect_dma source(%dma_start3A_472 : memref<10112x128xf32, #tpu.memory_space<hbm>>) target(%dma_start3A_466 : memref<128x128xf32, #tpu.memory_space<vmem>>) offsets(%dma_start3A_469 : memref<128xi32, #tpu.memory_space<vmem>>) semaphore(%arg12 : memref<!tpu.dma_semaphore, #tpu.memory_space<semaphore_mem>>)
      %dma_wait3A_473 = arith.constant 0 : i32
      %dma_wait3A_474 = arith.constant 0 : i32
      %dma_wait3A_475 = arith.constant 0 : i32
      %dma_wait3A_476 = tpu.memref_slice %arg8[%dma_wait3A_473, %dma_wait3A_474, %dma_wait3A_475] : memref<2x128x128xf32, #tpu.memory_space<vmem>> -> memref<1x128x128xf32, #tpu.memory_space<vmem>>
      %dma_wait3A_477 = tpu.memref_squeeze %dma_wait3A_476 : memref<1x128x128xf32, #tpu.memory_space<vmem>> -> memref<128x128xf32, #tpu.memory_space<vmem>>
      %dma_wait3A_478 = arith.constant 0 : i32
      %dma_wait3A_479 = tpu.memref_slice %arg6[%mul3A_459, %dma_wait3A_478] : memref<40x128xi32, #tpu.memory_space<vmem>> -> memref<1x128xi32, #tpu.memory_space<vmem>>
      %dma_wait3A_480 = tpu.memref_squeeze %dma_wait3A_479 : memref<1x128xi32, #tpu.memory_space<vmem>> -> memref<128xi32, #tpu.memory_space<vmem>>
      %dma_wait3A_481 = arith.constant 0 : i32
      %dma_wait3A_482 = arith.constant 0 : i32
      %dma_wait3A_483 = tpu.memref_slice %arg4[%dma_wait3A_481, %dma_wait3A_482] : memref<10112x128xf32, #tpu.memory_space<hbm>> -> memref<10112x128xf32, #tpu.memory_space<hbm>>
      tpu.wait_indirect_dma semaphore(%arg11 : memref<!tpu.dma_semaphore, #tpu.memory_space<semaphore_mem>>) src(%dma_wait3A_483 : memref<10112x128xf32, #tpu.memory_space<hbm>>) dst(%dma_wait3A_477 : memref<128x128xf32, #tpu.memory_space<vmem>>)
      %run_scoped3A = arith.constant 0 : i32
      "tpu.region"() ({
        %run_scoped3A_515 = tpu.sem_alloc : memref<!tpu.dma_semaphore, #tpu.memory_space<semaphore_mem>>
        %dma_start3A_516 = arith.constant 0 : i32
        %dma_start3A_517 = arith.constant 0 : i32
        %dma_start3A_518 = tpu.memref_slice %arg8[%run_scoped3A, %dma_start3A_516, %dma_start3A_517] : memref<2x128x128xf32, #tpu.memory_space<vmem>> -> memref<1x128x128xf32, #tpu.memory_space<vmem>>
        %dma_start3A_519 = tpu.memref_squeeze %dma_start3A_518 : memref<1x128x128xf32, #tpu.memory_space<vmem>> -> memref<128x128xf32, #tpu.memory_space<vmem>>
        %dma_start3A_520 = arith.constant 0 : i32
        %dma_start3A_521 = tpu.memref_slice %arg7[%mul3A_459, %dma_start3A_520] : memref<40x128xi32, #tpu.memory_space<vmem>> -> memref<1x128xi32, #tpu.memory_space<vmem>>
        %dma_start3A_522 = tpu.memref_squeeze %dma_start3A_521 : memref<1x128xi32, #tpu.memory_space<vmem>> -> memref<128xi32, #tpu.memory_space<vmem>>
        %dma_start3A_523 = arith.constant 0 : i32
        %dma_start3A_524 = arith.constant 0 : i32
        %dma_start3A_525 = tpu.memref_slice %arg10[%dma_start3A_523, %dma_start3A_524] : memref<10112x128xf32, #tpu.memory_space<vmem_shared>> -> memref<10112x128xf32, #tpu.memory_space<vmem_shared>>
        tpu.enqueue_indirect_dma source(%dma_start3A_519 : memref<128x128xf32, #tpu.memory_space<vmem>>) target(%dma_start3A_525 : memref<10112x128xf32, #tpu.memory_space<vmem_shared>>) offsets(%dma_start3A_522 : memref<128xi32, #tpu.memory_space<vmem>>) semaphore(%run_scoped3A_515 : memref<!tpu.dma_semaphore, #tpu.memory_space<semaphore_mem>>) {add = true}
        %dma_wait3A_526 = arith.constant 0 : i32
        %dma_wait3A_527 = arith.constant 0 : i32
        %dma_wait3A_528 = tpu.memref_slice %arg8[%run_scoped3A, %dma_wait3A_526, %dma_wait3A_527] : memref<2x128x128xf32, #tpu.memory_space<vmem>> -> memref<1x128x128xf32, #tpu.memory_space<vmem>>
        %dma_wait3A_529 = tpu.memref_squeeze %dma_wait3A_528 : memref<1x128x128xf32, #tpu.memory_space<vmem>> -> memref<128x128xf32, #tpu.memory_space<vmem>>
        %dma_wait3A_530 = arith.constant 0 : i32
        %dma_wait3A_531 = tpu.memref_slice %arg7[%mul3A_459, %dma_wait3A_530] : memref<40x128xi32, #tpu.memory_space<vmem>> -> memref<1x128xi32, #tpu.memory_space<vmem>>
        %dma_wait3A_532 = tpu.memref_squeeze %dma_wait3A_531 : memref<1x128xi32, #tpu.memory_space<vmem>> -> memref<128xi32, #tpu.memory_space<vmem>>
        %dma_wait3A_533 = arith.constant 0 : i32
        %dma_wait3A_534 = arith.constant 0 : i32
        %dma_wait3A_535 = tpu.memref_slice %arg10[%dma_wait3A_533, %dma_wait3A_534] : memref<10112x128xf32, #tpu.memory_space<vmem_shared>> -> memref<10112x128xf32, #tpu.memory_space<vmem_shared>>
        tpu.wait_indirect_dma semaphore(%run_scoped3A_515 : memref<!tpu.dma_semaphore, #tpu.memory_space<semaphore_mem>>) src(%dma_wait3A_529 : memref<128x128xf32, #tpu.memory_space<vmem>>) dst(%dma_wait3A_535 : memref<10112x128xf32, #tpu.memory_space<vmem_shared>>)
        tpu.yield
      }) : () -> ()
      %add3A_484 = arith.constant 2 : i32
      %add3A_485 = arith.addi %mul3A_459, %add3A_484 : i32
      %min3A = arith.constant 39 : i32
      %min3A_486 = arith.minsi %add3A_485, %min3A : i32
      %dma_start3A_487 = arith.constant 0 : i32
      %dma_start3A_488 = arith.constant 0 : i32
      %dma_start3A_489 = arith.constant 0 : i32
      %dma_start3A_490 = tpu.memref_slice %arg8[%dma_start3A_487, %dma_start3A_488, %dma_start3A_489] : memref<2x128x128xf32, #tpu.memory_space<vmem>> -> memref<1x128x128xf32, #tpu.memory_space<vmem>>
      %dma_start3A_491 = tpu.memref_squeeze %dma_start3A_490 : memref<1x128x128xf32, #tpu.memory_space<vmem>> -> memref<128x128xf32, #tpu.memory_space<vmem>>
      %dma_start3A_492 = arith.constant 0 : i32
      %dma_start3A_493 = tpu.memref_slice %arg6[%min3A_486, %dma_start3A_492] : memref<40x128xi32, #tpu.memory_space<vmem>> -> memref<1x128xi32, #tpu.memory_space<vmem>>
      %dma_start3A_494 = tpu.memref_squeeze %dma_start3A_493 : memref<1x128xi32, #tpu.memory_space<vmem>> -> memref<128xi32, #tpu.memory_space<vmem>>
      %dma_start3A_495 = arith.constant 0 : i32
      %dma_start3A_496 = arith.constant 0 : i32
      %dma_start3A_497 = tpu.memref_slice %arg4[%dma_start3A_495, %dma_start3A_496] : memref<10112x128xf32, #tpu.memory_space<hbm>> -> memref<10112x128xf32, #tpu.memory_space<hbm>>
      tpu.enqueue_indirect_dma source(%dma_start3A_497 : memref<10112x128xf32, #tpu.memory_space<hbm>>) target(%dma_start3A_491 : memref<128x128xf32, #tpu.memory_space<vmem>>) offsets(%dma_start3A_494 : memref<128xi32, #tpu.memory_space<vmem>>) semaphore(%arg11 : memref<!tpu.dma_semaphore, #tpu.memory_space<semaphore_mem>>)
      %add3A_498 = arith.constant 1 : i32
      %add3A_499 = arith.addi %mul3A_459, %add3A_498 : i32
      %dma_wait3A_500 = arith.constant 1 : i32
      %dma_wait3A_501 = arith.constant 0 : i32
      %dma_wait3A_502 = arith.constant 0 : i32
      %dma_wait3A_503 = tpu.memref_slice %arg8[%dma_wait3A_500, %dma_wait3A_501, %dma_wait3A_502] : memref<2x128x128xf32, #tpu.memory_space<vmem>> -> memref<1x128x128xf32, #tpu.memory_space<vmem>>
      %dma_wait3A_504 = tpu.memref_squeeze %dma_wait3A_503 : memref<1x128x128xf32, #tpu.memory_space<vmem>> -> memref<128x128xf32, #tpu.memory_space<vmem>>
      %dma_wait3A_505 = arith.constant 0 : i32
      %dma_wait3A_506 = tpu.memref_slice %arg6[%add3A_499, %dma_wait3A_505] : memref<40x128xi32, #tpu.memory_space<vmem>> -> memref<1x128xi32, #tpu.memory_space<vmem>>
      %dma_wait3A_507 = tpu.memref_squeeze %dma_wait3A_506 : memref<1x128xi32, #tpu.memory_space<vmem>> -> memref<128xi32, #tpu.memory_space<vmem>>
      %dma_wait3A_508 = arith.constant 0 : i32
      %dma_wait3A_509 = arith.constant 0 : i32
      %dma_wait3A_510 = tpu.memref_slice %arg4[%dma_wait3A_508, %dma_wait3A_509] : memref<10112x128xf32, #tpu.memory_space<hbm>> -> memref<10112x128xf32, #tpu.memory_space<hbm>>
      tpu.wait_indirect_dma semaphore(%arg12 : memref<!tpu.dma_semaphore, #tpu.memory_space<semaphore_mem>>) src(%dma_wait3A_510 : memref<10112x128xf32, #tpu.memory_space<hbm>>) dst(%dma_wait3A_504 : memref<128x128xf32, #tpu.memory_space<vmem>>)
      %add3A_511 = arith.constant 1 : i32
      %add3A_512 = arith.addi %mul3A_459, %add3A_511 : i32
      %run_scoped3A_513 = arith.constant 1 : i32
      "tpu.region"() ({
        %run_scoped3A_515 = tpu.sem_alloc : memref<!tpu.dma_semaphore, #tpu.memory_space<semaphore_mem>>
        %dma_start3A_516 = arith.constant 0 : i32
        %dma_start3A_517 = arith.constant 0 : i32
        %dma_start3A_518 = tpu.memref_slice %arg8[%run_scoped3A_513, %dma_start3A_516, %dma_start3A_517] : memref<2x128x128xf32, #tpu.memory_space<vmem>> -> memref<1x128x128xf32, #tpu.memory_space<vmem>>
        %dma_start3A_519 = tpu.memref_squeeze %dma_start3A_518 : memref<1x128x128xf32, #tpu.memory_space<vmem>> -> memref<128x128xf32, #tpu.memory_space<vmem>>
        %dma_start3A_520 = arith.constant 0 : i32
        %dma_start3A_521 = tpu.memref_slice %arg7[%add3A_512, %dma_start3A_520] : memref<40x128xi32, #tpu.memory_space<vmem>> -> memref<1x128xi32, #tpu.memory_space<vmem>>
        %dma_start3A_522 = tpu.memref_squeeze %dma_start3A_521 : memref<1x128xi32, #tpu.memory_space<vmem>> -> memref<128xi32, #tpu.memory_space<vmem>>
        %dma_start3A_523 = arith.constant 0 : i32
        %dma_start3A_524 = arith.constant 0 : i32
        %dma_start3A_525 = tpu.memref_slice %arg10[%dma_start3A_523, %dma_start3A_524] : memref<10112x128xf32, #tpu.memory_space<vmem_shared>> -> memref<10112x128xf32, #tpu.memory_space<vmem_shared>>
        tpu.enqueue_indirect_dma source(%dma_start3A_519 : memref<128x128xf32, #tpu.memory_space<vmem>>) target(%dma_start3A_525 : memref<10112x128xf32, #tpu.memory_space<vmem_shared>>) offsets(%dma_start3A_522 : memref<128xi32, #tpu.memory_space<vmem>>) semaphore(%run_scoped3A_515 : memref<!tpu.dma_semaphore, #tpu.memory_space<semaphore_mem>>) {add = true}
        %dma_wait3A_526 = arith.constant 0 : i32
        %dma_wait3A_527 = arith.constant 0 : i32
        %dma_wait3A_528 = tpu.memref_slice %arg8[%run_scoped3A_513, %dma_wait3A_526, %dma_wait3A_527] : memref<2x128x128xf32, #tpu.memory_space<vmem>> -> memref<1x128x128xf32, #tpu.memory_space<vmem>>
        %dma_wait3A_529 = tpu.memref_squeeze %dma_wait3A_528 : memref<1x128x128xf32, #tpu.memory_space<vmem>> -> memref<128x128xf32, #tpu.memory_space<vmem>>
        %dma_wait3A_530 = arith.constant 0 : i32
        %dma_wait3A_531 = tpu.memref_slice %arg7[%add3A_512, %dma_wait3A_530] : memref<40x128xi32, #tpu.memory_space<vmem>> -> memref<1x128xi32, #tpu.memory_space<vmem>>
        %dma_wait3A_532 = tpu.memref_squeeze %dma_wait3A_531 : memref<1x128xi32, #tpu.memory_space<vmem>> -> memref<128xi32, #tpu.memory_space<vmem>>
        %dma_wait3A_533 = arith.constant 0 : i32
        %dma_wait3A_534 = arith.constant 0 : i32
        %dma_wait3A_535 = tpu.memref_slice %arg10[%dma_wait3A_533, %dma_wait3A_534] : memref<10112x128xf32, #tpu.memory_space<vmem_shared>> -> memref<10112x128xf32, #tpu.memory_space<vmem_shared>>
        tpu.wait_indirect_dma semaphore(%run_scoped3A_515 : memref<!tpu.dma_semaphore, #tpu.memory_space<semaphore_mem>>) src(%dma_wait3A_529 : memref<128x128xf32, #tpu.memory_space<vmem>>) dst(%dma_wait3A_535 : memref<10112x128xf32, #tpu.memory_space<vmem_shared>>)
        tpu.yield
      }) : () -> ()
      %scan3A_514 = arith.constant 0 : i32
      scf.yield %scan3A_514 : i32
    }
    %scan3A_438 = arith.constant 20 : i32
    %dma_wait3A_439 = arith.constant 39 : i32
    %dma_wait3A_440 = arith.constant 0 : i32
    %dma_wait3A_441 = arith.constant 0 : i32
    %dma_wait3A_442 = arith.constant 0 : i32
    %dma_wait3A_443 = tpu.memref_slice %arg8[%dma_wait3A_440, %dma_wait3A_441, %dma_wait3A_442] : memref<2x128x128xf32, #tpu.memory_space<vmem>> -> memref<1x128x128xf32, #tpu.memory_space<vmem>>
    %dma_wait3A_444 = tpu.memref_squeeze %dma_wait3A_443 : memref<1x128x128xf32, #tpu.memory_space<vmem>> -> memref<128x128xf32, #tpu.memory_space<vmem>>
    %dma_wait3A_445 = arith.constant 0 : i32
    %dma_wait3A_446 = tpu.memref_slice %arg6[%dma_wait3A_439, %dma_wait3A_445] : memref<40x128xi32, #tpu.memory_space<vmem>> -> memref<1x128xi32, #tpu.memory_space<vmem>>
    %dma_wait3A_447 = tpu.memref_squeeze %dma_wait3A_446 : memref<1x128xi32, #tpu.memory_space<vmem>> -> memref<128xi32, #tpu.memory_space<vmem>>
    %dma_wait3A_448 = arith.constant 0 : i32
    %dma_wait3A_449 = arith.constant 0 : i32
    %dma_wait3A_450 = tpu.memref_slice %arg4[%dma_wait3A_448, %dma_wait3A_449] : memref<10112x128xf32, #tpu.memory_space<hbm>> -> memref<10112x128xf32, #tpu.memory_space<hbm>>
    tpu.wait_indirect_dma semaphore(%arg11 : memref<!tpu.dma_semaphore, #tpu.memory_space<semaphore_mem>>) src(%dma_wait3A_450 : memref<10112x128xf32, #tpu.memory_space<hbm>>) dst(%dma_wait3A_444 : memref<128x128xf32, #tpu.memory_space<vmem>>)
    %barrier3A_451 = arith.constant 0 : index
    tpu.barrier barrier_id(%barrier3A_451)
    %mul3A_452 = arith.constant 632 : i32
    %mul3A_453 = arith.muli %arg1, %mul3A_452 : i32
    %mul3A_454 = arith.constant 632 : i32
    %mul3A_455 = arith.muli %arg1, %mul3A_454 : i32
    "tpu.region"() ({
      %run_scoped3A = tpu.sem_alloc : memref<!tpu.dma_semaphore, #tpu.memory_space<semaphore_mem>>
      %dma_start3A_456 = arith.constant 0 : i32
      %dma_start3A_457 = arith.constant 0 : i32
      %dma_start3A_458 = tpu.memref_slice %arg5[%arg0, %dma_start3A_456, %dma_start3A_457] : memref<2x10112x128xf32, #tpu.memory_space<hbm>> -> memref<1x10112x128xf32, #tpu.memory_space<hbm>>
      %dma_start3A_459 = tpu.memref_squeeze %dma_start3A_458 : memref<1x10112x128xf32, #tpu.memory_space<hbm>> -> memref<10112x128xf32, #tpu.memory_space<hbm>>
      %dma_start3A_460 = arith.constant 0 : i32
      %dma_start3A_461 = tpu.memref_slice %dma_start3A_459[%mul3A_455, %dma_start3A_460] : memref<10112x128xf32, #tpu.memory_space<hbm>> -> memref<632x128xf32, #tpu.memory_space<hbm>>
      %dma_start3A_462 = arith.constant 0 : i32
      %dma_start3A_463 = tpu.memref_slice %arg10[%mul3A_453, %dma_start3A_462] : memref<10112x128xf32, #tpu.memory_space<vmem_shared>> -> memref<632x128xf32, #tpu.memory_space<vmem_shared>>
      tpu.enqueue_dma source(%dma_start3A_463 : memref<632x128xf32, #tpu.memory_space<vmem_shared>>) target(%dma_start3A_461 : memref<632x128xf32, #tpu.memory_space<hbm>>) target_semaphore(%run_scoped3A : memref<!tpu.dma_semaphore, #tpu.memory_space<semaphore_mem>>)
      %dma_wait3A_464 = arith.constant 0 : i32
      %dma_wait3A_465 = arith.constant 0 : i32
      %dma_wait3A_466 = tpu.memref_slice %arg5[%arg0, %dma_wait3A_464, %dma_wait3A_465] : memref<2x10112x128xf32, #tpu.memory_space<hbm>> -> memref<1x10112x128xf32, #tpu.memory_space<hbm>>
      %dma_wait3A_467 = tpu.memref_squeeze %dma_wait3A_466 : memref<1x10112x128xf32, #tpu.memory_space<hbm>> -> memref<10112x128xf32, #tpu.memory_space<hbm>>
      %dma_wait3A_468 = arith.constant 0 : i32
      %dma_wait3A_469 = tpu.memref_slice %dma_wait3A_467[%mul3A_455, %dma_wait3A_468] : memref<10112x128xf32, #tpu.memory_space<hbm>> -> memref<632x128xf32, #tpu.memory_space<hbm>>
      %dma_wait3A_470 = arith.constant 0 : i32
      %dma_wait3A_471 = tpu.memref_slice %arg10[%mul3A_453, %dma_wait3A_470] : memref<10112x128xf32, #tpu.memory_space<vmem_shared>> -> memref<632x128xf32, #tpu.memory_space<vmem_shared>>
      tpu.wait_dma2 semaphore(%run_scoped3A : memref<!tpu.dma_semaphore, #tpu.memory_space<semaphore_mem>>) src(%dma_wait3A_471 : memref<632x128xf32, #tpu.memory_space<vmem_shared>>) dst(%dma_wait3A_469 : memref<632x128xf32, #tpu.memory_space<hbm>>)
      tpu.yield
    }) : () -> ()
    return
  }
}

module attributes {stable_mosaic.version = 14 : i64} {
  func.func @_scale1_body(%arg0: i32, %arg1: memref<632x128xf32, #tpu.memory_space<vmem>>, %arg2: memref<128x128xf32, #tpu.memory_space<vmem>>, %arg3: memref<632x2xf32, #tpu.memory_space<vmem>>, %arg4: memref<632x128xf32, #tpu.memory_space<vmem>>) attributes {dimension_semantics = [#tpu.dimension_semantics<arbitrary>], iteration_bounds = array<i64: 16>, scalar_prefetch = 0 : i64, scratch_operands = 0 : i64, tpu.core_type = #tpu.core_type<tc>, window_params = [{transform_indices = @transform_0, window_bounds = array<i64: 632, 128>}, {pipeline_mode = #tpu.pipeline_mode<synchronous>, transform_indices = @transform_1, window_bounds = array<i64: 128, 128>}, {transform_indices = @transform_2, window_bounds = array<i64: 632, 2>}, {transform_indices = @transform_3, window_bounds = array<i64: 632, 128>}]} {
    %get3A = arith.constant 0 : index
    %get3A_0 = arith.constant 0 : index
    %get3A_1 = vector.load %arg3[%get3A, %get3A_0] : memref<632x2xf32, #tpu.memory_space<vmem>>, vector<632x2xf32>
    %slice3A = vector.extract_strided_slice %get3A_1 {offsets = [0, 0], sizes = [632, 1], strides = [1, 1]} : vector<632x2xf32> to vector<632x1xf32>
    %squeeze3A = vector.shape_cast %slice3A : vector<632x1xf32> to vector<632xf32>
    %slice3A_2 = vector.extract_strided_slice %get3A_1 {offsets = [0, 1], sizes = [632, 1], strides = [1, 1]} : vector<632x2xf32> to vector<632x1xf32>
    %squeeze3A_3 = vector.shape_cast %slice3A_2 : vector<632x1xf32> to vector<632xf32>
    %add3A = arith.addf %squeeze3A, %squeeze3A_3 : vector<632xf32>
    %add3A_4 = arith.constant 1.000000e+00 : f32
    %add3A_5 = vector.broadcast %add3A_4 : f32 to vector<632xf32>
    %add3A_6 = arith.addf %add3A, %add3A_5 : vector<632xf32>
    %rsqrt3A = math.rsqrt %add3A_6 : vector<632xf32>
    %get3A_7 = arith.constant 0 : index
    %get3A_8 = arith.constant 0 : index
    %get3A_9 = vector.load %arg1[%get3A_7, %get3A_8] : memref<632x128xf32, #tpu.memory_space<vmem>>, vector<632x128xf32>
    %get3A_10 = arith.constant 0 : index
    %get3A_11 = arith.constant 0 : index
    %get3A_12 = vector.load %arg2[%get3A_10, %get3A_11] : memref<128x128xf32, #tpu.memory_space<vmem>>, vector<128x128xf32>
    %dot_general3A = arith.constant dense<0.000000e+00> : vector<632x128xf32>
    %dot_general3A_13 = tpu.matmul %get3A_9, %get3A_12, %dot_general3A {dimension_numbers = #tpu.dot_dimension_numbers<[1], [0], [0], [1], [0, 0, 1, 1], [], []>, transpose_lhs_hint = false} : vector<632x128xf32>, vector<128x128xf32>, vector<632x128xf32> -> vector<632x128xf32>
    %broadcast_in_dim3A = vector.shape_cast %rsqrt3A : vector<632xf32> to vector<632x1xf32>
    %mul3A = vector.broadcast %broadcast_in_dim3A : vector<632x1xf32> to vector<632x128xf32>
    %mul3A_14 = arith.mulf %dot_general3A_13, %mul3A : vector<632x128xf32>
    %swap3A = arith.constant 0 : index
    %swap3A_15 = arith.constant 0 : index
    %swap3A_16 = vector.load %arg4[%swap3A, %swap3A_15] : memref<632x128xf32, #tpu.memory_space<vmem>>, vector<632x128xf32>
    tpu.vector_store %arg4[%swap3A, %swap3A_15], %mul3A_14 {strides = array<i32>} : memref<632x128xf32, #tpu.memory_space<vmem>>, vector<632x128xf32>,
    return
  }
  func.func @transform_0(%arg0: i32) -> (i32, i32) {
    %c0_i32 = arith.constant 0 : i32
    %c0_i32_0 = arith.constant 0 : i32
    return %arg0, %c0_i32 : i32, i32
  }
  func.func @transform_1(%arg0: i32) -> (i32, i32) {
    %c0_i32 = arith.constant 0 : i32
    %c0_i32_0 = arith.constant 0 : i32
    %c0_i32_1 = arith.constant 0 : i32
    return %c0_i32, %c0_i32_0 : i32, i32
  }
  func.func @transform_2(%arg0: i32) -> (i32, i32) {
    %c0_i32 = arith.constant 0 : i32
    %c0_i32_0 = arith.constant 0 : i32
    return %arg0, %c0_i32 : i32, i32
  }
  func.func @transform_3(%arg0: i32) -> (i32, i32) {
    %c0_i32 = arith.constant 0 : i32
    %c0_i32_0 = arith.constant 0 : i32
    return %arg0, %c0_i32 : i32, i32
  }
}

module attributes {stable_mosaic.version = 14 : i64} {
  func.func @_layer2_body(%arg0: i32, %arg1: memref<2x632x128xf32, #tpu.memory_space<vmem>>, %arg2: memref<632x128xf32, #tpu.memory_space<vmem>>, %arg3: memref<632x2xf32, #tpu.memory_space<vmem>>, %arg4: memref<128x128xf32, #tpu.memory_space<vmem>>, %arg5: memref<1x128xf32, #tpu.memory_space<vmem>>, %arg6: memref<632x128xf32, #tpu.memory_space<vmem>>) attributes {dimension_semantics = [#tpu.dimension_semantics<arbitrary>], iteration_bounds = array<i64: 16>, scalar_prefetch = 0 : i64, scratch_operands = 0 : i64, tpu.core_type = #tpu.core_type<tc>, window_params = [{transform_indices = @transform_0, window_bounds = array<i64: 2, 632, 128>}, {transform_indices = @transform_1, window_bounds = array<i64: 632, 128>}, {transform_indices = @transform_2, window_bounds = array<i64: 632, 2>}, {pipeline_mode = #tpu.pipeline_mode<synchronous>, transform_indices = @transform_3, window_bounds = array<i64: 128, 128>}, {pipeline_mode = #tpu.pipeline_mode<synchronous>, transform_indices = @transform_4, window_bounds = array<i64: 1, 128>}, {transform_indices = @transform_5, window_bounds = array<i64: 632, 128>}]} {
    %get3A = arith.constant 0 : index
    %get3A_0 = arith.constant 0 : index
    %get3A_1 = vector.load %arg3[%get3A, %get3A_0] : memref<632x2xf32, #tpu.memory_space<vmem>>, vector<632x2xf32>
    %slice3A = vector.extract_strided_slice %get3A_1 {offsets = [0, 0], sizes = [632, 1], strides = [1, 1]} : vector<632x2xf32> to vector<632x1xf32>
    %squeeze3A = vector.shape_cast %slice3A : vector<632x1xf32> to vector<632xf32>
    %slice3A_2 = vector.extract_strided_slice %get3A_1 {offsets = [0, 1], sizes = [632, 1], strides = [1, 1]} : vector<632x2xf32> to vector<632x1xf32>
    %squeeze3A_3 = vector.shape_cast %slice3A_2 : vector<632x1xf32> to vector<632xf32>
    %add3A = arith.addf %squeeze3A, %squeeze3A_3 : vector<632xf32>
    %add3A_4 = arith.constant 1.000000e+00 : f32
    %add3A_5 = vector.broadcast %add3A_4 : f32 to vector<632xf32>
    %add3A_6 = arith.addf %add3A, %add3A_5 : vector<632xf32>
    %rsqrt3A = math.rsqrt %add3A_6 : vector<632xf32>
    %get3A_7 = arith.constant 0 : index
    %get3A_8 = arith.constant 0 : index
    %get3A_9 = arith.constant 0 : index
    %get3A_10 = vector.load %arg1[%get3A_7, %get3A_8, %get3A_9] : memref<2x632x128xf32, #tpu.memory_space<vmem>>, vector<1x632x128xf32>
    %get3A_11 = vector.shape_cast %get3A_10 : vector<1x632x128xf32> to vector<632x128xf32>
    %get3A_12 = arith.constant 1 : index
    %get3A_13 = arith.constant 0 : index
    %get3A_14 = arith.constant 0 : index
    %get3A_15 = vector.load %arg1[%get3A_12, %get3A_13, %get3A_14] : memref<2x632x128xf32, #tpu.memory_space<vmem>>, vector<1x632x128xf32>
    %get3A_16 = vector.shape_cast %get3A_15 : vector<1x632x128xf32> to vector<632x128xf32>
    %add3A_17 = arith.addf %get3A_11, %get3A_16 : vector<632x128xf32>
    %get3A_18 = arith.constant 0 : index
    %get3A_19 = arith.constant 0 : index
    %get3A_20 = vector.load %arg2[%get3A_18, %get3A_19] : memref<632x128xf32, #tpu.memory_space<vmem>>, vector<632x128xf32>
    %add3A_21 = arith.addf %add3A_17, %get3A_20 : vector<632x128xf32>
    %broadcast_in_dim3A = vector.shape_cast %rsqrt3A : vector<632xf32> to vector<632x1xf32>
    %mul3A = vector.broadcast %broadcast_in_dim3A : vector<632x1xf32> to vector<632x128xf32>
    %mul3A_22 = arith.mulf %add3A_21, %mul3A : vector<632x128xf32>
    %get3A_23 = arith.constant 0 : index
    %get3A_24 = arith.constant 0 : index
    %get3A_25 = vector.load %arg5[%get3A_23, %get3A_24] : memref<1x128xf32, #tpu.memory_space<vmem>>, vector<1x128xf32>
    %add3A_26 = vector.broadcast %get3A_25 : vector<1x128xf32> to vector<632x128xf32>
    %add3A_27 = arith.addf %mul3A_22, %add3A_26 : vector<632x128xf32>
    %max3A = arith.constant 0.000000e+00 : f32
    %max3A_28 = vector.broadcast %max3A : f32 to vector<632x128xf32>
    %max3A_29 = arith.maximumf %add3A_27, %max3A_28 : vector<632x128xf32>
    %get3A_30 = arith.constant 0 : index
    %get3A_31 = arith.constant 0 : index
    %get3A_32 = vector.load %arg4[%get3A_30, %get3A_31] : memref<128x128xf32, #tpu.memory_space<vmem>>, vector<128x128xf32>
    %dot_general3A = arith.constant dense<0.000000e+00> : vector<632x128xf32>
    %dot_general3A_33 = tpu.matmul %max3A_29, %get3A_32, %dot_general3A {dimension_numbers = #tpu.dot_dimension_numbers<[1], [0], [0], [1], [0, 0, 1, 1], [], []>, transpose_lhs_hint = false} : vector<632x128xf32>, vector<128x128xf32>, vector<632x128xf32> -> vector<632x128xf32>
    %broadcast_in_dim3A_34 = vector.shape_cast %rsqrt3A : vector<632xf32> to vector<632x1xf32>
    %mul3A_35 = vector.broadcast %broadcast_in_dim3A_34 : vector<632x1xf32> to vector<632x128xf32>
    %mul3A_36 = arith.mulf %dot_general3A_33, %mul3A_35 : vector<632x128xf32>
    %swap3A = arith.constant 0 : index
    %swap3A_37 = arith.constant 0 : index
    %swap3A_38 = vector.load %arg6[%swap3A, %swap3A_37] : memref<632x128xf32, #tpu.memory_space<vmem>>, vector<632x128xf32>
    tpu.vector_store %arg6[%swap3A, %swap3A_37], %mul3A_36 {strides = array<i32>} : memref<632x128xf32, #tpu.memory_space<vmem>>, vector<632x128xf32>,
    return
  }
  func.func @transform_0(%arg0: i32) -> (i32, i32, i32) {
    %c0_i32 = arith.constant 0 : i32
    %c0_i32_0 = arith.constant 0 : i32
    %c0_i32_1 = arith.constant 0 : i32
    return %c0_i32, %arg0, %c0_i32_0 : i32, i32, i32
  }
  func.func @transform_1(%arg0: i32) -> (i32, i32) {
    %c0_i32 = arith.constant 0 : i32
    %c0_i32_0 = arith.constant 0 : i32
    return %arg0, %c0_i32 : i32, i32
  }
  func.func @transform_2(%arg0: i32) -> (i32, i32) {
    %c0_i32 = arith.constant 0 : i32
    %c0_i32_0 = arith.constant 0 : i32
    return %arg0, %c0_i32 : i32, i32
  }
  func.func @transform_3(%arg0: i32) -> (i32, i32) {
    %c0_i32 = arith.constant 0 : i32
    %c0_i32_0 = arith.constant 0 : i32
    %c0_i32_1 = arith.constant 0 : i32
    return %c0_i32, %c0_i32_0 : i32, i32
  }
  func.func @transform_4(%arg0: i32) -> (i32, i32) {
    %c0_i32 = arith.constant 0 : i32
    %c0_i32_0 = arith.constant 0 : i32
    %c0_i32_1 = arith.constant 0 : i32
    return %c0_i32, %c0_i32_0 : i32, i32
  }
  func.func @transform_5(%arg0: i32) -> (i32, i32) {
    %c0_i32 = arith.constant 0 : i32
    %c0_i32_0 = arith.constant 0 : i32
    return %arg0, %c0_i32 : i32, i32
  }
}

module attributes {stable_mosaic.version = 14 : i64} {
  func.func @_final_body(%arg0: i32, %arg1: memref<2x632x128xf32, #tpu.memory_space<vmem>>, %arg2: memref<632x128xf32, #tpu.memory_space<vmem>>, %arg3: memref<632x2xf32, #tpu.memory_space<vmem>>, %arg4: memref<1x128xf32, #tpu.memory_space<vmem>>, %arg5: memref<632x128xf32, #tpu.memory_space<vmem>>) attributes {dimension_semantics = [#tpu.dimension_semantics<arbitrary>], iteration_bounds = array<i64: 16>, scalar_prefetch = 0 : i64, scratch_operands = 0 : i64, tpu.core_type = #tpu.core_type<tc>, window_params = [{transform_indices = @transform_0, window_bounds = array<i64: 2, 632, 128>}, {transform_indices = @transform_1, window_bounds = array<i64: 632, 128>}, {transform_indices = @transform_2, window_bounds = array<i64: 632, 2>}, {pipeline_mode = #tpu.pipeline_mode<synchronous>, transform_indices = @transform_3, window_bounds = array<i64: 1, 128>}, {transform_indices = @transform_4, window_bounds = array<i64: 632, 128>}]} {
    %get3A = arith.constant 0 : index
    %get3A_0 = arith.constant 0 : index
    %get3A_1 = vector.load %arg3[%get3A, %get3A_0] : memref<632x2xf32, #tpu.memory_space<vmem>>, vector<632x2xf32>
    %slice3A = vector.extract_strided_slice %get3A_1 {offsets = [0, 0], sizes = [632, 1], strides = [1, 1]} : vector<632x2xf32> to vector<632x1xf32>
    %squeeze3A = vector.shape_cast %slice3A : vector<632x1xf32> to vector<632xf32>
    %slice3A_2 = vector.extract_strided_slice %get3A_1 {offsets = [0, 1], sizes = [632, 1], strides = [1, 1]} : vector<632x2xf32> to vector<632x1xf32>
    %squeeze3A_3 = vector.shape_cast %slice3A_2 : vector<632x1xf32> to vector<632xf32>
    %add3A = arith.addf %squeeze3A, %squeeze3A_3 : vector<632xf32>
    %add3A_4 = arith.constant 1.000000e+00 : f32
    %add3A_5 = vector.broadcast %add3A_4 : f32 to vector<632xf32>
    %add3A_6 = arith.addf %add3A, %add3A_5 : vector<632xf32>
    %rsqrt3A = math.rsqrt %add3A_6 : vector<632xf32>
    %get3A_7 = arith.constant 0 : index
    %get3A_8 = arith.constant 0 : index
    %get3A_9 = arith.constant 0 : index
    %get3A_10 = vector.load %arg1[%get3A_7, %get3A_8, %get3A_9] : memref<2x632x128xf32, #tpu.memory_space<vmem>>, vector<1x632x128xf32>
    %get3A_11 = vector.shape_cast %get3A_10 : vector<1x632x128xf32> to vector<632x128xf32>
    %get3A_12 = arith.constant 1 : index
    %get3A_13 = arith.constant 0 : index
    %get3A_14 = arith.constant 0 : index
    %get3A_15 = vector.load %arg1[%get3A_12, %get3A_13, %get3A_14] : memref<2x632x128xf32, #tpu.memory_space<vmem>>, vector<1x632x128xf32>
    %get3A_16 = vector.shape_cast %get3A_15 : vector<1x632x128xf32> to vector<632x128xf32>
    %add3A_17 = arith.addf %get3A_11, %get3A_16 : vector<632x128xf32>
    %get3A_18 = arith.constant 0 : index
    %get3A_19 = arith.constant 0 : index
    %get3A_20 = vector.load %arg2[%get3A_18, %get3A_19] : memref<632x128xf32, #tpu.memory_space<vmem>>, vector<632x128xf32>
    %add3A_21 = arith.addf %add3A_17, %get3A_20 : vector<632x128xf32>
    %broadcast_in_dim3A = vector.shape_cast %rsqrt3A : vector<632xf32> to vector<632x1xf32>
    %mul3A = vector.broadcast %broadcast_in_dim3A : vector<632x1xf32> to vector<632x128xf32>
    %mul3A_22 = arith.mulf %add3A_21, %mul3A : vector<632x128xf32>
    %get3A_23 = arith.constant 0 : index
    %get3A_24 = arith.constant 0 : index
    %get3A_25 = vector.load %arg4[%get3A_23, %get3A_24] : memref<1x128xf32, #tpu.memory_space<vmem>>, vector<1x128xf32>
    %add3A_26 = vector.broadcast %get3A_25 : vector<1x128xf32> to vector<632x128xf32>
    %add3A_27 = arith.addf %mul3A_22, %add3A_26 : vector<632x128xf32>
    %swap3A = arith.constant 0 : index
    %swap3A_28 = arith.constant 0 : index
    %swap3A_29 = vector.load %arg5[%swap3A, %swap3A_28] : memref<632x128xf32, #tpu.memory_space<vmem>>, vector<632x128xf32>
    tpu.vector_store %arg5[%swap3A, %swap3A_28], %add3A_27 {strides = array<i32>} : memref<632x128xf32, #tpu.memory_space<vmem>>, vector<632x128xf32>,
    return
  }
  func.func @transform_0(%arg0: i32) -> (i32, i32, i32) {
    %c0_i32 = arith.constant 0 : i32
    %c0_i32_0 = arith.constant 0 : i32
    %c0_i32_1 = arith.constant 0 : i32
    return %c0_i32, %arg0, %c0_i32_0 : i32, i32, i32
  }
  func.func @transform_1(%arg0: i32) -> (i32, i32) {
    %c0_i32 = arith.constant 0 : i32
    %c0_i32_0 = arith.constant 0 : i32
    return %arg0, %c0_i32 : i32, i32
  }
  func.func @transform_2(%arg0: i32) -> (i32, i32) {
    %c0_i32 = arith.constant 0 : i32
    %c0_i32_0 = arith.constant 0 : i32
    return %arg0, %c0_i32 : i32, i32
  }
  func.func @transform_3(%arg0: i32) -> (i32, i32) {
    %c0_i32 = arith.constant 0 : i32
    %c0_i32_0 = arith.constant 0 : i32
    %c0_i32_1 = arith.constant 0 : i32
    return %c0_i32, %c0_i32_0 : i32, i32
  }
  func.func @transform_4(%arg0: i32) -> (i32, i32) {
    %c0_i32 = arith.constant 0 : i32
    %c0_i32_0 = arith.constant 0 : i32
    return %arg0, %c0_i32 : i32, i32
  }
}

</mosaic_0001>

<sc_bundles>
// kernel: kernel.11.cloned.1.call-start
scs
__scs_entry_jumppad:
0x0: {  	(pc) =	sbr.rel $0x88, $3  }
0x1: {  	(tag) =	ssettag $0x0;
	lr =	simm.s32 $0x1  }
0x2: {  	[smem:$0x3F9B] =	sst lr;
	_ =	strace $0xD0000000  }
0x3: {  	_ = 	snop  }
0x4: {  	_ = 	snop  }
0x5: {  	_ = 	snop  }
0x6: {  	_ = 	snop  }
0x7: {  	_ = 	snop  }
__scs_overlays_trampoline_lowered:
0x8: {  	[smem:$0x3FAA] =	sst s0  }
0x9: {  	[smem:$0x3FAB] =	sst s1  }
0xa: {  	[smem:$0x3FAC] =	sst s2  }
0xb: {  	[smem:$0x3FAD] =	sst s3  }
0xc: {  	[smem:$0x3FAE] =	sst s4  }
0xd: {  	[smem:$0x3FAF] =	sst s5  }
0xe: {  	[smem:$0x3FB0] =	sst s6  }
0xf: {  	[smem:$0x3FB1] =	sst s7  }
0x10: {  	[smem:$0x3FB2] =	sst s8  }
0x11: {  	[smem:$0x3FB3] =	sst s9;
	s0 =	simm.s32 @!p0 $0x0  }
0x12: {  	s1 =	sld [smem:$0x3F99];
	s0 =	simm.s32 @p0 $0x1  }
0x13: {  	[smem:$0x3FB4] =	sst s0;
	s0 =	simm.s32 @!p1 $0x0  }
0x14: {  	s2 =	sld [smem:$0x3F98];
	s0 =	simm.s32 @p1 $0x1  }
0x15: {  	[smem:$0x3FB5] =	sst s0;
	s0 =	simm.s32 @!p2 $0x0  }
0x16: {  	s3 =	sld [smem:$0x3FDB];
	s0 =	simm.s32 @p2 $0x1  }
0x17: {  	s4 =	simm.s32 $0x1BF5;
	[smem:$0x3FB7] =	sst s0  }
0x18: {  	s0 =	sld [smem:$0x3F9A];
	_ =	swait.ge [sflag:s4], $0x0  }
0x19: {  	s7 =	sld [smem:$0x3F9B]  }
0x1a: {  	s8 =	sadd.s32 $0xFFFFE003, lr  }
0x1b: {  	s9 =	sadd.s32 $0xFFFFFEF7, lr;
	s5 =	simm.s32 $0xFFFFFFFF;
	p2 =	slt.u32 s8, $0xFFFFF086  }
0x1c: {  	p1 =	slt.u32 s9, $0xF7A;
	s5 =	simm.s32 @!p2 $0x0  }
0x1d: {  	s5 =	simm.s32 @p1 $0x1;
	p0 =	seq.s32 s7, s2  }
0x1e: {  	s7 =	smul.u32 @!p0 $0xF7A, s2;
	p2 =	seq.s32 @!p0 s5, $0x0  }
0x1f: {  	s9 =	smul.u32 $0xF7A, s1;
	s8 =	simm.s32 @!p0 $0x1BF5;
	p2 =	por !p2, p0  }
0x20: {  	[sflag:s8] =	ssyncset.s32 @!p0 $0xFFFFF086;
	s6 =	sadd.s32 @!p0 s3, s7;
	s7 =	simm.s32 @!p0 $0x108  }
0x21: {  	s3 =	sadd.s32 s3, s9;
	s6 =	sadd.s32 @!p0 $0x88, s6;
	s7 =	simm.s32 @p2 $0x1082  }
0x22: {  	[simem:s7], [sflag:s8] =	dma.local @!p0 [hbm:s6], $0xF7A  }
0x23: {  	s9 =	sor.u32 $0xD0000000, s2;
	s6 =	simm.s32 $0x108;
	_ =	swait.ge @!p0 [sflag:s8], $0x0  }
0x24: {  	s3 =	sadd.s32 $0x88, s3;
	s6 =	simm.s32 @!p1 $0x1082;
	[sflag:s4] =	ssyncset.s32 $0xFFFFF086  }
0x25: {  	[simem:s6], [sflag:s4] =	dma.local [hbm:s3], $0xF7A  }
0x26: {  	[smem:$0x3F9B] =	sst s1;
	(tag) =	ssettag s2;
	_ =	strace s9  }
0x27: {  	s1 =	sld [smem:$0x3FAB]  }
0x28: {  	s2 =	sld [smem:$0x3FAC]  }
0x29: {  	s4 =	sld [smem:$0x3FAE]  }
0x2a: {  	p0 =	seq.s32 s5, $0x0;
	s5 =	sld [smem:$0x3FAF]  }
0x2b: {  	s6 =	sld [smem:$0x3FB0]  }
0x2c: {  	s7 =	sld [smem:$0x3FB1]  }
0x2d: {  	s3 =	simm.s32 $0x108;
	s8 =	sld [smem:$0x3FB2]  }
0x2e: {  	s3 =	simm.s32 @!p0 $0x1082;
	s9 =	sld [smem:$0x3FB3]  }
0x2f: {  	lr =	sadd.s32 s0, s3;
	s0 =	sld [smem:$0x3FAA]  }
0x30: {  	s3 =	sld [smem:$0x3FAD]  }
0x31: {  	[smem:$0x3FB6] =	sst s10  }
0x32: {  	s10 =	sld [smem:$0x3FB4];
	_ =	sdelay $0x3  }
0x33: {  	p0 =	seq.s32 s10, $0x1;
	s10 =	sld [smem:$0x3FB6];
	_ =	sdelay $0x3  }
0x34: {  	[smem:$0x3FB6] =	sst s10  }
0x35: {  	s10 =	sld [smem:$0x3FB5];
	_ =	sdelay $0x3  }
0x36: {  	p1 =	seq.s32 s10, $0x1;
	s10 =	sld [smem:$0x3FB6];
	_ =	sdelay $0x3  }
0x37: {  	[smem:$0x3FB6] =	sst s10  }
0x38: {  	s10 =	sld [smem:$0x3FB7]  }
0x39: {  	_ = 	snop;
	(pc) =	sbr.ind lr, $3  }
0x3a: {  	_ = 	snop  }
0x3b: {  	_ = 	snop  }
0x3c: {  	p2 =	seq.s32 s10, $0x1;
	s10 =	sld [smem:$0x3FB6]  }
0x3d: {  	_ =	shalt  }
0x3e: {  	_ =	shalt  }
0x3f: {  	_ =	shalt  }
0x40: {  	_ =	shalt  }
0x41: {  	_ =	shalt  }
0x42: {  	_ =	shalt  }
0x43: {  	_ =	shalt  }
0x44: {  	_ =	shalt  }
0x45: {  	_ =	shalt  }
0x46: {  	_ =	shalt  }
0x47: {  	_ =	shalt  }
0x48: {  	_ =	shalt  }
0x49: {  	_ =	shalt  }
0x4a: {  	_ =	shalt  }
0x4b: {  	_ =	shalt  }
0x4c: {  	_ =	shalt  }
0x4d: {  	_ =	shalt  }
0x4e: {  	_ =	shalt  }
0x4f: {  	_ =	shalt  }
0x50: {  	_ =	shalt  }
0x51: {  	_ =	shalt  }
0x52: {  	_ =	shalt  }
0x53: {  	_ =	shalt  }
0x54: {  	_ =	shalt  }
0x55: {  	_ =	shalt  }
0x56: {  	_ =	shalt  }
0x57: {  	_ =	shalt  }
0x58: {  	_ =	shalt  }
0x59: {  	_ =	shalt  }
0x5a: {  	_ =	shalt  }
0x5b: {  	_ =	shalt  }
0x5c: {  	_ =	shalt  }
0x5d: {  	_ =	shalt  }
0x5e: {  	_ =	shalt  }
0x5f: {  	_ =	shalt  }
0x60: {  	_ =	shalt  }
0x61: {  	_ =	shalt  }
0x62: {  	_ =	shalt  }
0x63: {  	_ =	shalt  }
0x64: {  	_ =	shalt  }
0x65: {  	_ =	shalt  }
0x66: {  	_ =	shalt  }
0x67: {  	_ =	shalt  }
0x68: {  	_ =	shalt  }
0x69: {  	_ =	shalt  }
0x6a: {  	_ =	shalt  }
0x6b: {  	_ =	shalt  }
0x6c: {  	_ =	shalt  }
0x6d: {  	_ =	shalt  }
0x6e: {  	_ =	shalt  }
0x6f: {  	_ =	shalt  }
0x70: {  	_ =	shalt  }
0x71: {  	_ =	shalt  }
0x72: {  	_ =	shalt  }
0x73: {  	_ =	shalt  }
0x74: {  	_ =	shalt  }
0x75: {  	_ =	shalt  }
0x76: {  	_ =	shalt  }
0x77: {  	_ =	shalt  }
0x78: {  	_ =	shalt  }
0x79: {  	_ =	shalt  }
0x7a: {  	_ =	shalt  }
0x7b: {  	_ =	shalt  }
0x7c: {  	_ =	shalt  }
0x7d: {  	_ =	shalt  }
0x7e: {  	_ =	shalt  }
0x7f: {  	_ =	shalt  }
0x80: {  	_ =	shalt  }
0x81: {  	_ =	shalt  }
0x82: {  	_ =	shalt  }
0x83: {  	_ =	shalt  }
0x84: {  	_ =	shalt  }
0x85: {  	_ =	shalt  }
0x86: {  	_ =	shalt  }
0x87: {  	_ =	shalt  }
.Lfunc_end0:
.L_simem_size_0:
called_computation.1_lowered:
.L_overlay_start_0:
0x88: {  	s2 =	sld [smem:$0x3FD9]  }
0x89: {  	s3 =	sld [smem:$0x3FFE];
	_ =	sdelay $0x1  }
0x8a: {  	s1 =	srdreg.scid  }
0x8b: {  	s0 =	sand.u32 $0x1, s1  }
0x8c: {  	s17 =	sshll.u32 s0, $0xA;
	s2 =	sadd.s32 s3, s2  }
0x8d: {  	s2 =	sadd.s32 s2, s17  }
0x8e: {  	[smem:$0x3FC2] =	sst s2  }
0x8f: {  	_ = 	snop  }
0x90: {  	s2 =	sld [smem:$0x3FD0];
	(tm) =	ssettm $0x1  }
0x91: {  	s18 =	sld [smem:$0x3FFB];
	_ =	sdelay $0x3  }
0x92: {  	_ =	strace s18  }
0x93: {  	s3 =	sld [smem:$0x3FFC];
	_ =	sdelay $0x3  }
0x94: {  	_ =	strace s3  }
0x95: {  	s3 =	sld [smem:$0x3FFD];
	_ =	sdelay $0x3  }
0x96: {  	_ =	strace s3  }
0x97: {  	_ =	strace $0x8FFFFFFF  }
0x98: {  	s19 =	sld [smem:$0x3FDB];
	_ =	sdelay $0x1  }
0x99: {  	s4 =	simm.s32 $_scs_section_size  }
0x9a: {  	s5 =	simm.s32 $_size__tile_overlayer_lowered;
	s6 =	simm.s32 $_tile_overlayer_lowered  }
0x9b: {  	s22 =	simm.s32 $0x1BFF;
	s21 =	sshll.u32 s6, $0x1;
	s3 =	sadd.s32 s4, s19  }
0x9c: {  	s7 =	simm.s32 $0x0;
	s20 =	sshll.u32 s5, $0x1;
	s5 =	sadd.s32 s21, s3  }
0x9d: {  	[timem:s7], [sflag:s22] =	dma.local [hbm:s5], s20  }
0x9e: {  	_ =	swait.ge [sflag:s22], s20  }
0x9f: {  	s4 =	ssub.s32 $0x0, s20;
	[sflag:s22] =	ssyncset.done $0x0  }
0xa0: {  	[sflag:s22] =	ssyncadd.s32 s4;
	_ =	sdelay $0x1  }
0xa1: {  	s23 =	simm.s32 $0x1B8B  }
0xa2: {  	_ =	swait.ge [sflag:s23], $0x1  }
0xa3: {  	[sflag:s23] =	ssyncset.done $0x0  }
0xa4: {  	s25 =	simm.s32 $0x1B8E;
	s24 =	sld [smem:$0x3FFE];
	[sflag:s23] =	ssyncadd.s32 $0xFFFFFFFF  }
0xa5: {  	s26 =	simm.s32 $execute0_lowered;
	[smem:$0x3FD2] =	sst s25  }
0xa6: {  	s5 =	sshll.u32 s26, $0x1;
	_ =	strace $0x80000049;
	[dreg:$0x1] =	wrdreg $0xFFFFFFFF  }
0xa7: {  	s28 =	simm.s32 $_size_execute0_lowered;
	s3 =	sadd.s32 s3, s5;
	[dreg:$0x0] =	wrdreg $0x0  }
0xa8: {  	s5 =	sshll.u32 s28, $0x1;
	[dreg:$0x2] =	wrdreg s3  }
0xa9: {  	[dreg:$0x3] =	wrdreg s5  }
0xaa: {  	[dreg:$0x4] =	wrdreg $0xC0  }
0xab: {  	_ =	task [dreg:s7], $0x5FFFF  }
0xac: {  	[dreg:$0x1] =	wrdreg $0xFFFFFFFF  }
0xad: {  	[dreg:$0x0] =	wrdreg $0x60  }
0xae: {  	[dreg:$0x2] =	wrdreg s2  }
0xaf: {  	[dreg:$0x3] =	wrdreg s24  }
0xb0: {  	[dreg:$0x4] =	wrdreg $0xAC000  }
0xb1: {  	[dreg:$0x5] =	wrdreg $0x9  }
0xb2: {  	_ =	task.clear_ibuf [dreg:s7], $0x6FFFF;
	_ =	strace $0x90000049  }
0xb3: {  	s29 =	simm.s32 $0x9;
	_ =	strace $0x8000004B  }
0xb4: {  	_ =	swait.ge [sflag:s29], $0x1  }
0xb5: {  	[sflag:s29] =	ssyncadd.s32 $0xFFFFFFFF  }
0xb6: {  	_ =	strace $0x9000004B  }
0xb7: {  	_ =	sfence  }
0xb8: {  	s30 =	sld [smem:$0x0];
	_ =	sdelay $0x2  }
0xb9: {  	s31 =	sshll.u32 s1, $0xD;
	s1 =	sshrl.u32 s1, $0x2  }
0xba: {  	s3 =	sand.u32 $0x4000, s31;
	s1 =	sadd.s32 s1, s30  }
0xbb: {  	s0 =	sor.u32 s3, s0;
	s1 =	sshll.u32 s1, $0x11  }
0xbc: {  	s0 =	sor.u32 s1, s0  }
0xbd: {  	s0 =	sadd.s32 $0x8F2B, s0  }
0xbe: {  	[sflag:s0] =	ssyncadd.remote.s32 $0x1  }
0xbf: {  	_ =	sfence.sel $0xFFFF  }
0xc0: {  	[dreg:$0x0] =	wrdreg $0xFFFFFFFF;
	(pc) =	sbr.abs _section_cstart, $3  }
0xc1: {  	[dreg:$0x1] =	wrdreg $0xFFFFFFFF  }
0xc2: {  	_ =	task.clear_ibuf [dreg:s7], $0x2FFFF;
	_ =	strace $0x9FFFFFFF  }
0xc3: {  	(tm) =	ssettm $0x7FFFFFFF  }
tec
execute0_lowered:
.L_overlay_start_1:
0x0: {  	(tag) =	ssettag $0x1  }
0x1: {  	s6 =	rddreg [dreg:$0x0]  }
0x2: {  	s0 =	srdreg.scid;
	s5 =	rddreg [dreg:$0x1]  }
0x3: {  	s2 =	rddreg [dreg:$0x2];
	s1 =	stileid.u32  }
0x4: {  	s3 =	simm.s32 $0x0;
	s13 =	simm.s32 $0x2800;
	s14 =	simm.s32 $0x6800  }
0x5: {  	s15 =	simm.s32 $0x1;
	s16 =	simm.s32 $0x2;
	s17 =	simm.s32 $0x1380  }
0x6: {  	s18 =	simm.s32 $0x2700;
	s4 =	sand.u32 $0x1, s0;
	s0 =	rddreg [dreg:$0x3]  }
0x7: {  	s19 =	simm.s32 $0x2780;
	[smem:$0x7FF] =	sst s3;
	s8 =	smul.u32 $0x4F000, s1  }
0x8: {  	s22 =	smul.u32 $0x2780, s1;
	s7 =	sshll.u32 s4, $0x4;
	_ =	strace $0x8000004A  }
0x9: {  	s10 =	smul.u32 $0x27800, s4;
	s11 =	ssub.s32 $0x2, s4;
	s4 =	sadd.s32 $0xC200, s5  }
0xa: {  	s7 =	sor.u32 s1, s7;
	s12 =	sshrl.u32 s11, $0x1;
	s8 =	sshrl.u32 s8, $0x2  }
0xb: {  	s7 =	smul.u32 $0x500, s7;
	s10 =	sadd.s32 s10, s5;
	s11 =	ssub.s32 s11, s12  }
0xc: {  	s12 =	simm.s32 $0x80;
	s21 =	sadd.s32 $0x33A00, s10;
	s10 =	simm.s32 $0x3  }
0xd: {  	s9 =	sadd.s32 s7, s5;
	s5 =	sadd.s32 s8, s2;
	s6 =	sadd.s32 s6, s7  }
0xe: {  	s8 =	smax.u32 s11, $0x1;
	s11 =	simm.s32 $0x1400;
	s21 =	sadd.s32 s22, s21  }
0xf: {  	v0 =	vimm.f32 $0.0e+00;
	s7 =	sadd.s32 $0x2200, s9;
	s9 =	simm.s32 $0xA800;
	s20 =	sadd.s32 $0x280, s6  }
.LBB2_1:
0x10: {  	[tilespmem:$0xA800] =	vst v0  }
0x11: {  	[tilespmem:$0xA810] =	vst v0  }
0x12: {  	[tilespmem:$0xA820] =	vst v0  }
0x13: {  	[tilespmem:$0xA830] =	vst v0  }
0x14: {  	[tilespmem:$0xA840] =	vst v0  }
0x15: {  	[tilespmem:$0xA850] =	vst v0  }
0x16: {  	[tilespmem:$0xA860] =	vst v0  }
0x17: {  	[tilespmem:$0xA870] =	vst v0  }
0x18: {  	[tilespmem:$0xA880] =	vst v0  }
0x19: {  	[tilespmem:$0xA890] =	vst v0  }
0x1a: {  	[tilespmem:$0xA8A0] =	vst v0  }
0x1b: {  	[tilespmem:$0xA8B0] =	vst v0  }
0x1c: {  	[tilespmem:$0xA8C0] =	vst v0  }
0x1d: {  	[tilespmem:$0xA8D0] =	vst v0  }
0x1e: {  	[tilespmem:$0xA8E0] =	vst v0  }
0x1f: {  	[tilespmem:$0xA8F0] =	vst v0  }
0x20: {  	[tilespmem:$0xA900] =	vst v0  }
0x21: {  	[tilespmem:$0xA910] =	vst v0  }
0x22: {  	[tilespmem:$0xA920] =	vst v0  }
0x23: {  	[tilespmem:$0xA930] =	vst v0  }
0x24: {  	[tilespmem:$0xA940] =	vst v0  }
0x25: {  	[tilespmem:$0xA950] =	vst v0  }
0x26: {  	[tilespmem:$0xA960] =	vst v0  }
0x27: {  	[tilespmem:$0xA970] =	vst v0  }
0x28: {  	[tilespmem:$0xA980] =	vst v0  }
0x29: {  	[tilespmem:$0xA990] =	vst v0  }
0x2a: {  	[tilespmem:$0xA9A0] =	vst v0  }
0x2b: {  	[tilespmem:$0xA9B0] =	vst v0  }
0x2c: {  	[tilespmem:$0xA9C0] =	vst v0  }
0x2d: {  	[tilespmem:$0xA9D0] =	vst v0  }
0x2e: {  	[tilespmem:$0xA9E0] =	vst v0  }
0x2f: {  	[tilespmem:$0xA9F0] =	vst v0  }
0x30: {  	[tilespmem:$0xAA00] =	vst v0  }
0x31: {  	[tilespmem:$0xAA10] =	vst v0  }
0x32: {  	[tilespmem:$0xAA20] =	vst v0  }
0x33: {  	[tilespmem:$0xAA30] =	vst v0  }
0x34: {  	[tilespmem:$0xAA40] =	vst v0  }
0x35: {  	[tilespmem:$0xAA50] =	vst v0  }
0x36: {  	[tilespmem:$0xAA60] =	vst v0  }
0x37: {  	[tilespmem:$0xAA70] =	vst v0  }
0x38: {  	[tilespmem:$0xAA80] =	vst v0  }
0x39: {  	[tilespmem:$0xAA90] =	vst v0  }
0x3a: {  	[tilespmem:$0xAAA0] =	vst v0  }
0x3b: {  	[tilespmem:$0xAAB0] =	vst v0  }
0x3c: {  	[tilespmem:$0xAAC0] =	vst v0  }
0x3d: {  	[tilespmem:$0xAAD0] =	vst v0  }
0x3e: {  	[tilespmem:$0xAAE0] =	vst v0  }
0x3f: {  	[tilespmem:$0xAAF0] =	vst v0  }
0x40: {  	[tilespmem:$0xAB00] =	vst v0  }
0x41: {  	[tilespmem:$0xAB10] =	vst v0  }
0x42: {  	[tilespmem:$0xAB20] =	vst v0  }
0x43: {  	[tilespmem:$0xAB30] =	vst v0  }
0x44: {  	[tilespmem:$0xAB40] =	vst v0  }
0x45: {  	[tilespmem:$0xAB50] =	vst v0  }
0x46: {  	[tilespmem:$0xAB60] =	vst v0  }
0x47: {  	[tilespmem:$0xAB70] =	vst v0  }
0x48: {  	[tilespmem:$0xAB80] =	vst v0  }
0x49: {  	[tilespmem:$0xAB90] =	vst v0  }
0x4a: {  	[tilespmem:$0xABA0] =	vst v0  }
0x4b: {  	[tilespmem:$0xABB0] =	vst v0  }
0x4c: {  	[tilespmem:$0xABC0] =	vst v0  }
0x4d: {  	[tilespmem:$0xABD0] =	vst v0  }
0x4e: {  	[tilespmem:$0xABE0] =	vst v0  }
0x4f: {  	[tilespmem:$0xABF0] =	vst v0;
	s22 =	sadd.s32 $0x0, s5  }
0x50: {  	[spmem:s22] =	stream.linear.scatter [tilespmem:s9], [sflag:$0x3], $0x400, $0x38;
	[tilespmem:$0x1E800] =	vst v63  }
0x51: {  	s22 =	simm.s32 $0x1000;
	_ =	swait.ge [sflag:s10], $0x400  }
.LBB2_2:
0x52: {  	s23 =	sshra.s32 s22, $0x2;
	[sflag:s10] =	ssyncset.done $0x0;
	p0 =	sne.s32 s22, $0x4E000  }
.Ltmp0:
0x53: {  	s23 =	sadd.s32 s23, s5;
	[sflag:s10] =	ssyncadd.s32 $0xFFFFFC00;
	(pc) =	sbr.rel @p0 .LBB2_2-.Ltmp0, $3  }
0x54: {  	[spmem:s23] =	stream.linear.scatter [tilespmem:s9], [sflag:$0x3], $0x400, $0x38;
	[tilespmem:$0x1E800] =	vst v63  }
0x55: {  	s22 =	sadd.s32 $0x1000, s22;
	_ =	sdelay $0x1  }
0x56: {  	_ =	swait.ge [sflag:s10], $0x400  }
0x57: {  	[sflag:s10] =	ssyncset.done $0x0  }
0x58: {  	[sflag:s10] =	ssyncadd.s32 $0xFFFFFC00  }
0x59: {  	s22 =	simm.s32 $0x0;
	[bflag:$0x0] =	sbarrier.arrive $0xFFFF  }
0x5a: {  	[tilespmem:s22], [sflag:$0x3] =	stream.linear.gather [hbm4b:s6+s22], $0x1400, $0x38;
	[tilespmem:$0x1E800] =	vst v63  }
0x5b: {  	_ =	swait.ge [sflag:s10], $0x1400  }
0x5c: {  	[sflag:s10] =	ssyncset.done $0x0  }
0x5d: {  	[sflag:s10] =	ssyncadd.s32 $0xFFFFEC00  }
0x5e: {  	[tilespmem:s11], [sflag:$0x3] =	stream.linear.gather [hbm4b:s7+s22], $0x1400, $0x38;
	[tilespmem:$0x1E800] =	vst v63  }
0x5f: {  	_ =	swait.ge [sflag:s10], $0x1400  }
0x60: {  	[sflag:s10] =	ssyncset.done $0x0  }
0x61: {  	[sflag:s10] =	ssyncadd.s32 $0xFFFFEC00  }
0x62: {  	[tilespmem:s13], [sflag:$0x1] =	stream.indirect.gather [hbm4b:s4+s12], $0x80, s22, s12, $0xb8;
	[tilespmem:$0x1E800] =	vst v63  }
0x63: {  	s28 =	simm.s32 $0x80  }
0x64: {  	[tilespmem:s14], [sflag:$0x2] =	stream.indirect.gather [hbm4b:s4+s12], $0x80, s28, s12, $0xb8;
	[tilespmem:$0x1E800] =	vst v63  }
0x65: {  	_ =	swait.ge [sflag:s15], $0x4000  }
0x66: {  	[sflag:s15] =	ssyncset.done $0x0  }
0x67: {  	s29 =	simm.s32 $0x1400;
	[sflag:s15] =	ssyncadd.s32 $0xFFFFC000  }
0x68: {  	[spmem:s2] =	stream.indirect.scatter.add.f32 [tilespmem:s13], [sflag:$0x3], $0x80, s29, s12, $0xb8;
	[tilespmem:$0x1E800] =	vst v63  }
0x69: {  	_ =	swait.ge [sflag:s10], $0x4000  }
0x6a: {  	[sflag:s10] =	ssyncset.done $0x0  }
0x6b: {  	s30 =	simm.s32 $0x100;
	[sflag:s10] =	ssyncadd.s32 $0xFFFFC000  }
0x6c: {  	[tilespmem:s13], [sflag:$0x1] =	stream.indirect.gather [hbm4b:s4+s12], $0x80, s30, s12, $0xb8;
	[tilespmem:$0x1E800] =	vst v63  }
0x6d: {  	_ =	swait.ge [sflag:s16], $0x4000  }
0x6e: {  	[sflag:s16] =	ssyncset.done $0x0  }
0x6f: {  	s31 =	simm.s32 $0x1480;
	[sflag:s16] =	ssyncadd.s32 $0xFFFFC000  }
0x70: {  	[spmem:s2] =	stream.indirect.scatter.add.f32 [tilespmem:s14], [sflag:$0x3], $0x80, s31, s12, $0xb8;
	[tilespmem:$0x1E800] =	vst v63  }
0x71: {  	_ =	swait.ge [sflag:s10], $0x4000  }
0x72: {  	s23 =	simm.s32 $0x800;
	s22 =	simm.s32 $0x100;
	[sflag:s10] =	ssyncset.done $0x0  }
.LBB2_4:
0x73: {  	s24 =	sadd.s32 $0x80, s22  }
0x74: {  	[sflag:s10] =	ssyncadd.s32 $0xFFFFC000;
	s25 =	smov.u32 s23;
	s26 =	sadd.s32 $0x400, s23  }
0x75: {  	[tilespmem:s14], [sflag:$0x2] =	stream.indirect.gather [hbm4b:s4+s12], $0x80, s24, s12, $0xb8;
	[tilespmem:$0x1E800] =	vst v63  }
0x76: {  	p0 =	sne.s32 s23, $0x4800;
	_ =	swait.ge [sflag:s15], $0x4000  }
0x77: {  	[sflag:s15] =	ssyncset.done $0x0  }
0x78: {  	s23 =	sadd.s32 $0x1400, s22;
	[sflag:s15] =	ssyncadd.s32 $0xFFFFC000  }
0x79: {  	[spmem:s2] =	stream.indirect.scatter.add.f32 [tilespmem:s13], [sflag:$0x3], $0x80, s23, s12, $0xb8;
	[tilespmem:$0x1E800] =	vst v63  }
0x7a: {  	_ =	swait.ge [sflag:s10], $0x4000  }
0x7b: {  	[sflag:s10] =	ssyncset.done $0x0  }
0x7c: {  	s23 =	sadd.s32 $0x100, s22;
	[sflag:s10] =	ssyncadd.s32 $0xFFFFC000  }
0x7d: {  	[tilespmem:s13], [sflag:$0x1] =	stream.indirect.gather [hbm4b:s4+s12], $0x80, s23, s12, $0xb8;
	[tilespmem:$0x1E800] =	vst v63  }
0x7e: {  	_ =	swait.ge [sflag:s16], $0x4000  }
.Ltmp1:
0x7f: {  	[sflag:s16] =	ssyncset.done $0x0;
	(pc) =	sbr.rel @p0 .LBB2_4-.Ltmp1, $4  }
0x80: {  	s22 =	sadd.s32 $0x1480, s22;
	[sflag:s16] =	ssyncadd.s32 $0xFFFFC000  }
0x81: {  	[spmem:s2] =	stream.indirect.scatter.add.f32 [tilespmem:s14], [sflag:$0x3], $0x80, s22, s12, $0xb8;
	[tilespmem:$0x1E800] =	vst v63  }
0x82: {  	_ =	swait.ge [sflag:s10], $0x4000  }
0x83: {  	s23 =	smov.u32 s26;
	s22 =	sshra.s32 s25, $0x2;
	[sflag:s10] =	ssyncset.done $0x0  }
0x84: {  	s23 =	sadd.s32 $0x80, s22;
	[sflag:s10] =	ssyncadd.s32 $0xFFFFC000  }
0x85: {  	[tilespmem:s14], [sflag:$0x2] =	stream.indirect.gather [hbm4b:s4+s12], $0x80, s23, s12, $0xb8;
	[tilespmem:$0x1E800] =	vst v63  }
0x86: {  	_ =	swait.ge [sflag:s15], $0x4000  }
0x87: {  	[sflag:s15] =	ssyncset.done $0x0  }
0x88: {  	s30 =	sadd.s32 $0x1400, s22;
	[sflag:s15] =	ssyncadd.s32 $0xFFFFC000  }
0x89: {  	[spmem:s2] =	stream.indirect.scatter.add.f32 [tilespmem:s13], [sflag:$0x3], $0x80, s30, s12, $0xb8;
	[tilespmem:$0x1E800] =	vst v63  }
0x8a: {  	_ =	swait.ge [sflag:s10], $0x4000  }
0x8b: {  	[sflag:s10] =	ssyncset.done $0x0  }
0x8c: {  	s31 =	sadd.s32 $0x100, s22;
	[sflag:s10] =	ssyncadd.s32 $0xFFFFC000  }
0x8d: {  	[tilespmem:s13], [sflag:$0x1] =	stream.indirect.gather [hbm4b:s4+s12], $0x80, s31, s12, $0xb8;
	[tilespmem:$0x1E800] =	vst v63  }
0x8e: {  	_ =	swait.ge [sflag:s16], $0x4000  }
0x8f: {  	[sflag:s16] =	ssyncset.done $0x0  }
0x90: {  	s24 =	sadd.s32 $0x1480, s22;
	[sflag:s16] =	ssyncadd.s32 $0xFFFFC000  }
0x91: {  	[spmem:s2] =	stream.indirect.scatter.add.f32 [tilespmem:s14], [sflag:$0x3], $0x80, s24, s12, $0xb8;
	[tilespmem:$0x1E800] =	vst v63  }
0x92: {  	_ =	swait.ge [sflag:s10], $0x4000  }
0x93: {  	[sflag:s10] =	ssyncset.done $0x0  }
0x94: {  	[sflag:s10] =	ssyncadd.s32 $0xFFFFC000  }
0x95: {  	[tilespmem:s14], [sflag:$0x2] =	stream.indirect.gather [hbm4b:s4+s12], $0x80, s17, s12, $0xb8;
	[tilespmem:$0x1E800] =	vst v63  }
0x96: {  	_ =	swait.ge [sflag:s15], $0x4000  }
0x97: {  	[sflag:s15] =	ssyncset.done $0x0  }
0x98: {  	[sflag:s15] =	ssyncadd.s32 $0xFFFFC000  }
0x99: {  	[spmem:s2] =	stream.indirect.scatter.add.f32 [tilespmem:s13], [sflag:$0x3], $0x80, s18, s12, $0xb8;
	[tilespmem:$0x1E800] =	vst v63  }
0x9a: {  	_ =	swait.ge [sflag:s10], $0x4000  }
0x9b: {  	[sflag:s10] =	ssyncset.done $0x0  }
0x9c: {  	[sflag:s10] =	ssyncadd.s32 $0xFFFFC000  }
0x9d: {  	[tilespmem:s13], [sflag:$0x1] =	stream.indirect.gather [hbm4b:s4+s12], $0x80, s17, s12, $0xb8;
	[tilespmem:$0x1E800] =	vst v63  }
0x9e: {  	_ =	swait.ge [sflag:s16], $0x4000  }
0x9f: {  	[sflag:s16] =	ssyncset.done $0x0  }
0xa0: {  	[sflag:s16] =	ssyncadd.s32 $0xFFFFC000  }
0xa1: {  	[spmem:s2] =	stream.indirect.scatter.add.f32 [tilespmem:s14], [sflag:$0x3], $0x80, s19, s12, $0xb8;
	[tilespmem:$0x1E800] =	vst v63  }
0xa2: {  	_ =	swait.ge [sflag:s10], $0x4000  }
0xa3: {  	[sflag:s10] =	ssyncset.done $0x0  }
0xa4: {  	[sflag:s10] =	ssyncadd.s32 $0xFFFFC000  }
0xa5: {  	_ =	swait.ge [sflag:s15], $0x4000  }
0xa6: {  	[sflag:s15] =	ssyncset.done $0x0  }
0xa7: {  	s25 =	simm.s32 $0x0;
	[sflag:s15] =	ssyncadd.s32 $0xFFFFC000  }
0xa8: {  	[tilespmem:s25], [sflag:$0x3] =	stream.linear.gather [hbm4b:s20+s25], $0x1400, $0x38;
	[tilespmem:$0x1E800] =	vst v63  }
0xa9: {  	_ =	swait.ge [sflag:s10], $0x1400  }
0xaa: {  	[sflag:s10] =	ssyncset.done $0x0  }
0xab: {  	s26 =	sadd.s32 $0x280, s7;
	[sflag:s10] =	ssyncadd.s32 $0xFFFFEC00  }
0xac: {  	[tilespmem:s11], [sflag:$0x3] =	stream.linear.gather [hbm4b:s26+s25], $0x1400, $0x38;
	[tilespmem:$0x1E800] =	vst v63  }
0xad: {  	_ =	swait.ge [sflag:s10], $0x1400  }
0xae: {  	[sflag:s10] =	ssyncset.done $0x0  }
0xaf: {  	[sflag:s10] =	ssyncadd.s32 $0xFFFFEC00  }
0xb0: {  	[tilespmem:s13], [sflag:$0x1] =	stream.indirect.gather [hbm4b:s4+s12], $0x80, s25, s12, $0xb8;
	[tilespmem:$0x1E800] =	vst v63  }
0xb1: {  	s28 =	simm.s32 $0x80  }
0xb2: {  	[tilespmem:s14], [sflag:$0x2] =	stream.indirect.gather [hbm4b:s4+s12], $0x80, s28, s12, $0xb8;
	[tilespmem:$0x1E800] =	vst v63  }
0xb3: {  	_ =	swait.ge [sflag:s15], $0x4000  }
0xb4: {  	[sflag:s15] =	ssyncset.done $0x0  }
0xb5: {  	s29 =	simm.s32 $0x1400;
	[sflag:s15] =	ssyncadd.s32 $0xFFFFC000  }
0xb6: {  	[spmem:s2] =	stream.indirect.scatter.add.f32 [tilespmem:s13], [sflag:$0x3], $0x80, s29, s12, $0xb8;
	[tilespmem:$0x1E800] =	vst v63  }
0xb7: {  	_ =	swait.ge [sflag:s10], $0x4000  }
0xb8: {  	[sflag:s10] =	ssyncset.done $0x0  }
0xb9: {  	s30 =	simm.s32 $0x100;
	[sflag:s10] =	ssyncadd.s32 $0xFFFFC000  }
0xba: {  	[tilespmem:s13], [sflag:$0x1] =	stream.indirect.gather [hbm4b:s4+s12], $0x80, s30, s12, $0xb8;
	[tilespmem:$0x1E800] =	vst v63  }
0xbb: {  	_ =	swait.ge [sflag:s16], $0x4000  }
0xbc: {  	[sflag:s16] =	ssyncset.done $0x0  }
0xbd: {  	s31 =	simm.s32 $0x1480;
	[sflag:s16] =	ssyncadd.s32 $0xFFFFC000  }
0xbe: {  	[spmem:s2] =	stream.indirect.scatter.add.f32 [tilespmem:s14], [sflag:$0x3], $0x80, s31, s12, $0xb8;
	[tilespmem:$0x1E800] =	vst v63  }
0xbf: {  	_ =	swait.ge [sflag:s10], $0x4000  }
0xc0: {  	s22 =	simm.s32 $0x100;
	s23 =	simm.s32 $0x800;
	[sflag:s10] =	ssyncset.done $0x0  }
.LBB2_6:
0xc1: {  	s24 =	sadd.s32 $0x80, s22  }
0xc2: {  	[sflag:s10] =	ssyncadd.s32 $0xFFFFC000;
	s25 =	smov.u32 s23;
	s26 =	sadd.s32 $0x400, s23  }
0xc3: {  	[tilespmem:s14], [sflag:$0x2] =	stream.indirect.gather [hbm4b:s4+s12], $0x80, s24, s12, $0xb8;
	[tilespmem:$0x1E800] =	vst v63  }
0xc4: {  	p0 =	sne.s32 s23, $0x4800;
	_ =	swait.ge [sflag:s15], $0x4000  }
0xc5: {  	[sflag:s15] =	ssyncset.done $0x0  }
0xc6: {  	s23 =	sadd.s32 $0x1400, s22;
	[sflag:s15] =	ssyncadd.s32 $0xFFFFC000  }
0xc7: {  	[spmem:s2] =	stream.indirect.scatter.add.f32 [tilespmem:s13], [sflag:$0x3], $0x80, s23, s12, $0xb8;
	[tilespmem:$0x1E800] =	vst v63  }
0xc8: {  	_ =	swait.ge [sflag:s10], $0x4000  }
0xc9: {  	[sflag:s10] =	ssyncset.done $0x0  }
0xca: {  	s23 =	sadd.s32 $0x100, s22;
	[sflag:s10] =	ssyncadd.s32 $0xFFFFC000  }
0xcb: {  	[tilespmem:s13], [sflag:$0x1] =	stream.indirect.gather [hbm4b:s4+s12], $0x80, s23, s12, $0xb8;
	[tilespmem:$0x1E800] =	vst v63  }
0xcc: {  	_ =	swait.ge [sflag:s16], $0x4000  }
.Ltmp2:
0xcd: {  	[sflag:s16] =	ssyncset.done $0x0;
	(pc) =	sbr.rel @p0 .LBB2_6-.Ltmp2, $4  }
0xce: {  	s22 =	sadd.s32 $0x1480, s22;
	[sflag:s16] =	ssyncadd.s32 $0xFFFFC000  }
0xcf: {  	[spmem:s2] =	stream.indirect.scatter.add.f32 [tilespmem:s14], [sflag:$0x3], $0x80, s22, s12, $0xb8;
	[tilespmem:$0x1E800] =	vst v63  }
0xd0: {  	_ =	swait.ge [sflag:s10], $0x4000  }
0xd1: {  	s23 =	smov.u32 s26;
	s22 =	sshra.s32 s25, $0x2;
	[sflag:s10] =	ssyncset.done $0x0  }
0xd2: {  	s23 =	sadd.s32 $0x80, s22;
	[sflag:s10] =	ssyncadd.s32 $0xFFFFC000  }
0xd3: {  	[tilespmem:s14], [sflag:$0x2] =	stream.indirect.gather [hbm4b:s4+s12], $0x80, s23, s12, $0xb8;
	[tilespmem:$0x1E800] =	vst v63  }
0xd4: {  	_ =	swait.ge [sflag:s15], $0x4000  }
0xd5: {  	[sflag:s15] =	ssyncset.done $0x0  }
0xd6: {  	s26 =	sadd.s32 $0x1400, s22;
	[sflag:s15] =	ssyncadd.s32 $0xFFFFC000  }
0xd7: {  	[spmem:s2] =	stream.indirect.scatter.add.f32 [tilespmem:s13], [sflag:$0x3], $0x80, s26, s12, $0xb8;
	[tilespmem:$0x1E800] =	vst v63  }
0xd8: {  	_ =	swait.ge [sflag:s10], $0x4000  }
0xd9: {  	[sflag:s10] =	ssyncset.done $0x0  }
0xda: {  	s28 =	sadd.s32 $0x100, s22;
	[sflag:s10] =	ssyncadd.s32 $0xFFFFC000  }
0xdb: {  	[tilespmem:s13], [sflag:$0x1] =	stream.indirect.gather [hbm4b:s4+s12], $0x80, s28, s12, $0xb8;
	[tilespmem:$0x1E800] =	vst v63  }
0xdc: {  	_ =	swait.ge [sflag:s16], $0x4000  }
0xdd: {  	[sflag:s16] =	ssyncset.done $0x0  }
0xde: {  	s29 =	sadd.s32 $0x1480, s22;
	[sflag:s16] =	ssyncadd.s32 $0xFFFFC000  }
0xdf: {  	[spmem:s2] =	stream.indirect.scatter.add.f32 [tilespmem:s14], [sflag:$0x3], $0x80, s29, s12, $0xb8;
	[tilespmem:$0x1E800] =	vst v63  }
0xe0: {  	_ =	swait.ge [sflag:s10], $0x4000  }
0xe1: {  	[sflag:s10] =	ssyncset.done $0x0  }
0xe2: {  	[sflag:s10] =	ssyncadd.s32 $0xFFFFC000  }
0xe3: {  	[tilespmem:s14], [sflag:$0x2] =	stream.indirect.gather [hbm4b:s4+s12], $0x80, s17, s12, $0xb8;
	[tilespmem:$0x1E800] =	vst v63  }
0xe4: {  	_ =	swait.ge [sflag:s15], $0x4000  }
0xe5: {  	[sflag:s15] =	ssyncset.done $0x0  }
0xe6: {  	[sflag:s15] =	ssyncadd.s32 $0xFFFFC000  }
0xe7: {  	[spmem:s2] =	stream.indirect.scatter.add.f32 [tilespmem:s13], [sflag:$0x3], $0x80, s18, s12, $0xb8;
	[tilespmem:$0x1E800] =	vst v63  }
0xe8: {  	_ =	swait.ge [sflag:s10], $0x4000  }
0xe9: {  	[sflag:s10] =	ssyncset.done $0x0  }
0xea: {  	[sflag:s10] =	ssyncadd.s32 $0xFFFFC000  }
0xeb: {  	[tilespmem:s13], [sflag:$0x1] =	stream.indirect.gather [hbm4b:s4+s12], $0x80, s17, s12, $0xb8;
	[tilespmem:$0x1E800] =	vst v63  }
0xec: {  	_ =	swait.ge [sflag:s16], $0x4000  }
0xed: {  	[sflag:s16] =	ssyncset.done $0x0  }
0xee: {  	[sflag:s16] =	ssyncadd.s32 $0xFFFFC000  }
0xef: {  	[spmem:s2] =	stream.indirect.scatter.add.f32 [tilespmem:s14], [sflag:$0x3], $0x80, s19, s12, $0xb8;
	[tilespmem:$0x1E800] =	vst v63  }
0xf0: {  	_ =	swait.ge [sflag:s10], $0x4000  }
0xf1: {  	[sflag:s10] =	ssyncset.done $0x0  }
0xf2: {  	[sflag:s10] =	ssyncadd.s32 $0xFFFFC000  }
0xf3: {  	_ =	swait.ge [sflag:s15], $0x4000  }
0xf4: {  	s30 =	sshll.u32 s1, $0x6;
	s3 =	sadd.s32 $0x1, s3;
	[sflag:s15] =	ssyncset.done $0x0  }
0xf5: {  	s31 =	sshrl.u32 s5, $0x3;
	p0 =	sne.s32 s3, s8;
	[sflag:s15] =	ssyncadd.s32 $0xFFFFC000  }
.Ltmp3:
0xf6: {  	s22 =	sor.u32 $0x1C03, s30;
	[bflag:$0x0] =	sbarrier.arrive $0xFFFF;
	(pc) =	sbr.rel @p0 .LBB2_1-.Ltmp3, $4  }
0xf7: {  	[hbm:s21], [sflag:s22] =	dma.local [spmem:s31], $0x2780  }
0xf8: {  	_ =	swait.ge [sflag:s10], $0x2780  }
0xf9: {  	[sflag:s10] =	ssyncset.done $0x0  }
0xfa: {  	[sflag:s10] =	ssyncadd.s32 $0xFFFFD880  }
0xfb: {  	_ =	sfence.sel $0x180000  }
0xfc: {  	[bflag:$0x0] =	sbarrier.arrive $0xFFFF  }
0xfd: {  	p0 =	sne.s32 s1, $0x0;
	_ =	strace $0x9000004A  }
0xfe: {  	s0 =	sadd.s32 @!p0 $0x100000, s0;
	[bflag:$0x2] =	sbarrier.arrive $0xFFFF  }
0xff: {  	[sflag:s0] =	ssyncadd.tile.s32 @!p0 $0x1;
	_ =	shalt  }
.Lfunc_end2:
_tile_overlayer_lowered:
.L_overlay_start_2:
0x100: {  	(tag) =	ssettag $0x2  }
0x101: {  	s0 =	rddreg [dreg:$0x0];
	s2 =	stileid.u32  }
0x102: {  	s1 =	rddreg [dreg:$0x1];
	p0 =	sne.s32 s2, $0x0  }
0x103: {  	s3 =	rddreg [dreg:$0x2];
	[bflag:$0x3] =	sbarrier.arrive $0xFFFF;
	s2 =	simm.s32 @!p0 $0x1C03  }
0x104: {  	[timem:s3], [sflag:s2] =	dma.local @!p0 [hbm:s0], s1  }
0x105: {  	s0 =	simm.s32 @!p0 $0x3  }
0x106: {  	_ =	swait.ge @!p0 [sflag:s0], s1  }
0x107: {  	s1 =	ssub.s32 @!p0 $0x0, s1;
	[sflag:s0] =	ssyncset.done @!p0 $0x0  }
0x108: {  	[sflag:s0] =	ssyncadd.s32 @!p0 s1  }
0x109: {  	[bflag:$0x3] =	sbarrier.arrive $0xFFFF  }
0x10a: {  	_ =	shalt  }

// kernel: kernel.14.cloned.1.call-start
scs
__scs_entry_jumppad:
0x0: {  	(pc) =	sbr.rel $0x88, $3  }
0x1: {  	(tag) =	ssettag $0x0;
	lr =	simm.s32 $0x1  }
0x2: {  	[smem:$0x3F9B] =	sst lr;
	_ =	strace $0xD0000000  }
0x3: {  	_ = 	snop  }
0x4: {  	_ = 	snop  }
0x5: {  	_ = 	snop  }
0x6: {  	_ = 	snop  }
0x7: {  	_ = 	snop  }
__scs_overlays_trampoline_lowered:
0x8: {  	[smem:$0x3FAA] =	sst s0  }
0x9: {  	[smem:$0x3FAB] =	sst s1  }
0xa: {  	[smem:$0x3FAC] =	sst s2  }
0xb: {  	[smem:$0x3FAD] =	sst s3  }
0xc: {  	[smem:$0x3FAE] =	sst s4  }
0xd: {  	[smem:$0x3FAF] =	sst s5  }
0xe: {  	[smem:$0x3FB0] =	sst s6  }
0xf: {  	[smem:$0x3FB1] =	sst s7  }
0x10: {  	[smem:$0x3FB2] =	sst s8  }
0x11: {  	[smem:$0x3FB3] =	sst s9;
	s0 =	simm.s32 @!p0 $0x0  }
0x12: {  	s1 =	sld [smem:$0x3F99];
	s0 =	simm.s32 @p0 $0x1  }
0x13: {  	[smem:$0x3FB4] =	sst s0;
	s0 =	simm.s32 @!p1 $0x0  }
0x14: {  	s2 =	sld [smem:$0x3F98];
	s0 =	simm.s32 @p1 $0x1  }
0x15: {  	[smem:$0x3FB5] =	sst s0;
	s0 =	simm.s32 @!p2 $0x0  }
0x16: {  	s3 =	sld [smem:$0x3FDB];
	s0 =	simm.s32 @p2 $0x1  }
0x17: {  	s4 =	simm.s32 $0x1BF5;
	[smem:$0x3FB7] =	sst s0  }
0x18: {  	s0 =	sld [smem:$0x3F9A];
	_ =	swait.ge [sflag:s4], $0x0  }
0x19: {  	s7 =	sld [smem:$0x3F9B]  }
0x1a: {  	s8 =	sadd.s32 $0xFFFFE003, lr  }
0x1b: {  	s9 =	sadd.s32 $0xFFFFFEF7, lr;
	s5 =	simm.s32 $0xFFFFFFFF;
	p2 =	slt.u32 s8, $0xFFFFF086  }
0x1c: {  	p1 =	slt.u32 s9, $0xF7A;
	s5 =	simm.s32 @!p2 $0x0  }
0x1d: {  	s5 =	simm.s32 @p1 $0x1;
	p0 =	seq.s32 s7, s2  }
0x1e: {  	s7 =	smul.u32 @!p0 $0xF7A, s2;
	p2 =	seq.s32 @!p0 s5, $0x0  }
0x1f: {  	s9 =	smul.u32 $0xF7A, s1;
	s8 =	simm.s32 @!p0 $0x1BF5;
	p2 =	por !p2, p0  }
0x20: {  	[sflag:s8] =	ssyncset.s32 @!p0 $0xFFFFF086;
	s6 =	sadd.s32 @!p0 s3, s7;
	s7 =	simm.s32 @!p0 $0x108  }
0x21: {  	s3 =	sadd.s32 s3, s9;
	s6 =	sadd.s32 @!p0 $0x88, s6;
	s7 =	simm.s32 @p2 $0x1082  }
0x22: {  	[simem:s7], [sflag:s8] =	dma.local @!p0 [hbm:s6], $0xF7A  }
0x23: {  	s9 =	sor.u32 $0xD0000000, s2;
	s6 =	simm.s32 $0x108;
	_ =	swait.ge @!p0 [sflag:s8], $0x0  }
0x24: {  	s3 =	sadd.s32 $0x88, s3;
	s6 =	simm.s32 @!p1 $0x1082;
	[sflag:s4] =	ssyncset.s32 $0xFFFFF086  }
0x25: {  	[simem:s6], [sflag:s4] =	dma.local [hbm:s3], $0xF7A  }
0x26: {  	[smem:$0x3F9B] =	sst s1;
	(tag) =	ssettag s2;
	_ =	strace s9  }
0x27: {  	s1 =	sld [smem:$0x3FAB]  }
0x28: {  	s2 =	sld [smem:$0x3FAC]  }
0x29: {  	s4 =	sld [smem:$0x3FAE]  }
0x2a: {  	p0 =	seq.s32 s5, $0x0;
	s5 =	sld [smem:$0x3FAF]  }
0x2b: {  	s6 =	sld [smem:$0x3FB0]  }
0x2c: {  	s7 =	sld [smem:$0x3FB1]  }
0x2d: {  	s3 =	simm.s32 $0x108;
	s8 =	sld [smem:$0x3FB2]  }
0x2e: {  	s3 =	simm.s32 @!p0 $0x1082;
	s9 =	sld [smem:$0x3FB3]  }
0x2f: {  	lr =	sadd.s32 s0, s3;
	s0 =	sld [smem:$0x3FAA]  }
0x30: {  	s3 =	sld [smem:$0x3FAD]  }
0x31: {  	[smem:$0x3FB6] =	sst s10  }
0x32: {  	s10 =	sld [smem:$0x3FB4];
	_ =	sdelay $0x3  }
0x33: {  	p0 =	seq.s32 s10, $0x1;
	s10 =	sld [smem:$0x3FB6];
	_ =	sdelay $0x3  }
0x34: {  	[smem:$0x3FB6] =	sst s10  }
0x35: {  	s10 =	sld [smem:$0x3FB5];
	_ =	sdelay $0x3  }
0x36: {  	p1 =	seq.s32 s10, $0x1;
	s10 =	sld [smem:$0x3FB6];
	_ =	sdelay $0x3  }
0x37: {  	[smem:$0x3FB6] =	sst s10  }
0x38: {  	s10 =	sld [smem:$0x3FB7]  }
0x39: {  	_ = 	snop;
	(pc) =	sbr.ind lr, $3  }
0x3a: {  	_ = 	snop  }
0x3b: {  	_ = 	snop  }
0x3c: {  	p2 =	seq.s32 s10, $0x1;
	s10 =	sld [smem:$0x3FB6]  }
0x3d: {  	_ =	shalt  }
0x3e: {  	_ =	shalt  }
0x3f: {  	_ =	shalt  }
0x40: {  	_ =	shalt  }
0x41: {  	_ =	shalt  }
0x42: {  	_ =	shalt  }
0x43: {  	_ =	shalt  }
0x44: {  	_ =	shalt  }
0x45: {  	_ =	shalt  }
0x46: {  	_ =	shalt  }
0x47: {  	_ =	shalt  }
0x48: {  	_ =	shalt  }
0x49: {  	_ =	shalt  }
0x4a: {  	_ =	shalt  }
0x4b: {  	_ =	shalt  }
0x4c: {  	_ =	shalt  }
0x4d: {  	_ =	shalt  }
0x4e: {  	_ =	shalt  }
0x4f: {  	_ =	shalt  }
0x50: {  	_ =	shalt  }
0x51: {  	_ =	shalt  }
0x52: {  	_ =	shalt  }
0x53: {  	_ =	shalt  }
0x54: {  	_ =	shalt  }
0x55: {  	_ =	shalt  }
0x56: {  	_ =	shalt  }
0x57: {  	_ =	shalt  }
0x58: {  	_ =	shalt  }
0x59: {  	_ =	shalt  }
0x5a: {  	_ =	shalt  }
0x5b: {  	_ =	shalt  }
0x5c: {  	_ =	shalt  }
0x5d: {  	_ =	shalt  }
0x5e: {  	_ =	shalt  }
0x5f: {  	_ =	shalt  }
0x60: {  	_ =	shalt  }
0x61: {  	_ =	shalt  }
0x62: {  	_ =	shalt  }
0x63: {  	_ =	shalt  }
0x64: {  	_ =	shalt  }
0x65: {  	_ =	shalt  }
0x66: {  	_ =	shalt  }
0x67: {  	_ =	shalt  }
0x68: {  	_ =	shalt  }
0x69: {  	_ =	shalt  }
0x6a: {  	_ =	shalt  }
0x6b: {  	_ =	shalt  }
0x6c: {  	_ =	shalt  }
0x6d: {  	_ =	shalt  }
0x6e: {  	_ =	shalt  }
0x6f: {  	_ =	shalt  }
0x70: {  	_ =	shalt  }
0x71: {  	_ =	shalt  }
0x72: {  	_ =	shalt  }
0x73: {  	_ =	shalt  }
0x74: {  	_ =	shalt  }
0x75: {  	_ =	shalt  }
0x76: {  	_ =	shalt  }
0x77: {  	_ =	shalt  }
0x78: {  	_ =	shalt  }
0x79: {  	_ =	shalt  }
0x7a: {  	_ =	shalt  }
0x7b: {  	_ =	shalt  }
0x7c: {  	_ =	shalt  }
0x7d: {  	_ =	shalt  }
0x7e: {  	_ =	shalt  }
0x7f: {  	_ =	shalt  }
0x80: {  	_ =	shalt  }
0x81: {  	_ =	shalt  }
0x82: {  	_ =	shalt  }
0x83: {  	_ =	shalt  }
0x84: {  	_ =	shalt  }
0x85: {  	_ =	shalt  }
0x86: {  	_ =	shalt  }
0x87: {  	_ =	shalt  }
.Lfunc_end0:
.L_simem_size_0:
called_computation.2_lowered:
.L_overlay_start_0:
0x88: {  	s2 =	sld [smem:$0x3FD9]  }
0x89: {  	s3 =	sld [smem:$0x3FFE];
	_ =	sdelay $0x1  }
0x8a: {  	s1 =	srdreg.scid  }
0x8b: {  	s0 =	sand.u32 $0x1, s1  }
0x8c: {  	s17 =	sshll.u32 s0, $0xA;
	s2 =	sadd.s32 s3, s2  }
0x8d: {  	s2 =	sadd.s32 s2, s17  }
0x8e: {  	[smem:$0x3FC2] =	sst s2  }
0x8f: {  	_ = 	snop  }
0x90: {  	s2 =	sld [smem:$0x3FD0];
	(tm) =	ssettm $0x1  }
0x91: {  	s18 =	sld [smem:$0x3FFB];
	_ =	sdelay $0x3  }
0x92: {  	_ =	strace s18  }
0x93: {  	s3 =	sld [smem:$0x3FFC];
	_ =	sdelay $0x3  }
0x94: {  	_ =	strace s3  }
0x95: {  	s3 =	sld [smem:$0x3FFD];
	_ =	sdelay $0x3  }
0x96: {  	_ =	strace s3  }
0x97: {  	_ =	strace $0x8FFFFFFF  }
0x98: {  	s19 =	sld [smem:$0x3FDB];
	_ =	sdelay $0x1  }
0x99: {  	s4 =	simm.s32 $_scs_section_size  }
0x9a: {  	s5 =	simm.s32 $_size__tile_overlayer_lowered;
	s6 =	simm.s32 $_tile_overlayer_lowered  }
0x9b: {  	s22 =	simm.s32 $0x1BFF;
	s21 =	sshll.u32 s6, $0x1;
	s3 =	sadd.s32 s4, s19  }
0x9c: {  	s7 =	simm.s32 $0x0;
	s20 =	sshll.u32 s5, $0x1;
	s5 =	sadd.s32 s21, s3  }
0x9d: {  	[timem:s7], [sflag:s22] =	dma.local [hbm:s5], s20  }
0x9e: {  	_ =	swait.ge [sflag:s22], s20  }
0x9f: {  	s4 =	ssub.s32 $0x0, s20;
	[sflag:s22] =	ssyncset.done $0x0  }
0xa0: {  	[sflag:s22] =	ssyncadd.s32 s4;
	_ =	sdelay $0x1  }
0xa1: {  	s23 =	simm.s32 $0x1B8B  }
0xa2: {  	_ =	swait.ge [sflag:s23], $0x1  }
0xa3: {  	[sflag:s23] =	ssyncset.done $0x0  }
0xa4: {  	s25 =	simm.s32 $0x1B8E;
	s24 =	sld [smem:$0x3FFE];
	[sflag:s23] =	ssyncadd.s32 $0xFFFFFFFF  }
0xa5: {  	s26 =	simm.s32 $execute0_lowered;
	[smem:$0x3FD2] =	sst s25  }
0xa6: {  	s5 =	sshll.u32 s26, $0x1;
	_ =	strace $0x8000004C;
	[dreg:$0x1] =	wrdreg $0xFFFFFFFF  }
0xa7: {  	s28 =	simm.s32 $_size_execute0_lowered;
	s3 =	sadd.s32 s3, s5;
	[dreg:$0x0] =	wrdreg $0x0  }
0xa8: {  	s5 =	sshll.u32 s28, $0x1;
	[dreg:$0x2] =	wrdreg s3  }
0xa9: {  	[dreg:$0x3] =	wrdreg s5  }
0xaa: {  	[dreg:$0x4] =	wrdreg $0xC0  }
0xab: {  	_ =	task [dreg:s7], $0x5FFFF  }
0xac: {  	[dreg:$0x1] =	wrdreg $0xFFFFFFFF  }
0xad: {  	[dreg:$0x0] =	wrdreg $0x60  }
0xae: {  	[dreg:$0x2] =	wrdreg s2  }
0xaf: {  	[dreg:$0x3] =	wrdreg s24  }
0xb0: {  	[dreg:$0x4] =	wrdreg $0xAC000  }
0xb1: {  	[dreg:$0x5] =	wrdreg $0x9  }
0xb2: {  	_ =	task.clear_ibuf [dreg:s7], $0x6FFFF;
	_ =	strace $0x9000004C  }
0xb3: {  	s29 =	simm.s32 $0x9;
	_ =	strace $0x8000004E  }
0xb4: {  	_ =	swait.ge [sflag:s29], $0x1  }
0xb5: {  	[sflag:s29] =	ssyncadd.s32 $0xFFFFFFFF  }
0xb6: {  	_ =	strace $0x9000004E  }
0xb7: {  	_ =	sfence  }
0xb8: {  	s30 =	sld [smem:$0x0];
	_ =	sdelay $0x2  }
0xb9: {  	s31 =	sshll.u32 s1, $0xD;
	s1 =	sshrl.u32 s1, $0x2  }
0xba: {  	s3 =	sand.u32 $0x4000, s31;
	s1 =	sadd.s32 s1, s30  }
0xbb: {  	s0 =	sor.u32 s3, s0;
	s1 =	sshll.u32 s1, $0x11  }
0xbc: {  	s0 =	sor.u32 s1, s0  }
0xbd: {  	s0 =	sadd.s32 $0x8F2B, s0  }
0xbe: {  	[sflag:s0] =	ssyncadd.remote.s32 $0x1  }
0xbf: {  	_ =	sfence.sel $0xFFFF  }
0xc0: {  	[dreg:$0x0] =	wrdreg $0xFFFFFFFF;
	(pc) =	sbr.abs _section_cstart, $3  }
0xc1: {  	[dreg:$0x1] =	wrdreg $0xFFFFFFFF  }
0xc2: {  	_ =	task.clear_ibuf [dreg:s7], $0x2FFFF;
	_ =	strace $0x9FFFFFFF  }
0xc3: {  	(tm) =	ssettm $0x7FFFFFFF  }
tec
execute0_lowered:
.L_overlay_start_1:
0x0: {  	(tag) =	ssettag $0x1  }
0x1: {  	s6 =	rddreg [dreg:$0x0]  }
0x2: {  	s0 =	srdreg.scid;
	s5 =	rddreg [dreg:$0x1]  }
0x3: {  	s2 =	rddreg [dreg:$0x2];
	s1 =	stileid.u32  }
0x4: {  	s3 =	simm.s32 $0x0;
	s13 =	simm.s32 $0x2800;
	s14 =	simm.s32 $0x6800  }
0x5: {  	s15 =	simm.s32 $0x1;
	s16 =	simm.s32 $0x2;
	s17 =	simm.s32 $0x1380  }
0x6: {  	s18 =	simm.s32 $0x2700;
	s4 =	sand.u32 $0x1, s0;
	s0 =	rddreg [dreg:$0x3]  }
0x7: {  	s19 =	simm.s32 $0x2780;
	[smem:$0x7FF] =	sst s3;
	s8 =	smul.u32 $0x4F000, s1  }
0x8: {  	s22 =	smul.u32 $0x2780, s1;
	s7 =	sshll.u32 s4, $0x4;
	_ =	strace $0x8000004D  }
0x9: {  	s10 =	smul.u32 $0x27800, s4;
	s11 =	ssub.s32 $0x2, s4;
	s4 =	sadd.s32 $0xC200, s5  }
0xa: {  	s7 =	sor.u32 s1, s7;
	s12 =	sshrl.u32 s11, $0x1;
	s8 =	sshrl.u32 s8, $0x2  }
0xb: {  	s7 =	smul.u32 $0x500, s7;
	s10 =	sadd.s32 s10, s5;
	s11 =	ssub.s32 s11, s12  }
0xc: {  	s12 =	simm.s32 $0x80;
	s21 =	sadd.s32 $0x33A00, s10;
	s10 =	simm.s32 $0x3  }
0xd: {  	s9 =	sadd.s32 s7, s5;
	s5 =	sadd.s32 s8, s2;
	s6 =	sadd.s32 s6, s7  }
0xe: {  	s8 =	smax.u32 s11, $0x1;
	s11 =	simm.s32 $0x1400;
	s21 =	sadd.s32 s22, s21  }
0xf: {  	v0 =	vimm.f32 $0.0e+00;
	s7 =	sadd.s32 $0x2200, s9;
	s9 =	simm.s32 $0xA800;
	s20 =	sadd.s32 $0x280, s6  }
.LBB2_1:
0x10: {  	[tilespmem:$0xA800] =	vst v0  }
0x11: {  	[tilespmem:$0xA810] =	vst v0  }
0x12: {  	[tilespmem:$0xA820] =	vst v0  }
0x13: {  	[tilespmem:$0xA830] =	vst v0  }
0x14: {  	[tilespmem:$0xA840] =	vst v0  }
0x15: {  	[tilespmem:$0xA850] =	vst v0  }
0x16: {  	[tilespmem:$0xA860] =	vst v0  }
0x17: {  	[tilespmem:$0xA870] =	vst v0  }
0x18: {  	[tilespmem:$0xA880] =	vst v0  }
0x19: {  	[tilespmem:$0xA890] =	vst v0  }
0x1a: {  	[tilespmem:$0xA8A0] =	vst v0  }
0x1b: {  	[tilespmem:$0xA8B0] =	vst v0  }
0x1c: {  	[tilespmem:$0xA8C0] =	vst v0  }
0x1d: {  	[tilespmem:$0xA8D0] =	vst v0  }
0x1e: {  	[tilespmem:$0xA8E0] =	vst v0  }
0x1f: {  	[tilespmem:$0xA8F0] =	vst v0  }
0x20: {  	[tilespmem:$0xA900] =	vst v0  }
0x21: {  	[tilespmem:$0xA910] =	vst v0  }
0x22: {  	[tilespmem:$0xA920] =	vst v0  }
0x23: {  	[tilespmem:$0xA930] =	vst v0  }
0x24: {  	[tilespmem:$0xA940] =	vst v0  }
0x25: {  	[tilespmem:$0xA950] =	vst v0  }
0x26: {  	[tilespmem:$0xA960] =	vst v0  }
0x27: {  	[tilespmem:$0xA970] =	vst v0  }
0x28: {  	[tilespmem:$0xA980] =	vst v0  }
0x29: {  	[tilespmem:$0xA990] =	vst v0  }
0x2a: {  	[tilespmem:$0xA9A0] =	vst v0  }
0x2b: {  	[tilespmem:$0xA9B0] =	vst v0  }
0x2c: {  	[tilespmem:$0xA9C0] =	vst v0  }
0x2d: {  	[tilespmem:$0xA9D0] =	vst v0  }
0x2e: {  	[tilespmem:$0xA9E0] =	vst v0  }
0x2f: {  	[tilespmem:$0xA9F0] =	vst v0  }
0x30: {  	[tilespmem:$0xAA00] =	vst v0  }
0x31: {  	[tilespmem:$0xAA10] =	vst v0  }
0x32: {  	[tilespmem:$0xAA20] =	vst v0  }
0x33: {  	[tilespmem:$0xAA30] =	vst v0  }
0x34: {  	[tilespmem:$0xAA40] =	vst v0  }
0x35: {  	[tilespmem:$0xAA50] =	vst v0  }
0x36: {  	[tilespmem:$0xAA60] =	vst v0  }
0x37: {  	[tilespmem:$0xAA70] =	vst v0  }
0x38: {  	[tilespmem:$0xAA80] =	vst v0  }
0x39: {  	[tilespmem:$0xAA90] =	vst v0  }
0x3a: {  	[tilespmem:$0xAAA0] =	vst v0  }
0x3b: {  	[tilespmem:$0xAAB0] =	vst v0  }
0x3c: {  	[tilespmem:$0xAAC0] =	vst v0  }
0x3d: {  	[tilespmem:$0xAAD0] =	vst v0  }
0x3e: {  	[tilespmem:$0xAAE0] =	vst v0  }
0x3f: {  	[tilespmem:$0xAAF0] =	vst v0  }
0x40: {  	[tilespmem:$0xAB00] =	vst v0  }
0x41: {  	[tilespmem:$0xAB10] =	vst v0  }
0x42: {  	[tilespmem:$0xAB20] =	vst v0  }
0x43: {  	[tilespmem:$0xAB30] =	vst v0  }
0x44: {  	[tilespmem:$0xAB40] =	vst v0  }
0x45: {  	[tilespmem:$0xAB50] =	vst v0  }
0x46: {  	[tilespmem:$0xAB60] =	vst v0  }
0x47: {  	[tilespmem:$0xAB70] =	vst v0  }
0x48: {  	[tilespmem:$0xAB80] =	vst v0  }
0x49: {  	[tilespmem:$0xAB90] =	vst v0  }
0x4a: {  	[tilespmem:$0xABA0] =	vst v0  }
0x4b: {  	[tilespmem:$0xABB0] =	vst v0  }
0x4c: {  	[tilespmem:$0xABC0] =	vst v0  }
0x4d: {  	[tilespmem:$0xABD0] =	vst v0  }
0x4e: {  	[tilespmem:$0xABE0] =	vst v0  }
0x4f: {  	[tilespmem:$0xABF0] =	vst v0;
	s22 =	sadd.s32 $0x0, s5  }
0x50: {  	[spmem:s22] =	stream.linear.scatter [tilespmem:s9], [sflag:$0x3], $0x400, $0x38;
	[tilespmem:$0x1E800] =	vst v63  }
0x51: {  	s22 =	simm.s32 $0x1000;
	_ =	swait.ge [sflag:s10], $0x400  }
.LBB2_2:
0x52: {  	s23 =	sshra.s32 s22, $0x2;
	[sflag:s10] =	ssyncset.done $0x0;
	p0 =	sne.s32 s22, $0x4E000  }
.Ltmp0:
0x53: {  	s23 =	sadd.s32 s23, s5;
	[sflag:s10] =	ssyncadd.s32 $0xFFFFFC00;
	(pc) =	sbr.rel @p0 .LBB2_2-.Ltmp0, $3  }
0x54: {  	[spmem:s23] =	stream.linear.scatter [tilespmem:s9], [sflag:$0x3], $0x400, $0x38;
	[tilespmem:$0x1E800] =	vst v63  }
0x55: {  	s22 =	sadd.s32 $0x1000, s22;
	_ =	sdelay $0x1  }
0x56: {  	_ =	swait.ge [sflag:s10], $0x400  }
0x57: {  	[sflag:s10] =	ssyncset.done $0x0  }
0x58: {  	[sflag:s10] =	ssyncadd.s32 $0xFFFFFC00  }
0x59: {  	s22 =	simm.s32 $0x0;
	[bflag:$0x0] =	sbarrier.arrive $0xFFFF  }
0x5a: {  	[tilespmem:s22], [sflag:$0x3] =	stream.linear.gather [hbm4b:s6+s22], $0x1400, $0x38;
	[tilespmem:$0x1E800] =	vst v63  }
0x5b: {  	_ =	swait.ge [sflag:s10], $0x1400  }
0x5c: {  	[sflag:s10] =	ssyncset.done $0x0  }
0x5d: {  	[sflag:s10] =	ssyncadd.s32 $0xFFFFEC00  }
0x5e: {  	[tilespmem:s11], [sflag:$0x3] =	stream.linear.gather [hbm4b:s7+s22], $0x1400, $0x38;
	[tilespmem:$0x1E800] =	vst v63  }
0x5f: {  	_ =	swait.ge [sflag:s10], $0x1400  }
0x60: {  	[sflag:s10] =	ssyncset.done $0x0  }
0x61: {  	[sflag:s10] =	ssyncadd.s32 $0xFFFFEC00  }
0x62: {  	[tilespmem:s13], [sflag:$0x1] =	stream.indirect.gather [hbm4b:s4+s12], $0x80, s22, s12, $0xb8;
	[tilespmem:$0x1E800] =	vst v63  }
0x63: {  	s28 =	simm.s32 $0x80  }
0x64: {  	[tilespmem:s14], [sflag:$0x2] =	stream.indirect.gather [hbm4b:s4+s12], $0x80, s28, s12, $0xb8;
	[tilespmem:$0x1E800] =	vst v63  }
0x65: {  	_ =	swait.ge [sflag:s15], $0x4000  }
0x66: {  	[sflag:s15] =	ssyncset.done $0x0  }
0x67: {  	s29 =	simm.s32 $0x1400;
	[sflag:s15] =	ssyncadd.s32 $0xFFFFC000  }
0x68: {  	[spmem:s2] =	stream.indirect.scatter.add.f32 [tilespmem:s13], [sflag:$0x3], $0x80, s29, s12, $0xb8;
	[tilespmem:$0x1E800] =	vst v63  }
0x69: {  	_ =	swait.ge [sflag:s10], $0x4000  }
0x6a: {  	[sflag:s10] =	ssyncset.done $0x0  }
0x6b: {  	s30 =	simm.s32 $0x100;
	[sflag:s10] =	ssyncadd.s32 $0xFFFFC000  }
0x6c: {  	[tilespmem:s13], [sflag:$0x1] =	stream.indirect.gather [hbm4b:s4+s12], $0x80, s30, s12, $0xb8;
	[tilespmem:$0x1E800] =	vst v63  }
0x6d: {  	_ =	swait.ge [sflag:s16], $0x4000  }
0x6e: {  	[sflag:s16] =	ssyncset.done $0x0  }
0x6f: {  	s31 =	simm.s32 $0x1480;
	[sflag:s16] =	ssyncadd.s32 $0xFFFFC000  }
0x70: {  	[spmem:s2] =	stream.indirect.scatter.add.f32 [tilespmem:s14], [sflag:$0x3], $0x80, s31, s12, $0xb8;
	[tilespmem:$0x1E800] =	vst v63  }
0x71: {  	_ =	swait.ge [sflag:s10], $0x4000  }
0x72: {  	s23 =	simm.s32 $0x800;
	s22 =	simm.s32 $0x100;
	[sflag:s10] =	ssyncset.done $0x0  }
.LBB2_4:
0x73: {  	s24 =	sadd.s32 $0x80, s22  }
0x74: {  	[sflag:s10] =	ssyncadd.s32 $0xFFFFC000;
	s25 =	smov.u32 s23;
	s26 =	sadd.s32 $0x400, s23  }
0x75: {  	[tilespmem:s14], [sflag:$0x2] =	stream.indirect.gather [hbm4b:s4+s12], $0x80, s24, s12, $0xb8;
	[tilespmem:$0x1E800] =	vst v63  }
0x76: {  	p0 =	sne.s32 s23, $0x4800;
	_ =	swait.ge [sflag:s15], $0x4000  }
0x77: {  	[sflag:s15] =	ssyncset.done $0x0  }
0x78: {  	s23 =	sadd.s32 $0x1400, s22;
	[sflag:s15] =	ssyncadd.s32 $0xFFFFC000  }
0x79: {  	[spmem:s2] =	stream.indirect.scatter.add.f32 [tilespmem:s13], [sflag:$0x3], $0x80, s23, s12, $0xb8;
	[tilespmem:$0x1E800] =	vst v63  }
0x7a: {  	_ =	swait.ge [sflag:s10], $0x4000  }
0x7b: {  	[sflag:s10] =	ssyncset.done $0x0  }
0x7c: {  	s23 =	sadd.s32 $0x100, s22;
	[sflag:s10] =	ssyncadd.s32 $0xFFFFC000  }
0x7d: {  	[tilespmem:s13], [sflag:$0x1] =	stream.indirect.gather [hbm4b:s4+s12], $0x80, s23, s12, $0xb8;
	[tilespmem:$0x1E800] =	vst v63  }
0x7e: {  	_ =	swait.ge [sflag:s16], $0x4000  }
.Ltmp1:
0x7f: {  	[sflag:s16] =	ssyncset.done $0x0;
	(pc) =	sbr.rel @p0 .LBB2_4-.Ltmp1, $4  }
0x80: {  	s22 =	sadd.s32 $0x1480, s22;
	[sflag:s16] =	ssyncadd.s32 $0xFFFFC000  }
0x81: {  	[spmem:s2] =	stream.indirect.scatter.add.f32 [tilespmem:s14], [sflag:$0x3], $0x80, s22, s12, $0xb8;
	[tilespmem:$0x1E800] =	vst v63  }
0x82: {  	_ =	swait.ge [sflag:s10], $0x4000  }
0x83: {  	s23 =	smov.u32 s26;
	s22 =	sshra.s32 s25, $0x2;
	[sflag:s10] =	ssyncset.done $0x0  }
0x84: {  	s23 =	sadd.s32 $0x80, s22;
	[sflag:s10] =	ssyncadd.s32 $0xFFFFC000  }
0x85: {  	[tilespmem:s14], [sflag:$0x2] =	stream.indirect.gather [hbm4b:s4+s12], $0x80, s23, s12, $0xb8;
	[tilespmem:$0x1E800] =	vst v63  }
0x86: {  	_ =	swait.ge [sflag:s15], $0x4000  }
0x87: {  	[sflag:s15] =	ssyncset.done $0x0  }
0x88: {  	s30 =	sadd.s32 $0x1400, s22;
	[sflag:s15] =	ssyncadd.s32 $0xFFFFC000  }
0x89: {  	[spmem:s2] =	stream.indirect.scatter.add.f32 [tilespmem:s13], [sflag:$0x3], $0x80, s30, s12, $0xb8;
	[tilespmem:$0x1E800] =	vst v63  }
0x8a: {  	_ =	swait.ge [sflag:s10], $0x4000  }
0x8b: {  	[sflag:s10] =	ssyncset.done $0x0  }
0x8c: {  	s31 =	sadd.s32 $0x100, s22;
	[sflag:s10] =	ssyncadd.s32 $0xFFFFC000  }
0x8d: {  	[tilespmem:s13], [sflag:$0x1] =	stream.indirect.gather [hbm4b:s4+s12], $0x80, s31, s12, $0xb8;
	[tilespmem:$0x1E800] =	vst v63  }
0x8e: {  	_ =	swait.ge [sflag:s16], $0x4000  }
0x8f: {  	[sflag:s16] =	ssyncset.done $0x0  }
0x90: {  	s24 =	sadd.s32 $0x1480, s22;
	[sflag:s16] =	ssyncadd.s32 $0xFFFFC000  }
0x91: {  	[spmem:s2] =	stream.indirect.scatter.add.f32 [tilespmem:s14], [sflag:$0x3], $0x80, s24, s12, $0xb8;
	[tilespmem:$0x1E800] =	vst v63  }
0x92: {  	_ =	swait.ge [sflag:s10], $0x4000  }
0x93: {  	[sflag:s10] =	ssyncset.done $0x0  }
0x94: {  	[sflag:s10] =	ssyncadd.s32 $0xFFFFC000  }
0x95: {  	[tilespmem:s14], [sflag:$0x2] =	stream.indirect.gather [hbm4b:s4+s12], $0x80, s17, s12, $0xb8;
	[tilespmem:$0x1E800] =	vst v63  }
0x96: {  	_ =	swait.ge [sflag:s15], $0x4000  }
0x97: {  	[sflag:s15] =	ssyncset.done $0x0  }
0x98: {  	[sflag:s15] =	ssyncadd.s32 $0xFFFFC000  }
0x99: {  	[spmem:s2] =	stream.indirect.scatter.add.f32 [tilespmem:s13], [sflag:$0x3], $0x80, s18, s12, $0xb8;
	[tilespmem:$0x1E800] =	vst v63  }
0x9a: {  	_ =	swait.ge [sflag:s10], $0x4000  }
0x9b: {  	[sflag:s10] =	ssyncset.done $0x0  }
0x9c: {  	[sflag:s10] =	ssyncadd.s32 $0xFFFFC000  }
0x9d: {  	[tilespmem:s13], [sflag:$0x1] =	stream.indirect.gather [hbm4b:s4+s12], $0x80, s17, s12, $0xb8;
	[tilespmem:$0x1E800] =	vst v63  }
0x9e: {  	_ =	swait.ge [sflag:s16], $0x4000  }
0x9f: {  	[sflag:s16] =	ssyncset.done $0x0  }
0xa0: {  	[sflag:s16] =	ssyncadd.s32 $0xFFFFC000  }
0xa1: {  	[spmem:s2] =	stream.indirect.scatter.add.f32 [tilespmem:s14], [sflag:$0x3], $0x80, s19, s12, $0xb8;
	[tilespmem:$0x1E800] =	vst v63  }
0xa2: {  	_ =	swait.ge [sflag:s10], $0x4000  }
0xa3: {  	[sflag:s10] =	ssyncset.done $0x0  }
0xa4: {  	[sflag:s10] =	ssyncadd.s32 $0xFFFFC000  }
0xa5: {  	_ =	swait.ge [sflag:s15], $0x4000  }
0xa6: {  	[sflag:s15] =	ssyncset.done $0x0  }
0xa7: {  	s25 =	simm.s32 $0x0;
	[sflag:s15] =	ssyncadd.s32 $0xFFFFC000  }
0xa8: {  	[tilespmem:s25], [sflag:$0x3] =	stream.linear.gather [hbm4b:s20+s25], $0x1400, $0x38;
	[tilespmem:$0x1E800] =	vst v63  }
0xa9: {  	_ =	swait.ge [sflag:s10], $0x1400  }
0xaa: {  	[sflag:s10] =	ssyncset.done $0x0  }
0xab: {  	s26 =	sadd.s32 $0x280, s7;
	[sflag:s10] =	ssyncadd.s32 $0xFFFFEC00  }
0xac: {  	[tilespmem:s11], [sflag:$0x3] =	stream.linear.gather [hbm4b:s26+s25], $0x1400, $0x38;
	[tilespmem:$0x1E800] =	vst v63  }
0xad: {  	_ =	swait.ge [sflag:s10], $0x1400  }
0xae: {  	[sflag:s10] =	ssyncset.done $0x0  }
0xaf: {  	[sflag:s10] =	ssyncadd.s32 $0xFFFFEC00  }
0xb0: {  	[tilespmem:s13], [sflag:$0x1] =	stream.indirect.gather [hbm4b:s4+s12], $0x80, s25, s12, $0xb8;
	[tilespmem:$0x1E800] =	vst v63  }
0xb1: {  	s28 =	simm.s32 $0x80  }
0xb2: {  	[tilespmem:s14], [sflag:$0x2] =	stream.indirect.gather [hbm4b:s4+s12], $0x80, s28, s12, $0xb8;
	[tilespmem:$0x1E800] =	vst v63  }
0xb3: {  	_ =	swait.ge [sflag:s15], $0x4000  }
0xb4: {  	[sflag:s15] =	ssyncset.done $0x0  }
0xb5: {  	s29 =	simm.s32 $0x1400;
	[sflag:s15] =	ssyncadd.s32 $0xFFFFC000  }
0xb6: {  	[spmem:s2] =	stream.indirect.scatter.add.f32 [tilespmem:s13], [sflag:$0x3], $0x80, s29, s12, $0xb8;
	[tilespmem:$0x1E800] =	vst v63  }
0xb7: {  	_ =	swait.ge [sflag:s10], $0x4000  }
0xb8: {  	[sflag:s10] =	ssyncset.done $0x0  }
0xb9: {  	s30 =	simm.s32 $0x100;
	[sflag:s10] =	ssyncadd.s32 $0xFFFFC000  }
0xba: {  	[tilespmem:s13], [sflag:$0x1] =	stream.indirect.gather [hbm4b:s4+s12], $0x80, s30, s12, $0xb8;
	[tilespmem:$0x1E800] =	vst v63  }
0xbb: {  	_ =	swait.ge [sflag:s16], $0x4000  }
0xbc: {  	[sflag:s16] =	ssyncset.done $0x0  }
0xbd: {  	s31 =	simm.s32 $0x1480;
	[sflag:s16] =	ssyncadd.s32 $0xFFFFC000  }
0xbe: {  	[spmem:s2] =	stream.indirect.scatter.add.f32 [tilespmem:s14], [sflag:$0x3], $0x80, s31, s12, $0xb8;
	[tilespmem:$0x1E800] =	vst v63  }
0xbf: {  	_ =	swait.ge [sflag:s10], $0x4000  }
0xc0: {  	s22 =	simm.s32 $0x100;
	s23 =	simm.s32 $0x800;
	[sflag:s10] =	ssyncset.done $0x0  }
.LBB2_6:
0xc1: {  	s24 =	sadd.s32 $0x80, s22  }
0xc2: {  	[sflag:s10] =	ssyncadd.s32 $0xFFFFC000;
	s25 =	smov.u32 s23;
	s26 =	sadd.s32 $0x400, s23  }
0xc3: {  	[tilespmem:s14], [sflag:$0x2] =	stream.indirect.gather [hbm4b:s4+s12], $0x80, s24, s12, $0xb8;
	[tilespmem:$0x1E800] =	vst v63  }
0xc4: {  	p0 =	sne.s32 s23, $0x4800;
	_ =	swait.ge [sflag:s15], $0x4000  }
0xc5: {  	[sflag:s15] =	ssyncset.done $0x0  }
0xc6: {  	s23 =	sadd.s32 $0x1400, s22;
	[sflag:s15] =	ssyncadd.s32 $0xFFFFC000  }
0xc7: {  	[spmem:s2] =	stream.indirect.scatter.add.f32 [tilespmem:s13], [sflag:$0x3], $0x80, s23, s12, $0xb8;
	[tilespmem:$0x1E800] =	vst v63  }
0xc8: {  	_ =	swait.ge [sflag:s10], $0x4000  }
0xc9: {  	[sflag:s10] =	ssyncset.done $0x0  }
0xca: {  	s23 =	sadd.s32 $0x100, s22;
	[sflag:s10] =	ssyncadd.s32 $0xFFFFC000  }
0xcb: {  	[tilespmem:s13], [sflag:$0x1] =	stream.indirect.gather [hbm4b:s4+s12], $0x80, s23, s12, $0xb8;
	[tilespmem:$0x1E800] =	vst v63  }
0xcc: {  	_ =	swait.ge [sflag:s16], $0x4000  }
.Ltmp2:
0xcd: {  	[sflag:s16] =	ssyncset.done $0x0;
	(pc) =	sbr.rel @p0 .LBB2_6-.Ltmp2, $4  }
0xce: {  	s22 =	sadd.s32 $0x1480, s22;
	[sflag:s16] =	ssyncadd.s32 $0xFFFFC000  }
0xcf: {  	[spmem:s2] =	stream.indirect.scatter.add.f32 [tilespmem:s14], [sflag:$0x3], $0x80, s22, s12, $0xb8;
	[tilespmem:$0x1E800] =	vst v63  }
0xd0: {  	_ =	swait.ge [sflag:s10], $0x4000  }
0xd1: {  	s23 =	smov.u32 s26;
	s22 =	sshra.s32 s25, $0x2;
	[sflag:s10] =	ssyncset.done $0x0  }
0xd2: {  	s23 =	sadd.s32 $0x80, s22;
	[sflag:s10] =	ssyncadd.s32 $0xFFFFC000  }
0xd3: {  	[tilespmem:s14], [sflag:$0x2] =	stream.indirect.gather [hbm4b:s4+s12], $0x80, s23, s12, $0xb8;
	[tilespmem:$0x1E800] =	vst v63  }
0xd4: {  	_ =	swait.ge [sflag:s15], $0x4000  }
0xd5: {  	[sflag:s15] =	ssyncset.done $0x0  }
0xd6: {  	s26 =	sadd.s32 $0x1400, s22;
	[sflag:s15] =	ssyncadd.s32 $0xFFFFC000  }
0xd7: {  	[spmem:s2] =	stream.indirect.scatter.add.f32 [tilespmem:s13], [sflag:$0x3], $0x80, s26, s12, $0xb8;
	[tilespmem:$0x1E800] =	vst v63  }
0xd8: {  	_ =	swait.ge [sflag:s10], $0x4000  }
0xd9: {  	[sflag:s10] =	ssyncset.done $0x0  }
0xda: {  	s28 =	sadd.s32 $0x100, s22;
	[sflag:s10] =	ssyncadd.s32 $0xFFFFC000  }
0xdb: {  	[tilespmem:s13], [sflag:$0x1] =	stream.indirect.gather [hbm4b:s4+s12], $0x80, s28, s12, $0xb8;
	[tilespmem:$0x1E800] =	vst v63  }
0xdc: {  	_ =	swait.ge [sflag:s16], $0x4000  }
0xdd: {  	[sflag:s16] =	ssyncset.done $0x0  }
0xde: {  	s29 =	sadd.s32 $0x1480, s22;
	[sflag:s16] =	ssyncadd.s32 $0xFFFFC000  }
0xdf: {  	[spmem:s2] =	stream.indirect.scatter.add.f32 [tilespmem:s14], [sflag:$0x3], $0x80, s29, s12, $0xb8;
	[tilespmem:$0x1E800] =	vst v63  }
0xe0: {  	_ =	swait.ge [sflag:s10], $0x4000  }
0xe1: {  	[sflag:s10] =	ssyncset.done $0x0  }
0xe2: {  	[sflag:s10] =	ssyncadd.s32 $0xFFFFC000  }
0xe3: {  	[tilespmem:s14], [sflag:$0x2] =	stream.indirect.gather [hbm4b:s4+s12], $0x80, s17, s12, $0xb8;
	[tilespmem:$0x1E800] =	vst v63  }
0xe4: {  	_ =	swait.ge [sflag:s15], $0x4000  }
0xe5: {  	[sflag:s15] =	ssyncset.done $0x0  }
0xe6: {  	[sflag:s15] =	ssyncadd.s32 $0xFFFFC000  }
0xe7: {  	[spmem:s2] =	stream.indirect.scatter.add.f32 [tilespmem:s13], [sflag:$0x3], $0x80, s18, s12, $0xb8;
	[tilespmem:$0x1E800] =	vst v63  }
0xe8: {  	_ =	swait.ge [sflag:s10], $0x4000  }
0xe9: {  	[sflag:s10] =	ssyncset.done $0x0  }
0xea: {  	[sflag:s10] =	ssyncadd.s32 $0xFFFFC000  }
0xeb: {  	[tilespmem:s13], [sflag:$0x1] =	stream.indirect.gather [hbm4b:s4+s12], $0x80, s17, s12, $0xb8;
	[tilespmem:$0x1E800] =	vst v63  }
0xec: {  	_ =	swait.ge [sflag:s16], $0x4000  }
0xed: {  	[sflag:s16] =	ssyncset.done $0x0  }
0xee: {  	[sflag:s16] =	ssyncadd.s32 $0xFFFFC000  }
0xef: {  	[spmem:s2] =	stream.indirect.scatter.add.f32 [tilespmem:s14], [sflag:$0x3], $0x80, s19, s12, $0xb8;
	[tilespmem:$0x1E800] =	vst v63  }
0xf0: {  	_ =	swait.ge [sflag:s10], $0x4000  }
0xf1: {  	[sflag:s10] =	ssyncset.done $0x0  }
0xf2: {  	[sflag:s10] =	ssyncadd.s32 $0xFFFFC000  }
0xf3: {  	_ =	swait.ge [sflag:s15], $0x4000  }
0xf4: {  	s30 =	sshll.u32 s1, $0x6;
	s3 =	sadd.s32 $0x1, s3;
	[sflag:s15] =	ssyncset.done $0x0  }
0xf5: {  	s31 =	sshrl.u32 s5, $0x3;
	p0 =	sne.s32 s3, s8;
	[sflag:s15] =	ssyncadd.s32 $0xFFFFC000  }
.Ltmp3:
0xf6: {  	s22 =	sor.u32 $0x1C03, s30;
	[bflag:$0x0] =	sbarrier.arrive $0xFFFF;
	(pc) =	sbr.rel @p0 .LBB2_1-.Ltmp3, $4  }
0xf7: {  	[hbm:s21], [sflag:s22] =	dma.local [spmem:s31], $0x2780  }
0xf8: {  	_ =	swait.ge [sflag:s10], $0x2780  }
0xf9: {  	[sflag:s10] =	ssyncset.done $0x0  }
0xfa: {  	[sflag:s10] =	ssyncadd.s32 $0xFFFFD880  }
0xfb: {  	_ =	sfence.sel $0x180000  }
0xfc: {  	[bflag:$0x0] =	sbarrier.arrive $0xFFFF  }
0xfd: {  	p0 =	sne.s32 s1, $0x0;
	_ =	strace $0x9000004D  }
0xfe: {  	s0 =	sadd.s32 @!p0 $0x100000, s0;
	[bflag:$0x2] =	sbarrier.arrive $0xFFFF  }
0xff: {  	[sflag:s0] =	ssyncadd.tile.s32 @!p0 $0x1;
	_ =	shalt  }
.Lfunc_end2:
_tile_overlayer_lowered:
.L_overlay_start_2:
0x100: {  	(tag) =	ssettag $0x2  }
0x101: {  	s0 =	rddreg [dreg:$0x0];
	s2 =	stileid.u32  }
0x102: {  	s1 =	rddreg [dreg:$0x1];
	p0 =	sne.s32 s2, $0x0  }
0x103: {  	s3 =	rddreg [dreg:$0x2];
	[bflag:$0x3] =	sbarrier.arrive $0xFFFF;
	s2 =	simm.s32 @!p0 $0x1C03  }
0x104: {  	[timem:s3], [sflag:s2] =	dma.local @!p0 [hbm:s0], s1  }
0x105: {  	s0 =	simm.s32 @!p0 $0x3  }
0x106: {  	_ =	swait.ge @!p0 [sflag:s0], s1  }
0x107: {  	s1 =	ssub.s32 @!p0 $0x0, s1;
	[sflag:s0] =	ssyncset.done @!p0 $0x0  }
0x108: {  	[sflag:s0] =	ssyncadd.s32 @!p0 s1  }
0x109: {  	[bflag:$0x3] =	sbarrier.arrive $0xFFFF  }
0x10a: {  	_ =	shalt  }

// kernel: kernel.8.cloned.1.call-start
scs
__scs_entry_jumppad:
0x0: {  	(pc) =	sbr.rel $0x88, $3  }
0x1: {  	(tag) =	ssettag $0x0;
	lr =	simm.s32 $0x1  }
0x2: {  	[smem:$0x3F9B] =	sst lr;
	_ =	strace $0xD0000000  }
0x3: {  	_ = 	snop  }
0x4: {  	_ = 	snop  }
0x5: {  	_ = 	snop  }
0x6: {  	_ = 	snop  }
0x7: {  	_ = 	snop  }
__scs_overlays_trampoline_lowered:
0x8: {  	[smem:$0x3FAA] =	sst s0  }
0x9: {  	[smem:$0x3FAB] =	sst s1  }
0xa: {  	[smem:$0x3FAC] =	sst s2  }
0xb: {  	[smem:$0x3FAD] =	sst s3  }
0xc: {  	[smem:$0x3FAE] =	sst s4  }
0xd: {  	[smem:$0x3FAF] =	sst s5  }
0xe: {  	[smem:$0x3FB0] =	sst s6  }
0xf: {  	[smem:$0x3FB1] =	sst s7  }
0x10: {  	[smem:$0x3FB2] =	sst s8  }
0x11: {  	[smem:$0x3FB3] =	sst s9;
	s0 =	simm.s32 @!p0 $0x0  }
0x12: {  	s1 =	sld [smem:$0x3F99];
	s0 =	simm.s32 @p0 $0x1  }
0x13: {  	[smem:$0x3FB4] =	sst s0;
	s0 =	simm.s32 @!p1 $0x0  }
0x14: {  	s2 =	sld [smem:$0x3F98];
	s0 =	simm.s32 @p1 $0x1  }
0x15: {  	[smem:$0x3FB5] =	sst s0;
	s0 =	simm.s32 @!p2 $0x0  }
0x16: {  	s3 =	sld [smem:$0x3FDB];
	s0 =	simm.s32 @p2 $0x1  }
0x17: {  	s4 =	simm.s32 $0x1BF5;
	[smem:$0x3FB7] =	sst s0  }
0x18: {  	s0 =	sld [smem:$0x3F9A];
	_ =	swait.ge [sflag:s4], $0x0  }
0x19: {  	s7 =	sld [smem:$0x3F9B]  }
0x1a: {  	s8 =	sadd.s32 $0xFFFFE003, lr  }
0x1b: {  	s9 =	sadd.s32 $0xFFFFFEF7, lr;
	s5 =	simm.s32 $0xFFFFFFFF;
	p2 =	slt.u32 s8, $0xFFFFF086  }
0x1c: {  	p1 =	slt.u32 s9, $0xF7A;
	s5 =	simm.s32 @!p2 $0x0  }
0x1d: {  	s5 =	simm.s32 @p1 $0x1;
	p0 =	seq.s32 s7, s2  }
0x1e: {  	s7 =	smul.u32 @!p0 $0xF7A, s2;
	p2 =	seq.s32 @!p0 s5, $0x0  }
0x1f: {  	s9 =	smul.u32 $0xF7A, s1;
	s8 =	simm.s32 @!p0 $0x1BF5;
	p2 =	por !p2, p0  }
0x20: {  	[sflag:s8] =	ssyncset.s32 @!p0 $0xFFFFF086;
	s6 =	sadd.s32 @!p0 s3, s7;
	s7 =	simm.s32 @!p0 $0x108  }
0x21: {  	s3 =	sadd.s32 s3, s9;
	s6 =	sadd.s32 @!p0 $0x88, s6;
	s7 =	simm.s32 @p2 $0x1082  }
0x22: {  	[simem:s7], [sflag:s8] =	dma.local @!p0 [hbm:s6], $0xF7A  }
0x23: {  	s9 =	sor.u32 $0xD0000000, s2;
	s6 =	simm.s32 $0x108;
	_ =	swait.ge @!p0 [sflag:s8], $0x0  }
0x24: {  	s3 =	sadd.s32 $0x88, s3;
	s6 =	simm.s32 @!p1 $0x1082;
	[sflag:s4] =	ssyncset.s32 $0xFFFFF086  }
0x25: {  	[simem:s6], [sflag:s4] =	dma.local [hbm:s3], $0xF7A  }
0x26: {  	[smem:$0x3F9B] =	sst s1;
	(tag) =	ssettag s2;
	_ =	strace s9  }
0x27: {  	s1 =	sld [smem:$0x3FAB]  }
0x28: {  	s2 =	sld [smem:$0x3FAC]  }
0x29: {  	s4 =	sld [smem:$0x3FAE]  }
0x2a: {  	p0 =	seq.s32 s5, $0x0;
	s5 =	sld [smem:$0x3FAF]  }
0x2b: {  	s6 =	sld [smem:$0x3FB0]  }
0x2c: {  	s7 =	sld [smem:$0x3FB1]  }
0x2d: {  	s3 =	simm.s32 $0x108;
	s8 =	sld [smem:$0x3FB2]  }
0x2e: {  	s3 =	simm.s32 @!p0 $0x1082;
	s9 =	sld [smem:$0x3FB3]  }
0x2f: {  	lr =	sadd.s32 s0, s3;
	s0 =	sld [smem:$0x3FAA]  }
0x30: {  	s3 =	sld [smem:$0x3FAD]  }
0x31: {  	[smem:$0x3FB6] =	sst s10  }
0x32: {  	s10 =	sld [smem:$0x3FB4];
	_ =	sdelay $0x3  }
0x33: {  	p0 =	seq.s32 s10, $0x1;
	s10 =	sld [smem:$0x3FB6];
	_ =	sdelay $0x3  }
0x34: {  	[smem:$0x3FB6] =	sst s10  }
0x35: {  	s10 =	sld [smem:$0x3FB5];
	_ =	sdelay $0x3  }
0x36: {  	p1 =	seq.s32 s10, $0x1;
	s10 =	sld [smem:$0x3FB6];
	_ =	sdelay $0x3  }
0x37: {  	[smem:$0x3FB6] =	sst s10  }
0x38: {  	s10 =	sld [smem:$0x3FB7]  }
0x39: {  	_ = 	snop;
	(pc) =	sbr.ind lr, $3  }
0x3a: {  	_ = 	snop  }
0x3b: {  	_ = 	snop  }
0x3c: {  	p2 =	seq.s32 s10, $0x1;
	s10 =	sld [smem:$0x3FB6]  }
0x3d: {  	_ =	shalt  }
0x3e: {  	_ =	shalt  }
0x3f: {  	_ =	shalt  }
0x40: {  	_ =	shalt  }
0x41: {  	_ =	shalt  }
0x42: {  	_ =	shalt  }
0x43: {  	_ =	shalt  }
0x44: {  	_ =	shalt  }
0x45: {  	_ =	shalt  }
0x46: {  	_ =	shalt  }
0x47: {  	_ =	shalt  }
0x48: {  	_ =	shalt  }
0x49: {  	_ =	shalt  }
0x4a: {  	_ =	shalt  }
0x4b: {  	_ =	shalt  }
0x4c: {  	_ =	shalt  }
0x4d: {  	_ =	shalt  }
0x4e: {  	_ =	shalt  }
0x4f: {  	_ =	shalt  }
0x50: {  	_ =	shalt  }
0x51: {  	_ =	shalt  }
0x52: {  	_ =	shalt  }
0x53: {  	_ =	shalt  }
0x54: {  	_ =	shalt  }
0x55: {  	_ =	shalt  }
0x56: {  	_ =	shalt  }
0x57: {  	_ =	shalt  }
0x58: {  	_ =	shalt  }
0x59: {  	_ =	shalt  }
0x5a: {  	_ =	shalt  }
0x5b: {  	_ =	shalt  }
0x5c: {  	_ =	shalt  }
0x5d: {  	_ =	shalt  }
0x5e: {  	_ =	shalt  }
0x5f: {  	_ =	shalt  }
0x60: {  	_ =	shalt  }
0x61: {  	_ =	shalt  }
0x62: {  	_ =	shalt  }
0x63: {  	_ =	shalt  }
0x64: {  	_ =	shalt  }
0x65: {  	_ =	shalt  }
0x66: {  	_ =	shalt  }
0x67: {  	_ =	shalt  }
0x68: {  	_ =	shalt  }
0x69: {  	_ =	shalt  }
0x6a: {  	_ =	shalt  }
0x6b: {  	_ =	shalt  }
0x6c: {  	_ =	shalt  }
0x6d: {  	_ =	shalt  }
0x6e: {  	_ =	shalt  }
0x6f: {  	_ =	shalt  }
0x70: {  	_ =	shalt  }
0x71: {  	_ =	shalt  }
0x72: {  	_ =	shalt  }
0x73: {  	_ =	shalt  }
0x74: {  	_ =	shalt  }
0x75: {  	_ =	shalt  }
0x76: {  	_ =	shalt  }
0x77: {  	_ =	shalt  }
0x78: {  	_ =	shalt  }
0x79: {  	_ =	shalt  }
0x7a: {  	_ =	shalt  }
0x7b: {  	_ =	shalt  }
0x7c: {  	_ =	shalt  }
0x7d: {  	_ =	shalt  }
0x7e: {  	_ =	shalt  }
0x7f: {  	_ =	shalt  }
0x80: {  	_ =	shalt  }
0x81: {  	_ =	shalt  }
0x82: {  	_ =	shalt  }
0x83: {  	_ =	shalt  }
0x84: {  	_ =	shalt  }
0x85: {  	_ =	shalt  }
0x86: {  	_ =	shalt  }
0x87: {  	_ =	shalt  }
.Lfunc_end0:
.L_simem_size_0:
called_computation_lowered:
.L_overlay_start_0:
0x88: {  	s2 =	sld [smem:$0x3FD9]  }
0x89: {  	s3 =	sld [smem:$0x3FFE];
	_ =	sdelay $0x1  }
0x8a: {  	s1 =	srdreg.scid  }
0x8b: {  	s0 =	sand.u32 $0x1, s1  }
0x8c: {  	s16 =	sshll.u32 s0, $0xA;
	s2 =	sadd.s32 s3, s2  }
0x8d: {  	s2 =	sadd.s32 s2, s16  }
0x8e: {  	[smem:$0x3FC2] =	sst s2  }
0x8f: {  	_ = 	snop  }
0x90: {  	(tm) =	ssettm $0x1  }
0x91: {  	s17 =	sld [smem:$0x3FFB];
	_ =	sdelay $0x3  }
0x92: {  	_ =	strace s17  }
0x93: {  	s2 =	sld [smem:$0x3FFC];
	_ =	sdelay $0x3  }
0x94: {  	_ =	strace s2  }
0x95: {  	s2 =	sld [smem:$0x3FFD];
	_ =	sdelay $0x3  }
0x96: {  	_ =	strace s2  }
0x97: {  	_ =	strace $0x8FFFFFFF  }
0x98: {  	s18 =	sld [smem:$0x3FDB];
	_ =	sdelay $0x1  }
0x99: {  	s19 =	simm.s32 $_scs_section_size  }
0x9a: {  	s4 =	simm.s32 $_size__tile_overlayer_lowered;
	s5 =	simm.s32 $_tile_overlayer_lowered  }
0x9b: {  	s22 =	simm.s32 $0x1BFF;
	s21 =	sshll.u32 s5, $0x1;
	s2 =	sadd.s32 s19, s18  }
0x9c: {  	s6 =	simm.s32 $0x0;
	s20 =	sshll.u32 s4, $0x1;
	s4 =	sadd.s32 s21, s2  }
0x9d: {  	[timem:s6], [sflag:s22] =	dma.local [hbm:s4], s20  }
0x9e: {  	_ =	swait.ge [sflag:s22], s20  }
0x9f: {  	s3 =	ssub.s32 $0x0, s20;
	[sflag:s22] =	ssyncset.done $0x0  }
0xa0: {  	[sflag:s22] =	ssyncadd.s32 s3;
	_ =	sdelay $0x1  }
0xa1: {  	s23 =	simm.s32 $0x1B8B  }
0xa2: {  	_ =	swait.ge [sflag:s23], $0x1  }
0xa3: {  	[sflag:s23] =	ssyncset.done $0x0  }
0xa4: {  	s25 =	simm.s32 $0x1B8E;
	s24 =	sld [smem:$0x3FFE];
	[sflag:s23] =	ssyncadd.s32 $0xFFFFFFFF  }
0xa5: {  	s26 =	simm.s32 $execute0_lowered;
	[smem:$0x3FD2] =	sst s25  }
0xa6: {  	s4 =	sshll.u32 s26, $0x1;
	_ =	strace $0x80000046;
	[dreg:$0x1] =	wrdreg $0xFFFFFFFF  }
0xa7: {  	s28 =	simm.s32 $_size_execute0_lowered;
	s2 =	sadd.s32 s2, s4;
	[dreg:$0x0] =	wrdreg $0x0  }
0xa8: {  	s4 =	sshll.u32 s28, $0x1;
	[dreg:$0x2] =	wrdreg s2  }
0xa9: {  	[dreg:$0x3] =	wrdreg s4  }
0xaa: {  	[dreg:$0x4] =	wrdreg $0xC0  }
0xab: {  	_ =	task [dreg:s6], $0x5FFFF  }
0xac: {  	[dreg:$0x1] =	wrdreg $0xFFFFFFFF  }
0xad: {  	[dreg:$0x0] =	wrdreg $0x60  }
0xae: {  	[dreg:$0x2] =	wrdreg s24  }
0xaf: {  	[dreg:$0x3] =	wrdreg $0x2B000  }
0xb0: {  	[dreg:$0x4] =	wrdreg $0x9  }
0xb1: {  	_ =	task.clear_ibuf [dreg:s6], $0x5FFFF;
	_ =	strace $0x90000046  }
0xb2: {  	s29 =	simm.s32 $0x9;
	_ =	strace $0x80000048  }
0xb3: {  	_ =	swait.ge [sflag:s29], $0x1  }
0xb4: {  	[sflag:s29] =	ssyncadd.s32 $0xFFFFFFFF  }
0xb5: {  	_ =	strace $0x90000048  }
0xb6: {  	_ =	sfence  }
0xb7: {  	s30 =	sld [smem:$0x0];
	_ =	sdelay $0x2  }
0xb8: {  	s31 =	sshll.u32 s1, $0xD;
	s1 =	sshrl.u32 s1, $0x2  }
0xb9: {  	s3 =	sand.u32 $0x4000, s31;
	s1 =	sadd.s32 s1, s30  }
0xba: {  	s0 =	sor.u32 s3, s0;
	s1 =	sshll.u32 s1, $0x11  }
0xbb: {  	s0 =	sor.u32 s1, s0  }
0xbc: {  	s0 =	sadd.s32 $0x8F2B, s0  }
0xbd: {  	[sflag:s0] =	ssyncadd.remote.s32 $0x1  }
0xbe: {  	_ =	sfence.sel $0xFFFF  }
0xbf: {  	[dreg:$0x0] =	wrdreg $0xFFFFFFFF;
	(pc) =	sbr.abs _section_cstart, $3  }
0xc0: {  	[dreg:$0x1] =	wrdreg $0xFFFFFFFF  }
0xc1: {  	_ =	task.clear_ibuf [dreg:s6], $0x2FFFF;
	_ =	strace $0x9FFFFFFF  }
0xc2: {  	(tm) =	ssettm $0x7FFFFFFF  }
0xc3: {  	_ =	shalt  }
tec
execute0_lowered:
.L_overlay_start_1:
0x0: {  	(tag) =	ssettag $0x1  }
0x1: {  	s5 =	rddreg [dreg:$0x0]  }
0x2: {  	s2 =	rddreg [dreg:$0x1]  }
0x3: {  	s0 =	srdreg.scid;
	s1 =	rddreg [dreg:$0x2];
	s3 =	simm.s32 $0x0  }
0x4: {  	s10 =	simm.s32 $0x2800;
	s14 =	simm.s32 $0x20;
	s15 =	simm.s32 $0x10  }
0x5: {  	s16 =	simm.s32 $0x0;
	s4 =	sand.u32 $0x1, s0;
	s0 =	stileid.u32  }
0x6: {  	[smem:$0x7FF] =	sst s3;
	s6 =	sshll.u32 s4, $0x4;
	s8 =	smul.u32 $0xA00, s0  }
0x7: {  	_ =	strace $0x80000047;
	s4 =	ssub.s32 $0x2, s4;
	s12 =	smul.u32 $0xA0, s0  }
0x8: {  	s13 =	sshll.u32 s0, $0x6;
	s7 =	sor.u32 s0, s6;
	s9 =	sshrl.u32 s4, $0x1  }
0x9: {  	s6 =	sadd.s32 s6, s5;
	s7 =	smul.u32 $0x500, s7;
	s8 =	sshrl.u32 s8, $0x2  }
0xa: {  	s9 =	ssub.s32 s4, s9;
	s11 =	sadd.s32 $0xC200, s6;
	s4 =	sadd.s32 s8, s2  }
0xb: {  	s6 =	smax.u32 s9, $0x1;
	s8 =	simm.s32 $0x1;
	s9 =	simm.s32 $0x80  }
0xc: {  	s11 =	sadd.s32 s12, s11;
	s12 =	sor.u32 $0x1C01, s13;
	s7 =	sadd.s32 s7, s5  }
0xd: {  	v0 =	vimm.f32 $1.000000000e+00;
	v1 =	vimm.f32 $0.0e+00;
	s13 =	sshrl.u32 s4, $0x3;
	s5 =	sadd.s32 $0x2200, s7;
	s7 =	simm.s32 $0x2880  }
.LBB2_1:
0xe: {  	[tilespmem:$0x2800] =	vst v0  }
0xf: {  	[tilespmem:$0x2810] =	vst v0  }
0x10: {  	[tilespmem:$0x2820] =	vst v0  }
0x11: {  	[tilespmem:$0x2830] =	vst v0  }
0x12: {  	[tilespmem:$0x2840] =	vst v0  }
0x13: {  	[tilespmem:$0x2850] =	vst v0  }
0x14: {  	[tilespmem:$0x2860] =	vst v0  }
0x15: {  	[tilespmem:$0x2870] =	vst v0  }
0x16: {  	[tilespmem:$0x2880] =	vst v1  }
0x17: {  	[tilespmem:$0x2890] =	vst v1  }
0x18: {  	[tilespmem:$0x28A0] =	vst v1  }
0x19: {  	[tilespmem:$0x28B0] =	vst v1  }
0x1a: {  	[tilespmem:$0x28C0] =	vst v1  }
0x1b: {  	[tilespmem:$0x28D0] =	vst v1  }
0x1c: {  	[tilespmem:$0x28E0] =	vst v1  }
0x1d: {  	[tilespmem:$0x28F0] =	vst v1  }
0x1e: {  	[tilespmem:$0x2900] =	vst v1  }
0x1f: {  	[tilespmem:$0x2910] =	vst v1  }
0x20: {  	[tilespmem:$0x2920] =	vst v1  }
0x21: {  	[tilespmem:$0x2930] =	vst v1  }
0x22: {  	[tilespmem:$0x2940] =	vst v1  }
0x23: {  	[tilespmem:$0x2950] =	vst v1  }
0x24: {  	[tilespmem:$0x2960] =	vst v1  }
0x25: {  	[tilespmem:$0x2970] =	vst v1  }
0x26: {  	[tilespmem:$0x2980] =	vst v1  }
0x27: {  	[tilespmem:$0x2990] =	vst v1  }
0x28: {  	[tilespmem:$0x29A0] =	vst v1  }
0x29: {  	[tilespmem:$0x29B0] =	vst v1  }
0x2a: {  	[tilespmem:$0x29C0] =	vst v1  }
0x2b: {  	[tilespmem:$0x29D0] =	vst v1  }
0x2c: {  	[tilespmem:$0x29E0] =	vst v1  }
0x2d: {  	[tilespmem:$0x29F0] =	vst v1  }
0x2e: {  	[tilespmem:$0x2A00] =	vst v1  }
0x2f: {  	[tilespmem:$0x2A10] =	vst v1  }
0x30: {  	[tilespmem:$0x2A20] =	vst v1  }
0x31: {  	[tilespmem:$0x2A30] =	vst v1  }
0x32: {  	[tilespmem:$0x2A40] =	vst v1  }
0x33: {  	[tilespmem:$0x2A50] =	vst v1  }
0x34: {  	[tilespmem:$0x2A60] =	vst v1  }
0x35: {  	[tilespmem:$0x2A70] =	vst v1  }
0x36: {  	[tilespmem:$0x2A80] =	vst v1  }
0x37: {  	[tilespmem:$0x2A90] =	vst v1  }
0x38: {  	[tilespmem:$0x2AA0] =	vst v1  }
0x39: {  	[tilespmem:$0x2AB0] =	vst v1  }
0x3a: {  	[tilespmem:$0x2AC0] =	vst v1  }
0x3b: {  	[tilespmem:$0x2AD0] =	vst v1  }
0x3c: {  	[tilespmem:$0x2AE0] =	vst v1  }
0x3d: {  	[tilespmem:$0x2AF0] =	vst v1  }
0x3e: {  	[spmem:s4] =	stream.linear.scatter [tilespmem:s7], [sflag:$0x1], $0x280, $0x38;
	[tilespmem:$0x2D80] =	vst v63  }
0x3f: {  	_ =	swait.ge [sflag:s8], $0x280  }
0x40: {  	[sflag:s8] =	ssyncset.done $0x0  }
0x41: {  	[sflag:s8] =	ssyncadd.s32 $0xFFFFFD80  }
0x42: {  	[bflag:$0x0] =	sbarrier.arrive $0xFFFF  }
0x43: {  	[tilespmem:s3], [sflag:$0x1] =	stream.linear.gather [hbm4b:s5+s3], $0x2800, $0x38;
	[tilespmem:$0x2D80] =	vst v63  }
0x44: {  	_ =	swait.ge [sflag:s8], $0x2800  }
0x45: {  	[sflag:s8] =	ssyncset.done $0x0  }
0x46: {  	s17 =	simm.s32 $0x0;
	[sflag:s8] =	ssyncadd.s32 $0xFFFFD800  }
0x47: {  	[spmem:s2] =	stream.indirect.scatter.add.f32 [tilespmem:s10], [sflag:$0x1], $0x1, s17, s9, $0xb8;
	[tilespmem:$0x2D80] =	vst v63  }
0x48: {  	_ =	swait.ge [sflag:s8], $0x80  }
0x49: {  	s17 =	simm.s32 $0x200;
	[sflag:s8] =	ssyncset.done $0x0  }
.LBB2_2:
0x4a: {  	s18 =	sshra.s32 s17, $0x2;
	[sflag:s8] =	ssyncadd.s32 $0xFFFFFF80;
	p0 =	sne.s32 s17, $0x9E00  }
0x4b: {  	[spmem:s2] =	stream.indirect.scatter.add.f32 [tilespmem:s10], [sflag:$0x1], $0x1, s18, s9, $0xb8;
	[tilespmem:$0x2D80] =	vst v63  }
.Ltmp0:
0x4c: {  	_ = 	snop;
	(pc) =	sbr.rel @p0 .LBB2_2-.Ltmp0, $4  }
0x4d: {  	_ = 	snop  }
0x4e: {  	s17 =	sadd.s32 $0x200, s17  }
0x4f: {  	_ =	swait.ge [sflag:s8], $0x80  }
0x50: {  	[sflag:s8] =	ssyncset.done $0x0  }
0x51: {  	s16 =	sadd.s32 $0x1, s16  }
0x52: {  	[sflag:s8] =	ssyncadd.s32 $0xFFFFFF80;
	p0 =	sne.s32 s16, s6  }
.Ltmp1:
0x53: {  	[bflag:$0x0] =	sbarrier.arrive $0xFFFF;
	(pc) =	sbr.rel @p0 .LBB2_1-.Ltmp1, $4  }
0x54: {  	[hbm:s11@s14], [sflag:s12] =	dma.strided [spmem:s13@s15], $0x50, s8, $0x10   }
0x55: {  	_ =	swait.ge [sflag:s8], $0x50  }
0x56: {  	[sflag:s8] =	ssyncset.done $0x0  }
0x57: {  	[sflag:s8] =	ssyncadd.s32 $0xFFFFFFB0  }
0x58: {  	_ =	sfence.sel $0x180000  }
0x59: {  	[bflag:$0x0] =	sbarrier.arrive $0xFFFF  }
0x5a: {  	p0 =	sne.s32 s0, $0x0;
	_ =	strace $0x90000047  }
0x5b: {  	s0 =	sadd.s32 @!p0 $0x100000, s1;
	[bflag:$0x2] =	sbarrier.arrive $0xFFFF  }
0x5c: {  	[sflag:s0] =	ssyncadd.tile.s32 @!p0 $0x1;
	_ =	shalt  }
.Lfunc_end2:
_tile_overlayer_lowered:
.L_overlay_start_2:
0x5d: {  	(tag) =	ssettag $0x2  }
0x5e: {  	s0 =	rddreg [dreg:$0x0];
	s2 =	stileid.u32  }
0x5f: {  	s1 =	rddreg [dreg:$0x1];
	p0 =	sne.s32 s2, $0x0  }
0x60: {  	s3 =	rddreg [dreg:$0x2];
	[bflag:$0x3] =	sbarrier.arrive $0xFFFF;
	s2 =	simm.s32 @!p0 $0x1C01  }
0x61: {  	[timem:s3], [sflag:s2] =	dma.local @!p0 [hbm:s0], s1  }
0x62: {  	s0 =	simm.s32 @!p0 $0x1  }
0x63: {  	_ =	swait.ge @!p0 [sflag:s0], s1  }
0x64: {  	s1 =	ssub.s32 @!p0 $0x0, s1;
	[sflag:s0] =	ssyncset.done @!p0 $0x0  }
0x65: {  	[sflag:s0] =	ssyncadd.s32 @!p0 s1  }
0x66: {  	[bflag:$0x3] =	sbarrier.arrive $0xFFFF  }
0x67: {  	_ =	shalt  }

</sc_bundles>
